<compile_context>
chip_gen: v7x
topology: tpu7x:2x2x1
jax: 0.10.2.dev20260603
libtpu: 0.0.44.dev20260713+nightly
codegen_flags: <defaults>
</compile_context>

<pallas_src>
import functools

import jax
import jax.numpy as jnp
from jax import lax
from jax.experimental import pallas as pl
from jax.experimental.pallas import tpu as pltpu
from jax.experimental.pallas import tpu_sc as plsc

_LANES = 16
_NUM_WORKERS = 32
_CHUNK_ROWS = 16
_NBUF = 4


def _sc_body(nchunks, cs, d_model, batch, x_hbm, pos_hbm, out_hbm, *scr):
    xbufs = scr[0:_NBUF]
    pbufs = scr[_NBUF:_NBUF + 2]
    in_sems = scr[_NBUF + 2:2 * _NBUF + 2]
    out_sems = scr[2 * _NBUF + 2:3 * _NBUF + 2]
    pos_sems = scr[3 * _NBUF + 2:3 * _NBUF + 4]

    nc = lax.axis_size("c")
    wid = lax.axis_index("s") * nc + lax.axis_index("c")
    row0 = wid * (nchunks * cs)
    nsteps = nchunks * batch

    def x_in(g, buf, sem):
        c = g // batch
        b = g % batch
        return pltpu.make_async_copy(
            x_hbm.at[b, pl.ds(row0 + c * cs, cs), :], buf, sem)

    def x_out(g, buf, sem):
        c = g // batch
        b = g % batch
        return pltpu.make_async_copy(
            buf, out_hbm.at[b, pl.ds(row0 + c * cs, cs), :], sem)

    def pos_in(c, buf, sem):
        return pltpu.make_async_copy(
            pos_hbm.at[pl.ds(row0 + c * cs, cs), :], buf, sem)

    lanes_per_row = d_model // _LANES

    def add_chunk(xb, pb):
        @plsc.parallel_loop(0, cs * lanes_per_row, unroll=16)
        def lane_step(i):
            r = i // lanes_per_row
            sl = pl.ds((i % lanes_per_row) * _LANES, _LANES)
            xb[r, sl] = xb[r, sl] + pb[r, sl]

    def step(c, b, pbuf):
        g = c * batch + b
        nxt = (b + 2) % _NBUF
        @pl.when(g >= 2)
        def _():
            x_out(g, xbufs[nxt], out_sems[nxt]).wait()

        @pl.when(g + 2 < nsteps)
        def _():
            x_in(g + 2, xbufs[nxt], in_sems[nxt]).start()

        x_in(g, xbufs[b], in_sems[b]).wait()
        add_chunk(xbufs[b], pbuf)
        x_out(g, xbufs[b], out_sems[b]).start()

    pos_in(0, pbufs[0], pos_sems[0]).start()
    pos_in(1, pbufs[1], pos_sems[1]).start()
    x_in(0, xbufs[0], in_sems[0]).start()
    x_in(1, xbufs[1], in_sems[1]).start()

    def body(cc, _):
        c0 = 2 * cc
        c1 = c0 + 1
        pos_in(0, pbufs[0], pos_sems[0]).wait()
        for b in range(batch):
            step(c0, b, pbufs[0])
        @pl.when(c0 + 2 < nchunks)
        def _():
            pos_in(c0 + 2, pbufs[0], pos_sems[0]).start()

        pos_in(0, pbufs[1], pos_sems[1]).wait()
        for b in range(batch):
            step(c1, b, pbufs[1])
        @pl.when(c1 + 2 < nchunks)
        def _():
            pos_in(c1 + 2, pbufs[1], pos_sems[1]).start()
        return 0

    lax.fori_loop(0, nchunks // 2, body, 0)

    for k in ((nsteps - 2) % _NBUF, (nsteps - 1) % _NBUF):
        x_out(0, xbufs[k], out_sems[k]).wait()


def kernel(x, pos_table):
    batch, seq_len, d_model = x.shape
    assert seq_len % (_NUM_WORKERS * _CHUNK_ROWS * 2) == 0
    assert d_model % 128 == 0
    assert batch == _NBUF
    s_per_w = seq_len // _NUM_WORKERS
    nchunks = s_per_w // _CHUNK_ROWS

    pos = pos_table[:seq_len]

    mesh = plsc.VectorSubcoreMesh(core_axis_name="c", subcore_axis_name="s")
    run = pl.kernel(
        functools.partial(_sc_body, nchunks, _CHUNK_ROWS, d_model, batch),
        out_type=jax.ShapeDtypeStruct((batch, seq_len, d_model), x.dtype),
        mesh=mesh,
        compiler_params=pltpu.CompilerParams(use_tc_tiling_on_sc=True),
        scratch_types=(
            [pltpu.VMEM((_CHUNK_ROWS, d_model), jnp.float32)] * _NBUF
            + [pltpu.VMEM((_CHUNK_ROWS, d_model), jnp.float32)] * 2
            + [pltpu.SemaphoreType.DMA] * (2 * _NBUF + 2)
        ),
    )
    return run(x, pos)

# --- scband reference (transcript-rebuilt; emitter-appended) ---
"""Pipeline reference for scband-learnable-positional-encoding-15564961480739 (READ-ONLY COPY).

The authoritative reference and input builder live on the scoring server;
editing this copy changes nothing except your own understanding.
"""

import jax, jax.numpy as jnp
import numpy as np

MAX_LEN = 8192
D_MODEL = 1024
BATCH = 4
SEQ_LEN = 8192


def setup_inputs(seed: int = 0) -> dict:
    key = jax.random.key(seed)
    kx, kw = jax.random.split(key)
    x = jax.random.normal(kx, (BATCH, SEQ_LEN, D_MODEL), dtype=jnp.float32)
    # nn.Embedding default init: N(0, 1)
    pos_table = jax.random.normal(kw, (MAX_LEN, D_MODEL), dtype=jnp.float32)
    return {"x": x, "pos_table": pos_table}


def reference(x, pos_table):
    batch_size, seq_len, d_model = x.shape
    positions = jnp.broadcast_to(jnp.arange(seq_len)[None, :], (batch_size, seq_len))
    pos_enc = jnp.take(pos_table, positions, axis=0)  # (B, S, D) gather
    return x + pos_enc

if __name__ == "__main__":
    import jax
    _d = setup_inputs()
    print(jax.jit(kernel)(*tuple(_d.values())))

</pallas_src>

<mosaic_0001>
#map = affine_map<(d0, d1) -> (0, 0, 0)>
#map1 = affine_map<(d0, d1) -> (0, 0)>
module attributes {stable_mosaic.version = 14 : i64} {
  func.func @_sc_body(%arg0: i32, %arg1: i32, %arg2: memref<4x8192x1024xf32, #tpu.memory_space<hbm>>, %arg3: memref<8192x1024xf32, #tpu.memory_space<hbm>>, %arg4: memref<4x8192x1024xf32, #tpu.memory_space<hbm>>, %arg5: memref<16x1024xf32, #tpu.memory_space<vmem>>, %arg6: memref<16x1024xf32, #tpu.memory_space<vmem>>, %arg7: memref<16x1024xf32, #tpu.memory_space<vmem>>, %arg8: memref<16x1024xf32, #tpu.memory_space<vmem>>, %arg9: memref<16x1024xf32, #tpu.memory_space<vmem>>, %arg10: memref<16x1024xf32, #tpu.memory_space<vmem>>, %arg11: memref<!tpu.dma_semaphore, #tpu.memory_space<semaphore_mem>>, %arg12: memref<!tpu.dma_semaphore, #tpu.memory_space<semaphore_mem>>, %arg13: memref<!tpu.dma_semaphore, #tpu.memory_space<semaphore_mem>>, %arg14: memref<!tpu.dma_semaphore, #tpu.memory_space<semaphore_mem>>, %arg15: memref<!tpu.dma_semaphore, #tpu.memory_space<semaphore_mem>>, %arg16: memref<!tpu.dma_semaphore, #tpu.memory_space<semaphore_mem>>, %arg17: memref<!tpu.dma_semaphore, #tpu.memory_space<semaphore_mem>>, %arg18: memref<!tpu.dma_semaphore, #tpu.memory_space<semaphore_mem>>, %arg19: memref<!tpu.dma_semaphore, #tpu.memory_space<semaphore_mem>>, %arg20: memref<!tpu.dma_semaphore, #tpu.memory_space<semaphore_mem>>) attributes {dimension_semantics = [#tpu.dimension_semantics<core_parallel>, #tpu.dimension_semantics<subcore_parallel>], iteration_bounds = array<i64: 2, 16>, scalar_prefetch = 0 : i64, scratch_operands = 16 : i64, tpu.core_type = #tpu.core_type<sc_vector_subcore>, window_params = [{transform_indices = #map}, {transform_indices = #map1}, {transform_indices = #map}]} {
    %mul3A = arith.constant 2 : i32
    %mul3A_0 = arith.muli %arg1, %mul3A : i32
    %add3A = arith.addi %mul3A_0, %arg0 : i32
    %mul3A_1 = arith.constant 256 : i32
    %mul3A_2 = arith.muli %add3A, %mul3A_1 : i32
    %add3A_3 = arith.constant 0 : i32
    %add3A_4 = arith.addi %mul3A_2, %add3A_3 : i32
    %dma_start3A = arith.constant 0 : i32
    %dma_start3A_5 = tpu.memref_slice %arg3[%add3A_4, %dma_start3A] : memref<8192x1024xf32, #tpu.memory_space<hbm>> -> memref<16x1024xf32, #tpu.memory_space<hbm>>
    %dma_start3A_6 = arith.constant 0 : i32
    %dma_start3A_7 = tpu.memref_slice %arg3[%add3A_4, %dma_start3A_6] : memref<8192x1024xf32, #tpu.memory_space<hbm>> -> memref<16x1024xf32, #tpu.memory_space<hbm>>
    tpu.enqueue_dma source(%dma_start3A_7 : memref<16x1024xf32, #tpu.memory_space<hbm>>) target(%arg9 : memref<16x1024xf32, #tpu.memory_space<vmem>>) target_semaphore(%arg19 : memref<!tpu.dma_semaphore, #tpu.memory_space<semaphore_mem>>)
    %add3A_8 = arith.constant 16 : i32
    %add3A_9 = arith.addi %mul3A_2, %add3A_8 : i32
    %dma_start3A_10 = arith.constant 0 : i32
    %dma_start3A_11 = tpu.memref_slice %arg3[%add3A_9, %dma_start3A_10] : memref<8192x1024xf32, #tpu.memory_space<hbm>> -> memref<16x1024xf32, #tpu.memory_space<hbm>>
    %dma_start3A_12 = arith.constant 0 : i32
    %dma_start3A_13 = tpu.memref_slice %arg3[%add3A_9, %dma_start3A_12] : memref<8192x1024xf32, #tpu.memory_space<hbm>> -> memref<16x1024xf32, #tpu.memory_space<hbm>>
    tpu.enqueue_dma source(%dma_start3A_13 : memref<16x1024xf32, #tpu.memory_space<hbm>>) target(%arg10 : memref<16x1024xf32, #tpu.memory_space<vmem>>) target_semaphore(%arg20 : memref<!tpu.dma_semaphore, #tpu.memory_space<semaphore_mem>>)
    %add3A_14 = arith.constant 0 : i32
    %add3A_15 = arith.addi %mul3A_2, %add3A_14 : i32
    %dma_start3A_16 = arith.constant 0 : i32
    %dma_start3A_17 = arith.constant 0 : i32
    %dma_start3A_18 = tpu.memref_slice %arg2[%dma_start3A_16, %add3A_15, %dma_start3A_17] : memref<4x8192x1024xf32, #tpu.memory_space<hbm>> -> memref<1x16x1024xf32, #tpu.memory_space<hbm>>
    %dma_start3A_19 = tpu.memref_squeeze %dma_start3A_18 : memref<1x16x1024xf32, #tpu.memory_space<hbm>> -> memref<16x1024xf32, #tpu.memory_space<hbm>>
    %dma_start3A_20 = arith.constant 0 : i32
    %dma_start3A_21 = tpu.memref_slice %arg2[%dma_start3A_16, %add3A_15, %dma_start3A_20] : memref<4x8192x1024xf32, #tpu.memory_space<hbm>> -> memref<1x16x1024xf32, #tpu.memory_space<hbm>>
    %dma_start3A_22 = tpu.memref_squeeze %dma_start3A_21 : memref<1x16x1024xf32, #tpu.memory_space<hbm>> -> memref<16x1024xf32, #tpu.memory_space<hbm>>
    tpu.enqueue_dma source(%dma_start3A_22 : memref<16x1024xf32, #tpu.memory_space<hbm>>) target(%arg5 : memref<16x1024xf32, #tpu.memory_space<vmem>>) target_semaphore(%arg11 : memref<!tpu.dma_semaphore, #tpu.memory_space<semaphore_mem>>)
    %add3A_23 = arith.constant 0 : i32
    %add3A_24 = arith.addi %mul3A_2, %add3A_23 : i32
    %dma_start3A_25 = arith.constant 1 : i32
    %dma_start3A_26 = arith.constant 0 : i32
    %dma_start3A_27 = tpu.memref_slice %arg2[%dma_start3A_25, %add3A_24, %dma_start3A_26] : memref<4x8192x1024xf32, #tpu.memory_space<hbm>> -> memref<1x16x1024xf32, #tpu.memory_space<hbm>>
    %dma_start3A_28 = tpu.memref_squeeze %dma_start3A_27 : memref<1x16x1024xf32, #tpu.memory_space<hbm>> -> memref<16x1024xf32, #tpu.memory_space<hbm>>
    %dma_start3A_29 = arith.constant 0 : i32
    %dma_start3A_30 = tpu.memref_slice %arg2[%dma_start3A_25, %add3A_24, %dma_start3A_29] : memref<4x8192x1024xf32, #tpu.memory_space<hbm>> -> memref<1x16x1024xf32, #tpu.memory_space<hbm>>
    %dma_start3A_31 = tpu.memref_squeeze %dma_start3A_30 : memref<1x16x1024xf32, #tpu.memory_space<hbm>> -> memref<16x1024xf32, #tpu.memory_space<hbm>>
    tpu.enqueue_dma source(%dma_start3A_31 : memref<16x1024xf32, #tpu.memory_space<hbm>>) target(%arg6 : memref<16x1024xf32, #tpu.memory_space<vmem>>) target_semaphore(%arg12 : memref<!tpu.dma_semaphore, #tpu.memory_space<semaphore_mem>>)
    %scan3A = arith.constant 0 : i32
    %scan3A_32 = arith.constant 0 : i32
    %scan3A_33 = arith.constant 8 : i32
    %scan3A_34 = arith.addi %scan3A_32, %scan3A_33 : i32
    %scan3A_35 = arith.constant 1 : i32
    %scan3A_36 = scf.for %scan3A_55 = %scan3A_32 to %scan3A_34 step %scan3A_35 iter_args(%scan3A_56 = %scan3A) -> (i32)  : i32 {
      %mul3A_57 = arith.constant 2 : i32
      %mul3A_58 = arith.muli %mul3A_57, %scan3A_55 : i32
      %add3A_59 = arith.constant 1 : i32
      %add3A_60 = arith.addi %mul3A_58, %add3A_59 : i32
      %add3A_61 = arith.constant 0 : i32
      %add3A_62 = arith.addi %mul3A_2, %add3A_61 : i32
      %dma_wait3A_63 = arith.constant 0 : i32
      %dma_wait3A_64 = tpu.memref_slice %arg3[%add3A_62, %dma_wait3A_63] : memref<8192x1024xf32, #tpu.memory_space<hbm>> -> memref<16x1024xf32, #tpu.memory_space<hbm>>
      %dma_wait3A_65 = arith.constant 0 : i32
      %dma_wait3A_66 = tpu.memref_slice %arg3[%add3A_62, %dma_wait3A_65] : memref<8192x1024xf32, #tpu.memory_space<hbm>> -> memref<16x1024xf32, #tpu.memory_space<hbm>>
      tpu.wait_dma2 semaphore(%arg19 : memref<!tpu.dma_semaphore, #tpu.memory_space<semaphore_mem>>) src(%dma_wait3A_66 : memref<16x1024xf32, #tpu.memory_space<hbm>>) dst(%arg9 : memref<16x1024xf32, #tpu.memory_space<vmem>>)
      %mul3A_67 = arith.constant 4 : i32
      %mul3A_68 = arith.muli %mul3A_58, %mul3A_67 : i32
      %add3A_69 = arith.constant 0 : i32
      %add3A_70 = arith.addi %mul3A_68, %add3A_69 : i32
      %ge3A = arith.constant 2 : i32
      %ge3A_71 = arith.cmpi sge, %add3A_70, %ge3A : i32
      %convert_element_type3A = arith.extui %ge3A_71 : i1 to i32
      %cond3A = arith.constant 0 : i32
      %cond3A_72 = arith.cmpi ne, %convert_element_type3A, %cond3A : i32
      scf.if %cond3A_72 {
        %jit3A_1010 = arith.constant 4 : i32
        %div3A_1011 = arith.divsi %add3A_70, %jit3A_1010 : i32
        %sign3A_1012 = arith.constant 0 : i32
        %sign3A_1013 = arith.cmpi sgt, %add3A_70, %sign3A_1012 : i32
        %sign3A_1014 = arith.extui %sign3A_1013 : i1 to i32
        %sign3A_1015 = arith.constant 0 : i32
        %sign3A_1016 = arith.cmpi slt, %add3A_70, %sign3A_1015 : i32
        %sign3A_1017 = arith.extui %sign3A_1016 : i1 to i32
        %sign3A_1018 = arith.subi %sign3A_1014, %sign3A_1017 : i32
        %sign3A_1019 = arith.constant 0 : i32
        %sign3A_1020 = arith.cmpi sgt, %jit3A_1010, %sign3A_1019 : i32
        %sign3A_1021 = arith.extui %sign3A_1020 : i1 to i32
        %sign3A_1022 = arith.constant 0 : i32
        %sign3A_1023 = arith.cmpi slt, %jit3A_1010, %sign3A_1022 : i32
        %sign3A_1024 = arith.extui %sign3A_1023 : i1 to i32
        %sign3A_1025 = arith.subi %sign3A_1021, %sign3A_1024 : i32
        %ne3A_1026 = arith.cmpi ne, %sign3A_1018, %sign3A_1025 : i32
        %rem3A_1027 = arith.remsi %add3A_70, %jit3A_1010 : i32
        %ne3A_1028 = arith.constant 0 : i32
        %ne3A_1029 = arith.cmpi ne, %rem3A_1027, %ne3A_1028 : i32
        %and3A_1030 = arith.andi %ne3A_1026, %ne3A_1029 : i1
        %sub3A_1031 = arith.constant 1 : i32
        %sub3A_1032 = arith.subi %div3A_1011, %sub3A_1031 : i32
        %select_n3A_1033 = arith.select %and3A_1030, %sub3A_1032, %div3A_1011 : i32
        %jit3A_1034 = arith.constant 4 : i32
        %eq3A_1035 = arith.constant 0 : i32
        %eq3A_1036 = arith.cmpi eq, %jit3A_1034, %eq3A_1035 : i32
        %jit3A_1037 = arith.constant 1 : i32
        %select_n3A_1038 = arith.select %eq3A_1036, %jit3A_1037, %jit3A_1034 : i32
        %rem3A_1039 = arith.remsi %add3A_70, %select_n3A_1038 : i32
        %ne3A_1040 = arith.constant 0 : i32
        %ne3A_1041 = arith.cmpi ne, %rem3A_1039, %ne3A_1040 : i32
        %lt3A_1042 = arith.constant 0 : i32
        %lt3A_1043 = arith.cmpi slt, %rem3A_1039, %lt3A_1042 : i32
        %lt3A_1044 = arith.constant 0 : i32
        %lt3A_1045 = arith.cmpi slt, %select_n3A_1038, %lt3A_1044 : i32
        %ne3A_1046 = arith.xori %lt3A_1043, %lt3A_1045 : i1
        %and3A_1047 = arith.andi %ne3A_1046, %ne3A_1041 : i1
        %add3A_1048 = arith.addi %rem3A_1039, %select_n3A_1038 : i32
        %select_n3A_1049 = arith.select %and3A_1047, %add3A_1048, %rem3A_1039 : i32
        %mul3A_1050 = arith.constant 16 : i32
        %mul3A_1051 = arith.muli %select_n3A_1033, %mul3A_1050 : i32
        %add3A_1052 = arith.addi %mul3A_2, %mul3A_1051 : i32
        %dma_wait3A_1053 = arith.constant 0 : i32
        %dma_wait3A_1054 = tpu.memref_slice %arg4[%select_n3A_1049, %add3A_1052, %dma_wait3A_1053] : memref<4x8192x1024xf32, #tpu.memory_space<hbm>> -> memref<1x16x1024xf32, #tpu.memory_space<hbm>>
        %dma_wait3A_1055 = tpu.memref_squeeze %dma_wait3A_1054 : memref<1x16x1024xf32, #tpu.memory_space<hbm>> -> memref<16x1024xf32, #tpu.memory_space<hbm>>
        %dma_wait3A_1056 = arith.constant 0 : i32
        %dma_wait3A_1057 = tpu.memref_slice %arg4[%select_n3A_1049, %add3A_1052, %dma_wait3A_1056] : memref<4x8192x1024xf32, #tpu.memory_space<hbm>> -> memref<1x16x1024xf32, #tpu.memory_space<hbm>>
        %dma_wait3A_1058 = tpu.memref_squeeze %dma_wait3A_1057 : memref<1x16x1024xf32, #tpu.memory_space<hbm>> -> memref<16x1024xf32, #tpu.memory_space<hbm>>
        tpu.wait_dma2 semaphore(%arg17 : memref<!tpu.dma_semaphore, #tpu.memory_space<semaphore_mem>>) src(%arg7 : memref<16x1024xf32, #tpu.memory_space<vmem>>) dst(%dma_wait3A_1058 : memref<16x1024xf32, #tpu.memory_space<hbm>>)
      } else {
      }
      %add3A_73 = arith.constant 2 : i32
      %add3A_74 = arith.addi %add3A_70, %add3A_73 : i32
      %lt3A = arith.constant 64 : i32
      %lt3A_75 = arith.cmpi slt, %add3A_74, %lt3A : i32
      %convert_element_type3A_76 = arith.extui %lt3A_75 : i1 to i32
      %cond3A_77 = arith.constant 0 : i32
      %cond3A_78 = arith.cmpi ne, %convert_element_type3A_76, %cond3A_77 : i32
      scf.if %cond3A_78 {
        %add3A_1010 = arith.constant 2 : i32
        %add3A_1011 = arith.addi %add3A_70, %add3A_1010 : i32
        %jit3A_1012 = arith.constant 4 : i32
        %div3A_1013 = arith.divsi %add3A_1011, %jit3A_1012 : i32
        %sign3A_1014 = arith.constant 0 : i32
        %sign3A_1015 = arith.cmpi sgt, %add3A_1011, %sign3A_1014 : i32
        %sign3A_1016 = arith.extui %sign3A_1015 : i1 to i32
        %sign3A_1017 = arith.constant 0 : i32
        %sign3A_1018 = arith.cmpi slt, %add3A_1011, %sign3A_1017 : i32
        %sign3A_1019 = arith.extui %sign3A_1018 : i1 to i32
        %sign3A_1020 = arith.subi %sign3A_1016, %sign3A_1019 : i32
        %sign3A_1021 = arith.constant 0 : i32
        %sign3A_1022 = arith.cmpi sgt, %jit3A_1012, %sign3A_1021 : i32
        %sign3A_1023 = arith.extui %sign3A_1022 : i1 to i32
        %sign3A_1024 = arith.constant 0 : i32
        %sign3A_1025 = arith.cmpi slt, %jit3A_1012, %sign3A_1024 : i32
        %sign3A_1026 = arith.extui %sign3A_1025 : i1 to i32
        %sign3A_1027 = arith.subi %sign3A_1023, %sign3A_1026 : i32
        %ne3A_1028 = arith.cmpi ne, %sign3A_1020, %sign3A_1027 : i32
        %rem3A_1029 = arith.remsi %add3A_1011, %jit3A_1012 : i32
        %ne3A_1030 = arith.constant 0 : i32
        %ne3A_1031 = arith.cmpi ne, %rem3A_1029, %ne3A_1030 : i32
        %and3A_1032 = arith.andi %ne3A_1028, %ne3A_1031 : i1
        %sub3A_1033 = arith.constant 1 : i32
        %sub3A_1034 = arith.subi %div3A_1013, %sub3A_1033 : i32
        %select_n3A_1035 = arith.select %and3A_1032, %sub3A_1034, %div3A_1013 : i32
        %jit3A_1036 = arith.constant 4 : i32
        %eq3A_1037 = arith.constant 0 : i32
        %eq3A_1038 = arith.cmpi eq, %jit3A_1036, %eq3A_1037 : i32
        %jit3A_1039 = arith.constant 1 : i32
        %select_n3A_1040 = arith.select %eq3A_1038, %jit3A_1039, %jit3A_1036 : i32
        %rem3A_1041 = arith.remsi %add3A_1011, %select_n3A_1040 : i32
        %ne3A_1042 = arith.constant 0 : i32
        %ne3A_1043 = arith.cmpi ne, %rem3A_1041, %ne3A_1042 : i32
        %lt3A_1044 = arith.constant 0 : i32
        %lt3A_1045 = arith.cmpi slt, %rem3A_1041, %lt3A_1044 : i32
        %lt3A_1046 = arith.constant 0 : i32
        %lt3A_1047 = arith.cmpi slt, %select_n3A_1040, %lt3A_1046 : i32
        %ne3A_1048 = arith.xori %lt3A_1045, %lt3A_1047 : i1
        %and3A_1049 = arith.andi %ne3A_1048, %ne3A_1043 : i1
        %add3A_1050 = arith.addi %rem3A_1041, %select_n3A_1040 : i32
        %select_n3A_1051 = arith.select %and3A_1049, %add3A_1050, %rem3A_1041 : i32
        %mul3A_1052 = arith.constant 16 : i32
        %mul3A_1053 = arith.muli %select_n3A_1035, %mul3A_1052 : i32
        %add3A_1054 = arith.addi %mul3A_2, %mul3A_1053 : i32
        %dma_start3A_1055 = arith.constant 0 : i32
        %dma_start3A_1056 = tpu.memref_slice %arg2[%select_n3A_1051, %add3A_1054, %dma_start3A_1055] : memref<4x8192x1024xf32, #tpu.memory_space<hbm>> -> memref<1x16x1024xf32, #tpu.memory_space<hbm>>
        %dma_start3A_1057 = tpu.memref_squeeze %dma_start3A_1056 : memref<1x16x1024xf32, #tpu.memory_space<hbm>> -> memref<16x1024xf32, #tpu.memory_space<hbm>>
        %dma_start3A_1058 = arith.constant 0 : i32
        %dma_start3A_1059 = tpu.memref_slice %arg2[%select_n3A_1051, %add3A_1054, %dma_start3A_1058] : memref<4x8192x1024xf32, #tpu.memory_space<hbm>> -> memref<1x16x1024xf32, #tpu.memory_space<hbm>>
        %dma_start3A_1060 = tpu.memref_squeeze %dma_start3A_1059 : memref<1x16x1024xf32, #tpu.memory_space<hbm>> -> memref<16x1024xf32, #tpu.memory_space<hbm>>
        tpu.enqueue_dma source(%dma_start3A_1060 : memref<16x1024xf32, #tpu.memory_space<hbm>>) target(%arg7 : memref<16x1024xf32, #tpu.memory_space<vmem>>) target_semaphore(%arg13 : memref<!tpu.dma_semaphore, #tpu.memory_space<semaphore_mem>>)
      } else {
      }
      %jit3A = arith.constant 4 : i32
      %div3A = arith.divsi %add3A_70, %jit3A : i32
      %sign3A = arith.constant 0 : i32
      %sign3A_79 = arith.cmpi sgt, %add3A_70, %sign3A : i32
      %sign3A_80 = arith.extui %sign3A_79 : i1 to i32
      %sign3A_81 = arith.constant 0 : i32
      %sign3A_82 = arith.cmpi slt, %add3A_70, %sign3A_81 : i32
      %sign3A_83 = arith.extui %sign3A_82 : i1 to i32
      %sign3A_84 = arith.subi %sign3A_80, %sign3A_83 : i32
      %sign3A_85 = arith.constant 0 : i32
      %sign3A_86 = arith.cmpi sgt, %jit3A, %sign3A_85 : i32
      %sign3A_87 = arith.extui %sign3A_86 : i1 to i32
      %sign3A_88 = arith.constant 0 : i32
      %sign3A_89 = arith.cmpi slt, %jit3A, %sign3A_88 : i32
      %sign3A_90 = arith.extui %sign3A_89 : i1 to i32
      %sign3A_91 = arith.subi %sign3A_87, %sign3A_90 : i32
      %ne3A = arith.cmpi ne, %sign3A_84, %sign3A_91 : i32
      %rem3A = arith.remsi %add3A_70, %jit3A : i32
      %ne3A_92 = arith.constant 0 : i32
      %ne3A_93 = arith.cmpi ne, %rem3A, %ne3A_92 : i32
      %and3A = arith.andi %ne3A, %ne3A_93 : i1
      %sub3A = arith.constant 1 : i32
      %sub3A_94 = arith.subi %div3A, %sub3A : i32
      %select_n3A = arith.select %and3A, %sub3A_94, %div3A : i32
      %jit3A_95 = arith.constant 4 : i32
      %eq3A = arith.constant 0 : i32
      %eq3A_96 = arith.cmpi eq, %jit3A_95, %eq3A : i32
      %jit3A_97 = arith.constant 1 : i32
      %select_n3A_98 = arith.select %eq3A_96, %jit3A_97, %jit3A_95 : i32
      %rem3A_99 = arith.remsi %add3A_70, %select_n3A_98 : i32
      %ne3A_100 = arith.constant 0 : i32
      %ne3A_101 = arith.cmpi ne, %rem3A_99, %ne3A_100 : i32
      %lt3A_102 = arith.constant 0 : i32
      %lt3A_103 = arith.cmpi slt, %rem3A_99, %lt3A_102 : i32
      %lt3A_104 = arith.constant 0 : i32
      %lt3A_105 = arith.cmpi slt, %select_n3A_98, %lt3A_104 : i32
      %ne3A_106 = arith.xori %lt3A_103, %lt3A_105 : i1
      %and3A_107 = arith.andi %ne3A_106, %ne3A_101 : i1
      %add3A_108 = arith.addi %rem3A_99, %select_n3A_98 : i32
      %select_n3A_109 = arith.select %and3A_107, %add3A_108, %rem3A_99 : i32
      %mul3A_110 = arith.constant 16 : i32
      %mul3A_111 = arith.muli %select_n3A, %mul3A_110 : i32
      %add3A_112 = arith.addi %mul3A_2, %mul3A_111 : i32
      %dma_wait3A_113 = arith.constant 0 : i32
      %dma_wait3A_114 = tpu.memref_slice %arg2[%select_n3A_109, %add3A_112, %dma_wait3A_113] : memref<4x8192x1024xf32, #tpu.memory_space<hbm>> -> memref<1x16x1024xf32, #tpu.memory_space<hbm>>
      %dma_wait3A_115 = tpu.memref_squeeze %dma_wait3A_114 : memref<1x16x1024xf32, #tpu.memory_space<hbm>> -> memref<16x1024xf32, #tpu.memory_space<hbm>>
      %dma_wait3A_116 = arith.constant 0 : i32
      %dma_wait3A_117 = tpu.memref_slice %arg2[%select_n3A_109, %add3A_112, %dma_wait3A_116] : memref<4x8192x1024xf32, #tpu.memory_space<hbm>> -> memref<1x16x1024xf32, #tpu.memory_space<hbm>>
      %dma_wait3A_118 = tpu.memref_squeeze %dma_wait3A_117 : memref<1x16x1024xf32, #tpu.memory_space<hbm>> -> memref<16x1024xf32, #tpu.memory_space<hbm>>
      tpu.wait_dma2 semaphore(%arg11 : memref<!tpu.dma_semaphore, #tpu.memory_space<semaphore_mem>>) src(%dma_wait3A_118 : memref<16x1024xf32, #tpu.memory_space<hbm>>) dst(%arg5 : memref<16x1024xf32, #tpu.memory_space<vmem>>)
      %parallel_loop3A = arith.constant 0 : i32
      %parallel_loop3A_119 = arith.constant 1024 : i32
      %parallel_loop3A_120 = arith.constant 1 : i32
      scf.for %parallel_loop3A_1010 = %parallel_loop3A to %parallel_loop3A_119 step %parallel_loop3A_120  : i32 {
        %parallel_loop3A_1011 = arith.constant 64 : i32
        %parallel_loop3A_1012 = arith.divsi %parallel_loop3A_1010, %parallel_loop3A_1011 : i32
        %parallel_loop3A_1013 = arith.constant 0 : i32
        %parallel_loop3A_1014 = arith.cmpi sgt, %parallel_loop3A_1010, %parallel_loop3A_1013 : i32
        %parallel_loop3A_1015 = arith.extui %parallel_loop3A_1014 : i1 to i32
        %parallel_loop3A_1016 = arith.constant 0 : i32
        %parallel_loop3A_1017 = arith.cmpi slt, %parallel_loop3A_1010, %parallel_loop3A_1016 : i32
        %parallel_loop3A_1018 = arith.extui %parallel_loop3A_1017 : i1 to i32
        %parallel_loop3A_1019 = arith.subi %parallel_loop3A_1015, %parallel_loop3A_1018 : i32
        %parallel_loop3A_1020 = arith.constant 0 : i32
        %parallel_loop3A_1021 = arith.cmpi sgt, %parallel_loop3A_1011, %parallel_loop3A_1020 : i32
        %parallel_loop3A_1022 = arith.extui %parallel_loop3A_1021 : i1 to i32
        %parallel_loop3A_1023 = arith.constant 0 : i32
        %parallel_loop3A_1024 = arith.cmpi slt, %parallel_loop3A_1011, %parallel_loop3A_1023 : i32
        %parallel_loop3A_1025 = arith.extui %parallel_loop3A_1024 : i1 to i32
        %parallel_loop3A_1026 = arith.subi %parallel_loop3A_1022, %parallel_loop3A_1025 : i32
        %parallel_loop3A_1027 = arith.cmpi ne, %parallel_loop3A_1019, %parallel_loop3A_1026 : i32
        %parallel_loop3A_1028 = arith.remsi %parallel_loop3A_1010, %parallel_loop3A_1011 : i32
        %parallel_loop3A_1029 = arith.constant 0 : i32
        %parallel_loop3A_1030 = arith.cmpi ne, %parallel_loop3A_1028, %parallel_loop3A_1029 : i32
        %parallel_loop3A_1031 = arith.andi %parallel_loop3A_1027, %parallel_loop3A_1030 : i1
        %parallel_loop3A_1032 = arith.constant 1 : i32
        %parallel_loop3A_1033 = arith.subi %parallel_loop3A_1012, %parallel_loop3A_1032 : i32
        %parallel_loop3A_1034 = arith.select %parallel_loop3A_1031, %parallel_loop3A_1033, %parallel_loop3A_1012 : i32
        %parallel_loop3A_1035 = arith.constant 64 : i32
        %parallel_loop3A_1036 = arith.constant 0 : i32
        %parallel_loop3A_1037 = arith.cmpi eq, %parallel_loop3A_1035, %parallel_loop3A_1036 : i32
        %parallel_loop3A_1038 = arith.constant 1 : i32
        %parallel_loop3A_1039 = arith.select %parallel_loop3A_1037, %parallel_loop3A_1038, %parallel_loop3A_1035 : i32
        %parallel_loop3A_1040 = arith.remsi %parallel_loop3A_1010, %parallel_loop3A_1039 : i32
        %parallel_loop3A_1041 = arith.constant 0 : i32
        %parallel_loop3A_1042 = arith.cmpi ne, %parallel_loop3A_1040, %parallel_loop3A_1041 : i32
        %parallel_loop3A_1043 = arith.constant 0 : i32
        %parallel_loop3A_1044 = arith.cmpi slt, %parallel_loop3A_1040, %parallel_loop3A_1043 : i32
        %parallel_loop3A_1045 = arith.constant 0 : i32
        %parallel_loop3A_1046 = arith.cmpi slt, %parallel_loop3A_1039, %parallel_loop3A_1045 : i32
        %parallel_loop3A_1047 = arith.xori %parallel_loop3A_1044, %parallel_loop3A_1046 : i1
        %parallel_loop3A_1048 = arith.andi %parallel_loop3A_1047, %parallel_loop3A_1042 : i1
        %parallel_loop3A_1049 = arith.addi %parallel_loop3A_1040, %parallel_loop3A_1039 : i32
        %parallel_loop3A_1050 = arith.select %parallel_loop3A_1048, %parallel_loop3A_1049, %parallel_loop3A_1040 : i32
        %parallel_loop3A_1051 = arith.constant 16 : i32
        %parallel_loop3A_1052 = arith.muli %parallel_loop3A_1050, %parallel_loop3A_1051 : i32
        %parallel_loop3A_1053 = arith.index_cast %parallel_loop3A_1034 : i32 to index
        %parallel_loop3A_1054 = arith.index_cast %parallel_loop3A_1052 : i32 to index
        %parallel_loop3A_1055 = tpu.vector_load %arg5[%parallel_loop3A_1053, %parallel_loop3A_1054] {strides = array<i32>} : memref<16x1024xf32, #tpu.memory_space<vmem>>, vector<1x16xf32>,
        %parallel_loop3A_1056 = vector.shape_cast %parallel_loop3A_1055 : vector<1x16xf32> to vector<16xf32>
        %parallel_loop3A_1057 = arith.index_cast %parallel_loop3A_1034 : i32 to index
        %parallel_loop3A_1058 = arith.index_cast %parallel_loop3A_1052 : i32 to index
        %parallel_loop3A_1059 = tpu.vector_load %arg9[%parallel_loop3A_1057, %parallel_loop3A_1058] {strides = array<i32>} : memref<16x1024xf32, #tpu.memory_space<vmem>>, vector<1x16xf32>,
        %parallel_loop3A_1060 = vector.shape_cast %parallel_loop3A_1059 : vector<1x16xf32> to vector<16xf32>
        %parallel_loop3A_1061 = arith.addf %parallel_loop3A_1056, %parallel_loop3A_1060 : vector<16xf32>
        %parallel_loop3A_1062 = arith.index_cast %parallel_loop3A_1034 : i32 to index
        %parallel_loop3A_1063 = arith.index_cast %parallel_loop3A_1052 : i32 to index
        %parallel_loop3A_1064 = tpu.vector_load %arg5[%parallel_loop3A_1062, %parallel_loop3A_1063] {strides = array<i32>} : memref<16x1024xf32, #tpu.memory_space<vmem>>, vector<1x16xf32>,
        %parallel_loop3A_1065 = vector.shape_cast %parallel_loop3A_1064 : vector<1x16xf32> to vector<16xf32>
        %parallel_loop3A_1066 = vector.shape_cast %parallel_loop3A_1061 : vector<16xf32> to vector<1x16xf32>
        tpu.vector_store %arg5[%parallel_loop3A_1062, %parallel_loop3A_1063], %parallel_loop3A_1066 {strides = array<i32>} : memref<16x1024xf32, #tpu.memory_space<vmem>>, vector<1x16xf32>,
      } {sc.loop_unroll_factor = 16 : i64, sc.parallel_access}
      %jit3A_121 = arith.constant 4 : i32
      %div3A_122 = arith.divsi %add3A_70, %jit3A_121 : i32
      %sign3A_123 = arith.constant 0 : i32
      %sign3A_124 = arith.cmpi sgt, %add3A_70, %sign3A_123 : i32
      %sign3A_125 = arith.extui %sign3A_124 : i1 to i32
      %sign3A_126 = arith.constant 0 : i32
      %sign3A_127 = arith.cmpi slt, %add3A_70, %sign3A_126 : i32
      %sign3A_128 = arith.extui %sign3A_127 : i1 to i32
      %sign3A_129 = arith.subi %sign3A_125, %sign3A_128 : i32
      %sign3A_130 = arith.constant 0 : i32
      %sign3A_131 = arith.cmpi sgt, %jit3A_121, %sign3A_130 : i32
      %sign3A_132 = arith.extui %sign3A_131 : i1 to i32
      %sign3A_133 = arith.constant 0 : i32
      %sign3A_134 = arith.cmpi slt, %jit3A_121, %sign3A_133 : i32
      %sign3A_135 = arith.extui %sign3A_134 : i1 to i32
      %sign3A_136 = arith.subi %sign3A_132, %sign3A_135 : i32
      %ne3A_137 = arith.cmpi ne, %sign3A_129, %sign3A_136 : i32
      %rem3A_138 = arith.remsi %add3A_70, %jit3A_121 : i32
      %ne3A_139 = arith.constant 0 : i32
      %ne3A_140 = arith.cmpi ne, %rem3A_138, %ne3A_139 : i32
      %and3A_141 = arith.andi %ne3A_137, %ne3A_140 : i1
      %sub3A_142 = arith.constant 1 : i32
      %sub3A_143 = arith.subi %div3A_122, %sub3A_142 : i32
      %select_n3A_144 = arith.select %and3A_141, %sub3A_143, %div3A_122 : i32
      %jit3A_145 = arith.constant 4 : i32
      %eq3A_146 = arith.constant 0 : i32
      %eq3A_147 = arith.cmpi eq, %jit3A_145, %eq3A_146 : i32
      %jit3A_148 = arith.constant 1 : i32
      %select_n3A_149 = arith.select %eq3A_147, %jit3A_148, %jit3A_145 : i32
      %rem3A_150 = arith.remsi %add3A_70, %select_n3A_149 : i32
      %ne3A_151 = arith.constant 0 : i32
      %ne3A_152 = arith.cmpi ne, %rem3A_150, %ne3A_151 : i32
      %lt3A_153 = arith.constant 0 : i32
      %lt3A_154 = arith.cmpi slt, %rem3A_150, %lt3A_153 : i32
      %lt3A_155 = arith.constant 0 : i32
      %lt3A_156 = arith.cmpi slt, %select_n3A_149, %lt3A_155 : i32
      %ne3A_157 = arith.xori %lt3A_154, %lt3A_156 : i1
      %and3A_158 = arith.andi %ne3A_157, %ne3A_152 : i1
      %add3A_159 = arith.addi %rem3A_150, %select_n3A_149 : i32
      %select_n3A_160 = arith.select %and3A_158, %add3A_159, %rem3A_150 : i32
      %mul3A_161 = arith.constant 16 : i32
      %mul3A_162 = arith.muli %select_n3A_144, %mul3A_161 : i32
      %add3A_163 = arith.addi %mul3A_2, %mul3A_162 : i32
      %dma_start3A_164 = arith.constant 0 : i32
      %dma_start3A_165 = tpu.memref_slice %arg4[%select_n3A_160, %add3A_163, %dma_start3A_164] : memref<4x8192x1024xf32, #tpu.memory_space<hbm>> -> memref<1x16x1024xf32, #tpu.memory_space<hbm>>
      %dma_start3A_166 = tpu.memref_squeeze %dma_start3A_165 : memref<1x16x1024xf32, #tpu.memory_space<hbm>> -> memref<16x1024xf32, #tpu.memory_space<hbm>>
      %dma_start3A_167 = arith.constant 0 : i32
      %dma_start3A_168 = tpu.memref_slice %arg4[%select_n3A_160, %add3A_163, %dma_start3A_167] : memref<4x8192x1024xf32, #tpu.memory_space<hbm>> -> memref<1x16x1024xf32, #tpu.memory_space<hbm>>
      %dma_start3A_169 = tpu.memref_squeeze %dma_start3A_168 : memref<1x16x1024xf32, #tpu.memory_space<hbm>> -> memref<16x1024xf32, #tpu.memory_space<hbm>>
      tpu.enqueue_dma source(%arg5 : memref<16x1024xf32, #tpu.memory_space<vmem>>) target(%dma_start3A_169 : memref<16x1024xf32, #tpu.memory_space<hbm>>) target_semaphore(%arg15 : memref<!tpu.dma_semaphore, #tpu.memory_space<semaphore_mem>>)
      %mul3A_170 = arith.constant 4 : i32
      %mul3A_171 = arith.muli %mul3A_58, %mul3A_170 : i32
      %add3A_172 = arith.constant 1 : i32
      %add3A_173 = arith.addi %mul3A_171, %add3A_172 : i32
      %ge3A_174 = arith.constant 2 : i32
      %ge3A_175 = arith.cmpi sge, %add3A_173, %ge3A_174 : i32
      %convert_element_type3A_176 = arith.extui %ge3A_175 : i1 to i32
      %cond3A_177 = arith.constant 0 : i32
      %cond3A_178 = arith.cmpi ne, %convert_element_type3A_176, %cond3A_177 : i32
      scf.if %cond3A_178 {
        %jit3A_1010 = arith.constant 4 : i32
        %div3A_1011 = arith.divsi %add3A_173, %jit3A_1010 : i32
        %sign3A_1012 = arith.constant 0 : i32
        %sign3A_1013 = arith.cmpi sgt, %add3A_173, %sign3A_1012 : i32
        %sign3A_1014 = arith.extui %sign3A_1013 : i1 to i32
        %sign3A_1015 = arith.constant 0 : i32
        %sign3A_1016 = arith.cmpi slt, %add3A_173, %sign3A_1015 : i32
        %sign3A_1017 = arith.extui %sign3A_1016 : i1 to i32
        %sign3A_1018 = arith.subi %sign3A_1014, %sign3A_1017 : i32
        %sign3A_1019 = arith.constant 0 : i32
        %sign3A_1020 = arith.cmpi sgt, %jit3A_1010, %sign3A_1019 : i32
        %sign3A_1021 = arith.extui %sign3A_1020 : i1 to i32
        %sign3A_1022 = arith.constant 0 : i32
        %sign3A_1023 = arith.cmpi slt, %jit3A_1010, %sign3A_1022 : i32
        %sign3A_1024 = arith.extui %sign3A_1023 : i1 to i32
        %sign3A_1025 = arith.subi %sign3A_1021, %sign3A_1024 : i32
        %ne3A_1026 = arith.cmpi ne, %sign3A_1018, %sign3A_1025 : i32
        %rem3A_1027 = arith.remsi %add3A_173, %jit3A_1010 : i32
        %ne3A_1028 = arith.constant 0 : i32
        %ne3A_1029 = arith.cmpi ne, %rem3A_1027, %ne3A_1028 : i32
        %and3A_1030 = arith.andi %ne3A_1026, %ne3A_1029 : i1
        %sub3A_1031 = arith.constant 1 : i32
        %sub3A_1032 = arith.subi %div3A_1011, %sub3A_1031 : i32
        %select_n3A_1033 = arith.select %and3A_1030, %sub3A_1032, %div3A_1011 : i32
        %jit3A_1034 = arith.constant 4 : i32
        %eq3A_1035 = arith.constant 0 : i32
        %eq3A_1036 = arith.cmpi eq, %jit3A_1034, %eq3A_1035 : i32
        %jit3A_1037 = arith.constant 1 : i32
        %select_n3A_1038 = arith.select %eq3A_1036, %jit3A_1037, %jit3A_1034 : i32
        %rem3A_1039 = arith.remsi %add3A_173, %select_n3A_1038 : i32
        %ne3A_1040 = arith.constant 0 : i32
        %ne3A_1041 = arith.cmpi ne, %rem3A_1039, %ne3A_1040 : i32
        %lt3A_1042 = arith.constant 0 : i32
        %lt3A_1043 = arith.cmpi slt, %rem3A_1039, %lt3A_1042 : i32
        %lt3A_1044 = arith.constant 0 : i32
        %lt3A_1045 = arith.cmpi slt, %select_n3A_1038, %lt3A_1044 : i32
        %ne3A_1046 = arith.xori %lt3A_1043, %lt3A_1045 : i1
        %and3A_1047 = arith.andi %ne3A_1046, %ne3A_1041 : i1
        %add3A_1048 = arith.addi %rem3A_1039, %select_n3A_1038 : i32
        %select_n3A_1049 = arith.select %and3A_1047, %add3A_1048, %rem3A_1039 : i32
        %mul3A_1050 = arith.constant 16 : i32
        %mul3A_1051 = arith.muli %select_n3A_1033, %mul3A_1050 : i32
        %add3A_1052 = arith.addi %mul3A_2, %mul3A_1051 : i32
        %dma_wait3A_1053 = arith.constant 0 : i32
        %dma_wait3A_1054 = tpu.memref_slice %arg4[%select_n3A_1049, %add3A_1052, %dma_wait3A_1053] : memref<4x8192x1024xf32, #tpu.memory_space<hbm>> -> memref<1x16x1024xf32, #tpu.memory_space<hbm>>
        %dma_wait3A_1055 = tpu.memref_squeeze %dma_wait3A_1054 : memref<1x16x1024xf32, #tpu.memory_space<hbm>> -> memref<16x1024xf32, #tpu.memory_space<hbm>>
        %dma_wait3A_1056 = arith.constant 0 : i32
        %dma_wait3A_1057 = tpu.memref_slice %arg4[%select_n3A_1049, %add3A_1052, %dma_wait3A_1056] : memref<4x8192x1024xf32, #tpu.memory_space<hbm>> -> memref<1x16x1024xf32, #tpu.memory_space<hbm>>
        %dma_wait3A_1058 = tpu.memref_squeeze %dma_wait3A_1057 : memref<1x16x1024xf32, #tpu.memory_space<hbm>> -> memref<16x1024xf32, #tpu.memory_space<hbm>>
        tpu.wait_dma2 semaphore(%arg18 : memref<!tpu.dma_semaphore, #tpu.memory_space<semaphore_mem>>) src(%arg8 : memref<16x1024xf32, #tpu.memory_space<vmem>>) dst(%dma_wait3A_1058 : memref<16x1024xf32, #tpu.memory_space<hbm>>)
      } else {
      }
      %add3A_179 = arith.constant 2 : i32
      %add3A_180 = arith.addi %add3A_173, %add3A_179 : i32
      %lt3A_181 = arith.constant 64 : i32
      %lt3A_182 = arith.cmpi slt, %add3A_180, %lt3A_181 : i32
      %convert_element_type3A_183 = arith.extui %lt3A_182 : i1 to i32
      %cond3A_184 = arith.constant 0 : i32
      %cond3A_185 = arith.cmpi ne, %convert_element_type3A_183, %cond3A_184 : i32
      scf.if %cond3A_185 {
        %add3A_1010 = arith.constant 2 : i32
        %add3A_1011 = arith.addi %add3A_173, %add3A_1010 : i32
        %jit3A_1012 = arith.constant 4 : i32
        %div3A_1013 = arith.divsi %add3A_1011, %jit3A_1012 : i32
        %sign3A_1014 = arith.constant 0 : i32
        %sign3A_1015 = arith.cmpi sgt, %add3A_1011, %sign3A_1014 : i32
        %sign3A_1016 = arith.extui %sign3A_1015 : i1 to i32
        %sign3A_1017 = arith.constant 0 : i32
        %sign3A_1018 = arith.cmpi slt, %add3A_1011, %sign3A_1017 : i32
        %sign3A_1019 = arith.extui %sign3A_1018 : i1 to i32
        %sign3A_1020 = arith.subi %sign3A_1016, %sign3A_1019 : i32
        %sign3A_1021 = arith.constant 0 : i32
        %sign3A_1022 = arith.cmpi sgt, %jit3A_1012, %sign3A_1021 : i32
        %sign3A_1023 = arith.extui %sign3A_1022 : i1 to i32
        %sign3A_1024 = arith.constant 0 : i32
        %sign3A_1025 = arith.cmpi slt, %jit3A_1012, %sign3A_1024 : i32
        %sign3A_1026 = arith.extui %sign3A_1025 : i1 to i32
        %sign3A_1027 = arith.subi %sign3A_1023, %sign3A_1026 : i32
        %ne3A_1028 = arith.cmpi ne, %sign3A_1020, %sign3A_1027 : i32
        %rem3A_1029 = arith.remsi %add3A_1011, %jit3A_1012 : i32
        %ne3A_1030 = arith.constant 0 : i32
        %ne3A_1031 = arith.cmpi ne, %rem3A_1029, %ne3A_1030 : i32
        %and3A_1032 = arith.andi %ne3A_1028, %ne3A_1031 : i1
        %sub3A_1033 = arith.constant 1 : i32
        %sub3A_1034 = arith.subi %div3A_1013, %sub3A_1033 : i32
        %select_n3A_1035 = arith.select %and3A_1032, %sub3A_1034, %div3A_1013 : i32
        %jit3A_1036 = arith.constant 4 : i32
        %eq3A_1037 = arith.constant 0 : i32
        %eq3A_1038 = arith.cmpi eq, %jit3A_1036, %eq3A_1037 : i32
        %jit3A_1039 = arith.constant 1 : i32
        %select_n3A_1040 = arith.select %eq3A_1038, %jit3A_1039, %jit3A_1036 : i32
        %rem3A_1041 = arith.remsi %add3A_1011, %select_n3A_1040 : i32
        %ne3A_1042 = arith.constant 0 : i32
        %ne3A_1043 = arith.cmpi ne, %rem3A_1041, %ne3A_1042 : i32
        %lt3A_1044 = arith.constant 0 : i32
        %lt3A_1045 = arith.cmpi slt, %rem3A_1041, %lt3A_1044 : i32
        %lt3A_1046 = arith.constant 0 : i32
        %lt3A_1047 = arith.cmpi slt, %select_n3A_1040, %lt3A_1046 : i32
        %ne3A_1048 = arith.xori %lt3A_1045, %lt3A_1047 : i1
        %and3A_1049 = arith.andi %ne3A_1048, %ne3A_1043 : i1
        %add3A_1050 = arith.addi %rem3A_1041, %select_n3A_1040 : i32
        %select_n3A_1051 = arith.select %and3A_1049, %add3A_1050, %rem3A_1041 : i32
        %mul3A_1052 = arith.constant 16 : i32
        %mul3A_1053 = arith.muli %select_n3A_1035, %mul3A_1052 : i32
        %add3A_1054 = arith.addi %mul3A_2, %mul3A_1053 : i32
        %dma_start3A_1055 = arith.constant 0 : i32
        %dma_start3A_1056 = tpu.memref_slice %arg2[%select_n3A_1051, %add3A_1054, %dma_start3A_1055] : memref<4x8192x1024xf32, #tpu.memory_space<hbm>> -> memref<1x16x1024xf32, #tpu.memory_space<hbm>>
        %dma_start3A_1057 = tpu.memref_squeeze %dma_start3A_1056 : memref<1x16x1024xf32, #tpu.memory_space<hbm>> -> memref<16x1024xf32, #tpu.memory_space<hbm>>
        %dma_start3A_1058 = arith.constant 0 : i32
        %dma_start3A_1059 = tpu.memref_slice %arg2[%select_n3A_1051, %add3A_1054, %dma_start3A_1058] : memref<4x8192x1024xf32, #tpu.memory_space<hbm>> -> memref<1x16x1024xf32, #tpu.memory_space<hbm>>
        %dma_start3A_1060 = tpu.memref_squeeze %dma_start3A_1059 : memref<1x16x1024xf32, #tpu.memory_space<hbm>> -> memref<16x1024xf32, #tpu.memory_space<hbm>>
        tpu.enqueue_dma source(%dma_start3A_1060 : memref<16x1024xf32, #tpu.memory_space<hbm>>) target(%arg8 : memref<16x1024xf32, #tpu.memory_space<vmem>>) target_semaphore(%arg14 : memref<!tpu.dma_semaphore, #tpu.memory_space<semaphore_mem>>)
      } else {
      }
      %jit3A_186 = arith.constant 4 : i32
      %div3A_187 = arith.divsi %add3A_173, %jit3A_186 : i32
      %sign3A_188 = arith.constant 0 : i32
      %sign3A_189 = arith.cmpi sgt, %add3A_173, %sign3A_188 : i32
      %sign3A_190 = arith.extui %sign3A_189 : i1 to i32
      %sign3A_191 = arith.constant 0 : i32
      %sign3A_192 = arith.cmpi slt, %add3A_173, %sign3A_191 : i32
      %sign3A_193 = arith.extui %sign3A_192 : i1 to i32
      %sign3A_194 = arith.subi %sign3A_190, %sign3A_193 : i32
      %sign3A_195 = arith.constant 0 : i32
      %sign3A_196 = arith.cmpi sgt, %jit3A_186, %sign3A_195 : i32
      %sign3A_197 = arith.extui %sign3A_196 : i1 to i32
      %sign3A_198 = arith.constant 0 : i32
      %sign3A_199 = arith.cmpi slt, %jit3A_186, %sign3A_198 : i32
      %sign3A_200 = arith.extui %sign3A_199 : i1 to i32
      %sign3A_201 = arith.subi %sign3A_197, %sign3A_200 : i32
      %ne3A_202 = arith.cmpi ne, %sign3A_194, %sign3A_201 : i32
      %rem3A_203 = arith.remsi %add3A_173, %jit3A_186 : i32
      %ne3A_204 = arith.constant 0 : i32
      %ne3A_205 = arith.cmpi ne, %rem3A_203, %ne3A_204 : i32
      %and3A_206 = arith.andi %ne3A_202, %ne3A_205 : i1
      %sub3A_207 = arith.constant 1 : i32
      %sub3A_208 = arith.subi %div3A_187, %sub3A_207 : i32
      %select_n3A_209 = arith.select %and3A_206, %sub3A_208, %div3A_187 : i32
      %jit3A_210 = arith.constant 4 : i32
      %eq3A_211 = arith.constant 0 : i32
      %eq3A_212 = arith.cmpi eq, %jit3A_210, %eq3A_211 : i32
      %jit3A_213 = arith.constant 1 : i32
      %select_n3A_214 = arith.select %eq3A_212, %jit3A_213, %jit3A_210 : i32
      %rem3A_215 = arith.remsi %add3A_173, %select_n3A_214 : i32
      %ne3A_216 = arith.constant 0 : i32
      %ne3A_217 = arith.cmpi ne, %rem3A_215, %ne3A_216 : i32
      %lt3A_218 = arith.constant 0 : i32
      %lt3A_219 = arith.cmpi slt, %rem3A_215, %lt3A_218 : i32
      %lt3A_220 = arith.constant 0 : i32
      %lt3A_221 = arith.cmpi slt, %select_n3A_214, %lt3A_220 : i32
      %ne3A_222 = arith.xori %lt3A_219, %lt3A_221 : i1
      %and3A_223 = arith.andi %ne3A_222, %ne3A_217 : i1
      %add3A_224 = arith.addi %rem3A_215, %select_n3A_214 : i32
      %select_n3A_225 = arith.select %and3A_223, %add3A_224, %rem3A_215 : i32
      %mul3A_226 = arith.constant 16 : i32
      %mul3A_227 = arith.muli %select_n3A_209, %mul3A_226 : i32
      %add3A_228 = arith.addi %mul3A_2, %mul3A_227 : i32
      %dma_wait3A_229 = arith.constant 0 : i32
      %dma_wait3A_230 = tpu.memref_slice %arg2[%select_n3A_225, %add3A_228, %dma_wait3A_229] : memref<4x8192x1024xf32, #tpu.memory_space<hbm>> -> memref<1x16x1024xf32, #tpu.memory_space<hbm>>
      %dma_wait3A_231 = tpu.memref_squeeze %dma_wait3A_230 : memref<1x16x1024xf32, #tpu.memory_space<hbm>> -> memref<16x1024xf32, #tpu.memory_space<hbm>>
      %dma_wait3A_232 = arith.constant 0 : i32
      %dma_wait3A_233 = tpu.memref_slice %arg2[%select_n3A_225, %add3A_228, %dma_wait3A_232] : memref<4x8192x1024xf32, #tpu.memory_space<hbm>> -> memref<1x16x1024xf32, #tpu.memory_space<hbm>>
      %dma_wait3A_234 = tpu.memref_squeeze %dma_wait3A_233 : memref<1x16x1024xf32, #tpu.memory_space<hbm>> -> memref<16x1024xf32, #tpu.memory_space<hbm>>
      tpu.wait_dma2 semaphore(%arg12 : memref<!tpu.dma_semaphore, #tpu.memory_space<semaphore_mem>>) src(%dma_wait3A_234 : memref<16x1024xf32, #tpu.memory_space<hbm>>) dst(%arg6 : memref<16x1024xf32, #tpu.memory_space<vmem>>)
      %parallel_loop3A_235 = arith.constant 0 : i32
      %parallel_loop3A_236 = arith.constant 1024 : i32
      %parallel_loop3A_237 = arith.constant 1 : i32
      scf.for %parallel_loop3A_1010 = %parallel_loop3A_235 to %parallel_loop3A_236 step %parallel_loop3A_237  : i32 {
        %parallel_loop3A_1011 = arith.constant 64 : i32
        %parallel_loop3A_1012 = arith.divsi %parallel_loop3A_1010, %parallel_loop3A_1011 : i32
        %parallel_loop3A_1013 = arith.constant 0 : i32
        %parallel_loop3A_1014 = arith.cmpi sgt, %parallel_loop3A_1010, %parallel_loop3A_1013 : i32
        %parallel_loop3A_1015 = arith.extui %parallel_loop3A_1014 : i1 to i32
        %parallel_loop3A_1016 = arith.constant 0 : i32
        %parallel_loop3A_1017 = arith.cmpi slt, %parallel_loop3A_1010, %parallel_loop3A_1016 : i32
        %parallel_loop3A_1018 = arith.extui %parallel_loop3A_1017 : i1 to i32
        %parallel_loop3A_1019 = arith.subi %parallel_loop3A_1015, %parallel_loop3A_1018 : i32
        %parallel_loop3A_1020 = arith.constant 0 : i32
        %parallel_loop3A_1021 = arith.cmpi sgt, %parallel_loop3A_1011, %parallel_loop3A_1020 : i32
        %parallel_loop3A_1022 = arith.extui %parallel_loop3A_1021 : i1 to i32
        %parallel_loop3A_1023 = arith.constant 0 : i32
        %parallel_loop3A_1024 = arith.cmpi slt, %parallel_loop3A_1011, %parallel_loop3A_1023 : i32
        %parallel_loop3A_1025 = arith.extui %parallel_loop3A_1024 : i1 to i32
        %parallel_loop3A_1026 = arith.subi %parallel_loop3A_1022, %parallel_loop3A_1025 : i32
        %parallel_loop3A_1027 = arith.cmpi ne, %parallel_loop3A_1019, %parallel_loop3A_1026 : i32
        %parallel_loop3A_1028 = arith.remsi %parallel_loop3A_1010, %parallel_loop3A_1011 : i32
        %parallel_loop3A_1029 = arith.constant 0 : i32
        %parallel_loop3A_1030 = arith.cmpi ne, %parallel_loop3A_1028, %parallel_loop3A_1029 : i32
        %parallel_loop3A_1031 = arith.andi %parallel_loop3A_1027, %parallel_loop3A_1030 : i1
        %parallel_loop3A_1032 = arith.constant 1 : i32
        %parallel_loop3A_1033 = arith.subi %parallel_loop3A_1012, %parallel_loop3A_1032 : i32
        %parallel_loop3A_1034 = arith.select %parallel_loop3A_1031, %parallel_loop3A_1033, %parallel_loop3A_1012 : i32
        %parallel_loop3A_1035 = arith.constant 64 : i32
        %parallel_loop3A_1036 = arith.constant 0 : i32
        %parallel_loop3A_1037 = arith.cmpi eq, %parallel_loop3A_1035, %parallel_loop3A_1036 : i32
        %parallel_loop3A_1038 = arith.constant 1 : i32
        %parallel_loop3A_1039 = arith.select %parallel_loop3A_1037, %parallel_loop3A_1038, %parallel_loop3A_1035 : i32
        %parallel_loop3A_1040 = arith.remsi %parallel_loop3A_1010, %parallel_loop3A_1039 : i32
        %parallel_loop3A_1041 = arith.constant 0 : i32
        %parallel_loop3A_1042 = arith.cmpi ne, %parallel_loop3A_1040, %parallel_loop3A_1041 : i32
        %parallel_loop3A_1043 = arith.constant 0 : i32
        %parallel_loop3A_1044 = arith.cmpi slt, %parallel_loop3A_1040, %parallel_loop3A_1043 : i32
        %parallel_loop3A_1045 = arith.constant 0 : i32
        %parallel_loop3A_1046 = arith.cmpi slt, %parallel_loop3A_1039, %parallel_loop3A_1045 : i32
        %parallel_loop3A_1047 = arith.xori %parallel_loop3A_1044, %parallel_loop3A_1046 : i1
        %parallel_loop3A_1048 = arith.andi %parallel_loop3A_1047, %parallel_loop3A_1042 : i1
        %parallel_loop3A_1049 = arith.addi %parallel_loop3A_1040, %parallel_loop3A_1039 : i32
        %parallel_loop3A_1050 = arith.select %parallel_loop3A_1048, %parallel_loop3A_1049, %parallel_loop3A_1040 : i32
        %parallel_loop3A_1051 = arith.constant 16 : i32
        %parallel_loop3A_1052 = arith.muli %parallel_loop3A_1050, %parallel_loop3A_1051 : i32
        %parallel_loop3A_1053 = arith.index_cast %parallel_loop3A_1034 : i32 to index
        %parallel_loop3A_1054 = arith.index_cast %parallel_loop3A_1052 : i32 to index
        %parallel_loop3A_1055 = tpu.vector_load %arg6[%parallel_loop3A_1053, %parallel_loop3A_1054] {strides = array<i32>} : memref<16x1024xf32, #tpu.memory_space<vmem>>, vector<1x16xf32>,
        %parallel_loop3A_1056 = vector.shape_cast %parallel_loop3A_1055 : vector<1x16xf32> to vector<16xf32>
        %parallel_loop3A_1057 = arith.index_cast %parallel_loop3A_1034 : i32 to index
        %parallel_loop3A_1058 = arith.index_cast %parallel_loop3A_1052 : i32 to index
        %parallel_loop3A_1059 = tpu.vector_load %arg9[%parallel_loop3A_1057, %parallel_loop3A_1058] {strides = array<i32>} : memref<16x1024xf32, #tpu.memory_space<vmem>>, vector<1x16xf32>,
        %parallel_loop3A_1060 = vector.shape_cast %parallel_loop3A_1059 : vector<1x16xf32> to vector<16xf32>
        %parallel_loop3A_1061 = arith.addf %parallel_loop3A_1056, %parallel_loop3A_1060 : vector<16xf32>
        %parallel_loop3A_1062 = arith.index_cast %parallel_loop3A_1034 : i32 to index
        %parallel_loop3A_1063 = arith.index_cast %parallel_loop3A_1052 : i32 to index
        %parallel_loop3A_1064 = tpu.vector_load %arg6[%parallel_loop3A_1062, %parallel_loop3A_1063] {strides = array<i32>} : memref<16x1024xf32, #tpu.memory_space<vmem>>, vector<1x16xf32>,
        %parallel_loop3A_1065 = vector.shape_cast %parallel_loop3A_1064 : vector<1x16xf32> to vector<16xf32>
        %parallel_loop3A_1066 = vector.shape_cast %parallel_loop3A_1061 : vector<16xf32> to vector<1x16xf32>
        tpu.vector_store %arg6[%parallel_loop3A_1062, %parallel_loop3A_1063], %parallel_loop3A_1066 {strides = array<i32>} : memref<16x1024xf32, #tpu.memory_space<vmem>>, vector<1x16xf32>,
      } {sc.loop_unroll_factor = 16 : i64, sc.parallel_access}
      %jit3A_238 = arith.constant 4 : i32
      %div3A_239 = arith.divsi %add3A_173, %jit3A_238 : i32
      %sign3A_240 = arith.constant 0 : i32
      %sign3A_241 = arith.cmpi sgt, %add3A_173, %sign3A_240 : i32
      %sign3A_242 = arith.extui %sign3A_241 : i1 to i32
      %sign3A_243 = arith.constant 0 : i32
      %sign3A_244 = arith.cmpi slt, %add3A_173, %sign3A_243 : i32
      %sign3A_245 = arith.extui %sign3A_244 : i1 to i32
      %sign3A_246 = arith.subi %sign3A_242, %sign3A_245 : i32
      %sign3A_247 = arith.constant 0 : i32
      %sign3A_248 = arith.cmpi sgt, %jit3A_238, %sign3A_247 : i32
      %sign3A_249 = arith.extui %sign3A_248 : i1 to i32
      %sign3A_250 = arith.constant 0 : i32
      %sign3A_251 = arith.cmpi slt, %jit3A_238, %sign3A_250 : i32
      %sign3A_252 = arith.extui %sign3A_251 : i1 to i32
      %sign3A_253 = arith.subi %sign3A_249, %sign3A_252 : i32
      %ne3A_254 = arith.cmpi ne, %sign3A_246, %sign3A_253 : i32
      %rem3A_255 = arith.remsi %add3A_173, %jit3A_238 : i32
      %ne3A_256 = arith.constant 0 : i32
      %ne3A_257 = arith.cmpi ne, %rem3A_255, %ne3A_256 : i32
      %and3A_258 = arith.andi %ne3A_254, %ne3A_257 : i1
      %sub3A_259 = arith.constant 1 : i32
      %sub3A_260 = arith.subi %div3A_239, %sub3A_259 : i32
      %select_n3A_261 = arith.select %and3A_258, %sub3A_260, %div3A_239 : i32
      %jit3A_262 = arith.constant 4 : i32
      %eq3A_263 = arith.constant 0 : i32
      %eq3A_264 = arith.cmpi eq, %jit3A_262, %eq3A_263 : i32
      %jit3A_265 = arith.constant 1 : i32
      %select_n3A_266 = arith.select %eq3A_264, %jit3A_265, %jit3A_262 : i32
      %rem3A_267 = arith.remsi %add3A_173, %select_n3A_266 : i32
      %ne3A_268 = arith.constant 0 : i32
      %ne3A_269 = arith.cmpi ne, %rem3A_267, %ne3A_268 : i32
      %lt3A_270 = arith.constant 0 : i32
      %lt3A_271 = arith.cmpi slt, %rem3A_267, %lt3A_270 : i32
      %lt3A_272 = arith.constant 0 : i32
      %lt3A_273 = arith.cmpi slt, %select_n3A_266, %lt3A_272 : i32
      %ne3A_274 = arith.xori %lt3A_271, %lt3A_273 : i1
      %and3A_275 = arith.andi %ne3A_274, %ne3A_269 : i1
      %add3A_276 = arith.addi %rem3A_267, %select_n3A_266 : i32
      %select_n3A_277 = arith.select %and3A_275, %add3A_276, %rem3A_267 : i32
      %mul3A_278 = arith.constant 16 : i32
      %mul3A_279 = arith.muli %select_n3A_261, %mul3A_278 : i32
      %add3A_280 = arith.addi %mul3A_2, %mul3A_279 : i32
      %dma_start3A_281 = arith.constant 0 : i32
      %dma_start3A_282 = tpu.memref_slice %arg4[%select_n3A_277, %add3A_280, %dma_start3A_281] : memref<4x8192x1024xf32, #tpu.memory_space<hbm>> -> memref<1x16x1024xf32, #tpu.memory_space<hbm>>
      %dma_start3A_283 = tpu.memref_squeeze %dma_start3A_282 : memref<1x16x1024xf32, #tpu.memory_space<hbm>> -> memref<16x1024xf32, #tpu.memory_space<hbm>>
      %dma_start3A_284 = arith.constant 0 : i32
      %dma_start3A_285 = tpu.memref_slice %arg4[%select_n3A_277, %add3A_280, %dma_start3A_284] : memref<4x8192x1024xf32, #tpu.memory_space<hbm>> -> memref<1x16x1024xf32, #tpu.memory_space<hbm>>
      %dma_start3A_286 = tpu.memref_squeeze %dma_start3A_285 : memref<1x16x1024xf32, #tpu.memory_space<hbm>> -> memref<16x1024xf32, #tpu.memory_space<hbm>>
      tpu.enqueue_dma source(%arg6 : memref<16x1024xf32, #tpu.memory_space<vmem>>) target(%dma_start3A_286 : memref<16x1024xf32, #tpu.memory_space<hbm>>) target_semaphore(%arg16 : memref<!tpu.dma_semaphore, #tpu.memory_space<semaphore_mem>>)
      %mul3A_287 = arith.constant 4 : i32
      %mul3A_288 = arith.muli %mul3A_58, %mul3A_287 : i32
      %add3A_289 = arith.constant 2 : i32
      %add3A_290 = arith.addi %mul3A_288, %add3A_289 : i32
      %ge3A_291 = arith.constant 2 : i32
      %ge3A_292 = arith.cmpi sge, %add3A_290, %ge3A_291 : i32
      %convert_element_type3A_293 = arith.extui %ge3A_292 : i1 to i32
      %cond3A_294 = arith.constant 0 : i32
      %cond3A_295 = arith.cmpi ne, %convert_element_type3A_293, %cond3A_294 : i32
      scf.if %cond3A_295 {
        %jit3A_1010 = arith.constant 4 : i32
        %div3A_1011 = arith.divsi %add3A_290, %jit3A_1010 : i32
        %sign3A_1012 = arith.constant 0 : i32
        %sign3A_1013 = arith.cmpi sgt, %add3A_290, %sign3A_1012 : i32
        %sign3A_1014 = arith.extui %sign3A_1013 : i1 to i32
        %sign3A_1015 = arith.constant 0 : i32
        %sign3A_1016 = arith.cmpi slt, %add3A_290, %sign3A_1015 : i32
        %sign3A_1017 = arith.extui %sign3A_1016 : i1 to i32
        %sign3A_1018 = arith.subi %sign3A_1014, %sign3A_1017 : i32
        %sign3A_1019 = arith.constant 0 : i32
        %sign3A_1020 = arith.cmpi sgt, %jit3A_1010, %sign3A_1019 : i32
        %sign3A_1021 = arith.extui %sign3A_1020 : i1 to i32
        %sign3A_1022 = arith.constant 0 : i32
        %sign3A_1023 = arith.cmpi slt, %jit3A_1010, %sign3A_1022 : i32
        %sign3A_1024 = arith.extui %sign3A_1023 : i1 to i32
        %sign3A_1025 = arith.subi %sign3A_1021, %sign3A_1024 : i32
        %ne3A_1026 = arith.cmpi ne, %sign3A_1018, %sign3A_1025 : i32
        %rem3A_1027 = arith.remsi %add3A_290, %jit3A_1010 : i32
        %ne3A_1028 = arith.constant 0 : i32
        %ne3A_1029 = arith.cmpi ne, %rem3A_1027, %ne3A_1028 : i32
        %and3A_1030 = arith.andi %ne3A_1026, %ne3A_1029 : i1
        %sub3A_1031 = arith.constant 1 : i32
        %sub3A_1032 = arith.subi %div3A_1011, %sub3A_1031 : i32
        %select_n3A_1033 = arith.select %and3A_1030, %sub3A_1032, %div3A_1011 : i32
        %jit3A_1034 = arith.constant 4 : i32
        %eq3A_1035 = arith.constant 0 : i32
        %eq3A_1036 = arith.cmpi eq, %jit3A_1034, %eq3A_1035 : i32
        %jit3A_1037 = arith.constant 1 : i32
        %select_n3A_1038 = arith.select %eq3A_1036, %jit3A_1037, %jit3A_1034 : i32
        %rem3A_1039 = arith.remsi %add3A_290, %select_n3A_1038 : i32
        %ne3A_1040 = arith.constant 0 : i32
        %ne3A_1041 = arith.cmpi ne, %rem3A_1039, %ne3A_1040 : i32
        %lt3A_1042 = arith.constant 0 : i32
        %lt3A_1043 = arith.cmpi slt, %rem3A_1039, %lt3A_1042 : i32
        %lt3A_1044 = arith.constant 0 : i32
        %lt3A_1045 = arith.cmpi slt, %select_n3A_1038, %lt3A_1044 : i32
        %ne3A_1046 = arith.xori %lt3A_1043, %lt3A_1045 : i1
        %and3A_1047 = arith.andi %ne3A_1046, %ne3A_1041 : i1
        %add3A_1048 = arith.addi %rem3A_1039, %select_n3A_1038 : i32
        %select_n3A_1049 = arith.select %and3A_1047, %add3A_1048, %rem3A_1039 : i32
        %mul3A_1050 = arith.constant 16 : i32
        %mul3A_1051 = arith.muli %select_n3A_1033, %mul3A_1050 : i32
        %add3A_1052 = arith.addi %mul3A_2, %mul3A_1051 : i32
        %dma_wait3A_1053 = arith.constant 0 : i32
        %dma_wait3A_1054 = tpu.memref_slice %arg4[%select_n3A_1049, %add3A_1052, %dma_wait3A_1053] : memref<4x8192x1024xf32, #tpu.memory_space<hbm>> -> memref<1x16x1024xf32, #tpu.memory_space<hbm>>
        %dma_wait3A_1055 = tpu.memref_squeeze %dma_wait3A_1054 : memref<1x16x1024xf32, #tpu.memory_space<hbm>> -> memref<16x1024xf32, #tpu.memory_space<hbm>>
        %dma_wait3A_1056 = arith.constant 0 : i32
        %dma_wait3A_1057 = tpu.memref_slice %arg4[%select_n3A_1049, %add3A_1052, %dma_wait3A_1056] : memref<4x8192x1024xf32, #tpu.memory_space<hbm>> -> memref<1x16x1024xf32, #tpu.memory_space<hbm>>
        %dma_wait3A_1058 = tpu.memref_squeeze %dma_wait3A_1057 : memref<1x16x1024xf32, #tpu.memory_space<hbm>> -> memref<16x1024xf32, #tpu.memory_space<hbm>>
        tpu.wait_dma2 semaphore(%arg15 : memref<!tpu.dma_semaphore, #tpu.memory_space<semaphore_mem>>) src(%arg5 : memref<16x1024xf32, #tpu.memory_space<vmem>>) dst(%dma_wait3A_1058 : memref<16x1024xf32, #tpu.memory_space<hbm>>)
      } else {
      }
      %add3A_296 = arith.constant 2 : i32
      %add3A_297 = arith.addi %add3A_290, %add3A_296 : i32
      %lt3A_298 = arith.constant 64 : i32
      %lt3A_299 = arith.cmpi slt, %add3A_297, %lt3A_298 : i32
      %convert_element_type3A_300 = arith.extui %lt3A_299 : i1 to i32
      %cond3A_301 = arith.constant 0 : i32
      %cond3A_302 = arith.cmpi ne, %convert_element_type3A_300, %cond3A_301 : i32
      scf.if %cond3A_302 {
        %add3A_1010 = arith.constant 2 : i32
        %add3A_1011 = arith.addi %add3A_290, %add3A_1010 : i32
        %jit3A_1012 = arith.constant 4 : i32
        %div3A_1013 = arith.divsi %add3A_1011, %jit3A_1012 : i32
        %sign3A_1014 = arith.constant 0 : i32
        %sign3A_1015 = arith.cmpi sgt, %add3A_1011, %sign3A_1014 : i32
        %sign3A_1016 = arith.extui %sign3A_1015 : i1 to i32
        %sign3A_1017 = arith.constant 0 : i32
        %sign3A_1018 = arith.cmpi slt, %add3A_1011, %sign3A_1017 : i32
        %sign3A_1019 = arith.extui %sign3A_1018 : i1 to i32
        %sign3A_1020 = arith.subi %sign3A_1016, %sign3A_1019 : i32
        %sign3A_1021 = arith.constant 0 : i32
        %sign3A_1022 = arith.cmpi sgt, %jit3A_1012, %sign3A_1021 : i32
        %sign3A_1023 = arith.extui %sign3A_1022 : i1 to i32
        %sign3A_1024 = arith.constant 0 : i32
        %sign3A_1025 = arith.cmpi slt, %jit3A_1012, %sign3A_1024 : i32
        %sign3A_1026 = arith.extui %sign3A_1025 : i1 to i32
        %sign3A_1027 = arith.subi %sign3A_1023, %sign3A_1026 : i32
        %ne3A_1028 = arith.cmpi ne, %sign3A_1020, %sign3A_1027 : i32
        %rem3A_1029 = arith.remsi %add3A_1011, %jit3A_1012 : i32
        %ne3A_1030 = arith.constant 0 : i32
        %ne3A_1031 = arith.cmpi ne, %rem3A_1029, %ne3A_1030 : i32
        %and3A_1032 = arith.andi %ne3A_1028, %ne3A_1031 : i1
        %sub3A_1033 = arith.constant 1 : i32
        %sub3A_1034 = arith.subi %div3A_1013, %sub3A_1033 : i32
        %select_n3A_1035 = arith.select %and3A_1032, %sub3A_1034, %div3A_1013 : i32
        %jit3A_1036 = arith.constant 4 : i32
        %eq3A_1037 = arith.constant 0 : i32
        %eq3A_1038 = arith.cmpi eq, %jit3A_1036, %eq3A_1037 : i32
        %jit3A_1039 = arith.constant 1 : i32
        %select_n3A_1040 = arith.select %eq3A_1038, %jit3A_1039, %jit3A_1036 : i32
        %rem3A_1041 = arith.remsi %add3A_1011, %select_n3A_1040 : i32
        %ne3A_1042 = arith.constant 0 : i32
        %ne3A_1043 = arith.cmpi ne, %rem3A_1041, %ne3A_1042 : i32
        %lt3A_1044 = arith.constant 0 : i32
        %lt3A_1045 = arith.cmpi slt, %rem3A_1041, %lt3A_1044 : i32
        %lt3A_1046 = arith.constant 0 : i32
        %lt3A_1047 = arith.cmpi slt, %select_n3A_1040, %lt3A_1046 : i32
        %ne3A_1048 = arith.xori %lt3A_1045, %lt3A_1047 : i1
        %and3A_1049 = arith.andi %ne3A_1048, %ne3A_1043 : i1
        %add3A_1050 = arith.addi %rem3A_1041, %select_n3A_1040 : i32
        %select_n3A_1051 = arith.select %and3A_1049, %add3A_1050, %rem3A_1041 : i32
        %mul3A_1052 = arith.constant 16 : i32
        %mul3A_1053 = arith.muli %select_n3A_1035, %mul3A_1052 : i32
        %add3A_1054 = arith.addi %mul3A_2, %mul3A_1053 : i32
        %dma_start3A_1055 = arith.constant 0 : i32
        %dma_start3A_1056 = tpu.memref_slice %arg2[%select_n3A_1051, %add3A_1054, %dma_start3A_1055] : memref<4x8192x1024xf32, #tpu.memory_space<hbm>> -> memref<1x16x1024xf32, #tpu.memory_space<hbm>>
        %dma_start3A_1057 = tpu.memref_squeeze %dma_start3A_1056 : memref<1x16x1024xf32, #tpu.memory_space<hbm>> -> memref<16x1024xf32, #tpu.memory_space<hbm>>
        %dma_start3A_1058 = arith.constant 0 : i32
        %dma_start3A_1059 = tpu.memref_slice %arg2[%select_n3A_1051, %add3A_1054, %dma_start3A_1058] : memref<4x8192x1024xf32, #tpu.memory_space<hbm>> -> memref<1x16x1024xf32, #tpu.memory_space<hbm>>
        %dma_start3A_1060 = tpu.memref_squeeze %dma_start3A_1059 : memref<1x16x1024xf32, #tpu.memory_space<hbm>> -> memref<16x1024xf32, #tpu.memory_space<hbm>>
        tpu.enqueue_dma source(%dma_start3A_1060 : memref<16x1024xf32, #tpu.memory_space<hbm>>) target(%arg5 : memref<16x1024xf32, #tpu.memory_space<vmem>>) target_semaphore(%arg11 : memref<!tpu.dma_semaphore, #tpu.memory_space<semaphore_mem>>)
      } else {
      }
      %jit3A_303 = arith.constant 4 : i32
      %div3A_304 = arith.divsi %add3A_290, %jit3A_303 : i32
      %sign3A_305 = arith.constant 0 : i32
      %sign3A_306 = arith.cmpi sgt, %add3A_290, %sign3A_305 : i32
      %sign3A_307 = arith.extui %sign3A_306 : i1 to i32
      %sign3A_308 = arith.constant 0 : i32
      %sign3A_309 = arith.cmpi slt, %add3A_290, %sign3A_308 : i32
      %sign3A_310 = arith.extui %sign3A_309 : i1 to i32
      %sign3A_311 = arith.subi %sign3A_307, %sign3A_310 : i32
      %sign3A_312 = arith.constant 0 : i32
      %sign3A_313 = arith.cmpi sgt, %jit3A_303, %sign3A_312 : i32
      %sign3A_314 = arith.extui %sign3A_313 : i1 to i32
      %sign3A_315 = arith.constant 0 : i32
      %sign3A_316 = arith.cmpi slt, %jit3A_303, %sign3A_315 : i32
      %sign3A_317 = arith.extui %sign3A_316 : i1 to i32
      %sign3A_318 = arith.subi %sign3A_314, %sign3A_317 : i32
      %ne3A_319 = arith.cmpi ne, %sign3A_311, %sign3A_318 : i32
      %rem3A_320 = arith.remsi %add3A_290, %jit3A_303 : i32
      %ne3A_321 = arith.constant 0 : i32
      %ne3A_322 = arith.cmpi ne, %rem3A_320, %ne3A_321 : i32
      %and3A_323 = arith.andi %ne3A_319, %ne3A_322 : i1
      %sub3A_324 = arith.constant 1 : i32
      %sub3A_325 = arith.subi %div3A_304, %sub3A_324 : i32
      %select_n3A_326 = arith.select %and3A_323, %sub3A_325, %div3A_304 : i32
      %jit3A_327 = arith.constant 4 : i32
      %eq3A_328 = arith.constant 0 : i32
      %eq3A_329 = arith.cmpi eq, %jit3A_327, %eq3A_328 : i32
      %jit3A_330 = arith.constant 1 : i32
      %select_n3A_331 = arith.select %eq3A_329, %jit3A_330, %jit3A_327 : i32
      %rem3A_332 = arith.remsi %add3A_290, %select_n3A_331 : i32
      %ne3A_333 = arith.constant 0 : i32
      %ne3A_334 = arith.cmpi ne, %rem3A_332, %ne3A_333 : i32
      %lt3A_335 = arith.constant 0 : i32
      %lt3A_336 = arith.cmpi slt, %rem3A_332, %lt3A_335 : i32
      %lt3A_337 = arith.constant 0 : i32
      %lt3A_338 = arith.cmpi slt, %select_n3A_331, %lt3A_337 : i32
      %ne3A_339 = arith.xori %lt3A_336, %lt3A_338 : i1
      %and3A_340 = arith.andi %ne3A_339, %ne3A_334 : i1
      %add3A_341 = arith.addi %rem3A_332, %select_n3A_331 : i32
      %select_n3A_342 = arith.select %and3A_340, %add3A_341, %rem3A_332 : i32
      %mul3A_343 = arith.constant 16 : i32
      %mul3A_344 = arith.muli %select_n3A_326, %mul3A_343 : i32
      %add3A_345 = arith.addi %mul3A_2, %mul3A_344 : i32
      %dma_wait3A_346 = arith.constant 0 : i32
      %dma_wait3A_347 = tpu.memref_slice %arg2[%select_n3A_342, %add3A_345, %dma_wait3A_346] : memref<4x8192x1024xf32, #tpu.memory_space<hbm>> -> memref<1x16x1024xf32, #tpu.memory_space<hbm>>
      %dma_wait3A_348 = tpu.memref_squeeze %dma_wait3A_347 : memref<1x16x1024xf32, #tpu.memory_space<hbm>> -> memref<16x1024xf32, #tpu.memory_space<hbm>>
      %dma_wait3A_349 = arith.constant 0 : i32
      %dma_wait3A_350 = tpu.memref_slice %arg2[%select_n3A_342, %add3A_345, %dma_wait3A_349] : memref<4x8192x1024xf32, #tpu.memory_space<hbm>> -> memref<1x16x1024xf32, #tpu.memory_space<hbm>>
      %dma_wait3A_351 = tpu.memref_squeeze %dma_wait3A_350 : memref<1x16x1024xf32, #tpu.memory_space<hbm>> -> memref<16x1024xf32, #tpu.memory_space<hbm>>
      tpu.wait_dma2 semaphore(%arg13 : memref<!tpu.dma_semaphore, #tpu.memory_space<semaphore_mem>>) src(%dma_wait3A_351 : memref<16x1024xf32, #tpu.memory_space<hbm>>) dst(%arg7 : memref<16x1024xf32, #tpu.memory_space<vmem>>)
      %parallel_loop3A_352 = arith.constant 0 : i32
      %parallel_loop3A_353 = arith.constant 1024 : i32
      %parallel_loop3A_354 = arith.constant 1 : i32
      scf.for %parallel_loop3A_1010 = %parallel_loop3A_352 to %parallel_loop3A_353 step %parallel_loop3A_354  : i32 {
        %parallel_loop3A_1011 = arith.constant 64 : i32
        %parallel_loop3A_1012 = arith.divsi %parallel_loop3A_1010, %parallel_loop3A_1011 : i32
        %parallel_loop3A_1013 = arith.constant 0 : i32
        %parallel_loop3A_1014 = arith.cmpi sgt, %parallel_loop3A_1010, %parallel_loop3A_1013 : i32
        %parallel_loop3A_1015 = arith.extui %parallel_loop3A_1014 : i1 to i32
        %parallel_loop3A_1016 = arith.constant 0 : i32
        %parallel_loop3A_1017 = arith.cmpi slt, %parallel_loop3A_1010, %parallel_loop3A_1016 : i32
        %parallel_loop3A_1018 = arith.extui %parallel_loop3A_1017 : i1 to i32
        %parallel_loop3A_1019 = arith.subi %parallel_loop3A_1015, %parallel_loop3A_1018 : i32
        %parallel_loop3A_1020 = arith.constant 0 : i32
        %parallel_loop3A_1021 = arith.cmpi sgt, %parallel_loop3A_1011, %parallel_loop3A_1020 : i32
        %parallel_loop3A_1022 = arith.extui %parallel_loop3A_1021 : i1 to i32
        %parallel_loop3A_1023 = arith.constant 0 : i32
        %parallel_loop3A_1024 = arith.cmpi slt, %parallel_loop3A_1011, %parallel_loop3A_1023 : i32
        %parallel_loop3A_1025 = arith.extui %parallel_loop3A_1024 : i1 to i32
        %parallel_loop3A_1026 = arith.subi %parallel_loop3A_1022, %parallel_loop3A_1025 : i32
        %parallel_loop3A_1027 = arith.cmpi ne, %parallel_loop3A_1019, %parallel_loop3A_1026 : i32
        %parallel_loop3A_1028 = arith.remsi %parallel_loop3A_1010, %parallel_loop3A_1011 : i32
        %parallel_loop3A_1029 = arith.constant 0 : i32
        %parallel_loop3A_1030 = arith.cmpi ne, %parallel_loop3A_1028, %parallel_loop3A_1029 : i32
        %parallel_loop3A_1031 = arith.andi %parallel_loop3A_1027, %parallel_loop3A_1030 : i1
        %parallel_loop3A_1032 = arith.constant 1 : i32
        %parallel_loop3A_1033 = arith.subi %parallel_loop3A_1012, %parallel_loop3A_1032 : i32
        %parallel_loop3A_1034 = arith.select %parallel_loop3A_1031, %parallel_loop3A_1033, %parallel_loop3A_1012 : i32
        %parallel_loop3A_1035 = arith.constant 64 : i32
        %parallel_loop3A_1036 = arith.constant 0 : i32
        %parallel_loop3A_1037 = arith.cmpi eq, %parallel_loop3A_1035, %parallel_loop3A_1036 : i32
        %parallel_loop3A_1038 = arith.constant 1 : i32
        %parallel_loop3A_1039 = arith.select %parallel_loop3A_1037, %parallel_loop3A_1038, %parallel_loop3A_1035 : i32
        %parallel_loop3A_1040 = arith.remsi %parallel_loop3A_1010, %parallel_loop3A_1039 : i32
        %parallel_loop3A_1041 = arith.constant 0 : i32
        %parallel_loop3A_1042 = arith.cmpi ne, %parallel_loop3A_1040, %parallel_loop3A_1041 : i32
        %parallel_loop3A_1043 = arith.constant 0 : i32
        %parallel_loop3A_1044 = arith.cmpi slt, %parallel_loop3A_1040, %parallel_loop3A_1043 : i32
        %parallel_loop3A_1045 = arith.constant 0 : i32
        %parallel_loop3A_1046 = arith.cmpi slt, %parallel_loop3A_1039, %parallel_loop3A_1045 : i32
        %parallel_loop3A_1047 = arith.xori %parallel_loop3A_1044, %parallel_loop3A_1046 : i1
        %parallel_loop3A_1048 = arith.andi %parallel_loop3A_1047, %parallel_loop3A_1042 : i1
        %parallel_loop3A_1049 = arith.addi %parallel_loop3A_1040, %parallel_loop3A_1039 : i32
        %parallel_loop3A_1050 = arith.select %parallel_loop3A_1048, %parallel_loop3A_1049, %parallel_loop3A_1040 : i32
        %parallel_loop3A_1051 = arith.constant 16 : i32
        %parallel_loop3A_1052 = arith.muli %parallel_loop3A_1050, %parallel_loop3A_1051 : i32
        %parallel_loop3A_1053 = arith.index_cast %parallel_loop3A_1034 : i32 to index
        %parallel_loop3A_1054 = arith.index_cast %parallel_loop3A_1052 : i32 to index
        %parallel_loop3A_1055 = tpu.vector_load %arg7[%parallel_loop3A_1053, %parallel_loop3A_1054] {strides = array<i32>} : memref<16x1024xf32, #tpu.memory_space<vmem>>, vector<1x16xf32>,
        %parallel_loop3A_1056 = vector.shape_cast %parallel_loop3A_1055 : vector<1x16xf32> to vector<16xf32>
        %parallel_loop3A_1057 = arith.index_cast %parallel_loop3A_1034 : i32 to index
        %parallel_loop3A_1058 = arith.index_cast %parallel_loop3A_1052 : i32 to index
        %parallel_loop3A_1059 = tpu.vector_load %arg9[%parallel_loop3A_1057, %parallel_loop3A_1058] {strides = array<i32>} : memref<16x1024xf32, #tpu.memory_space<vmem>>, vector<1x16xf32>,
        %parallel_loop3A_1060 = vector.shape_cast %parallel_loop3A_1059 : vector<1x16xf32> to vector<16xf32>
        %parallel_loop3A_1061 = arith.addf %parallel_loop3A_1056, %parallel_loop3A_1060 : vector<16xf32>
        %parallel_loop3A_1062 = arith.index_cast %parallel_loop3A_1034 : i32 to index
        %parallel_loop3A_1063 = arith.index_cast %parallel_loop3A_1052 : i32 to index
        %parallel_loop3A_1064 = tpu.vector_load %arg7[%parallel_loop3A_1062, %parallel_loop3A_1063] {strides = array<i32>} : memref<16x1024xf32, #tpu.memory_space<vmem>>, vector<1x16xf32>,
        %parallel_loop3A_1065 = vector.shape_cast %parallel_loop3A_1064 : vector<1x16xf32> to vector<16xf32>
        %parallel_loop3A_1066 = vector.shape_cast %parallel_loop3A_1061 : vector<16xf32> to vector<1x16xf32>
        tpu.vector_store %arg7[%parallel_loop3A_1062, %parallel_loop3A_1063], %parallel_loop3A_1066 {strides = array<i32>} : memref<16x1024xf32, #tpu.memory_space<vmem>>, vector<1x16xf32>,
      } {sc.loop_unroll_factor = 16 : i64, sc.parallel_access}
      %jit3A_355 = arith.constant 4 : i32
      %div3A_356 = arith.divsi %add3A_290, %jit3A_355 : i32
      %sign3A_357 = arith.constant 0 : i32
      %sign3A_358 = arith.cmpi sgt, %add3A_290, %sign3A_357 : i32
      %sign3A_359 = arith.extui %sign3A_358 : i1 to i32
      %sign3A_360 = arith.constant 0 : i32
      %sign3A_361 = arith.cmpi slt, %add3A_290, %sign3A_360 : i32
      %sign3A_362 = arith.extui %sign3A_361 : i1 to i32
      %sign3A_363 = arith.subi %sign3A_359, %sign3A_362 : i32
      %sign3A_364 = arith.constant 0 : i32
      %sign3A_365 = arith.cmpi sgt, %jit3A_355, %sign3A_364 : i32
      %sign3A_366 = arith.extui %sign3A_365 : i1 to i32
      %sign3A_367 = arith.constant 0 : i32
      %sign3A_368 = arith.cmpi slt, %jit3A_355, %sign3A_367 : i32
      %sign3A_369 = arith.extui %sign3A_368 : i1 to i32
      %sign3A_370 = arith.subi %sign3A_366, %sign3A_369 : i32
      %ne3A_371 = arith.cmpi ne, %sign3A_363, %sign3A_370 : i32
      %rem3A_372 = arith.remsi %add3A_290, %jit3A_355 : i32
      %ne3A_373 = arith.constant 0 : i32
      %ne3A_374 = arith.cmpi ne, %rem3A_372, %ne3A_373 : i32
      %and3A_375 = arith.andi %ne3A_371, %ne3A_374 : i1
      %sub3A_376 = arith.constant 1 : i32
      %sub3A_377 = arith.subi %div3A_356, %sub3A_376 : i32
      %select_n3A_378 = arith.select %and3A_375, %sub3A_377, %div3A_356 : i32
      %jit3A_379 = arith.constant 4 : i32
      %eq3A_380 = arith.constant 0 : i32
      %eq3A_381 = arith.cmpi eq, %jit3A_379, %eq3A_380 : i32
      %jit3A_382 = arith.constant 1 : i32
      %select_n3A_383 = arith.select %eq3A_381, %jit3A_382, %jit3A_379 : i32
      %rem3A_384 = arith.remsi %add3A_290, %select_n3A_383 : i32
      %ne3A_385 = arith.constant 0 : i32
      %ne3A_386 = arith.cmpi ne, %rem3A_384, %ne3A_385 : i32
      %lt3A_387 = arith.constant 0 : i32
      %lt3A_388 = arith.cmpi slt, %rem3A_384, %lt3A_387 : i32
      %lt3A_389 = arith.constant 0 : i32
      %lt3A_390 = arith.cmpi slt, %select_n3A_383, %lt3A_389 : i32
      %ne3A_391 = arith.xori %lt3A_388, %lt3A_390 : i1
      %and3A_392 = arith.andi %ne3A_391, %ne3A_386 : i1
      %add3A_393 = arith.addi %rem3A_384, %select_n3A_383 : i32
      %select_n3A_394 = arith.select %and3A_392, %add3A_393, %rem3A_384 : i32
      %mul3A_395 = arith.constant 16 : i32
      %mul3A_396 = arith.muli %select_n3A_378, %mul3A_395 : i32
      %add3A_397 = arith.addi %mul3A_2, %mul3A_396 : i32
      %dma_start3A_398 = arith.constant 0 : i32
      %dma_start3A_399 = tpu.memref_slice %arg4[%select_n3A_394, %add3A_397, %dma_start3A_398] : memref<4x8192x1024xf32, #tpu.memory_space<hbm>> -> memref<1x16x1024xf32, #tpu.memory_space<hbm>>
      %dma_start3A_400 = tpu.memref_squeeze %dma_start3A_399 : memref<1x16x1024xf32, #tpu.memory_space<hbm>> -> memref<16x1024xf32, #tpu.memory_space<hbm>>
      %dma_start3A_401 = arith.constant 0 : i32
      %dma_start3A_402 = tpu.memref_slice %arg4[%select_n3A_394, %add3A_397, %dma_start3A_401] : memref<4x8192x1024xf32, #tpu.memory_space<hbm>> -> memref<1x16x1024xf32, #tpu.memory_space<hbm>>
      %dma_start3A_403 = tpu.memref_squeeze %dma_start3A_402 : memref<1x16x1024xf32, #tpu.memory_space<hbm>> -> memref<16x1024xf32, #tpu.memory_space<hbm>>
      tpu.enqueue_dma source(%arg7 : memref<16x1024xf32, #tpu.memory_space<vmem>>) target(%dma_start3A_403 : memref<16x1024xf32, #tpu.memory_space<hbm>>) target_semaphore(%arg17 : memref<!tpu.dma_semaphore, #tpu.memory_space<semaphore_mem>>)
      %mul3A_404 = arith.constant 4 : i32
      %mul3A_405 = arith.muli %mul3A_58, %mul3A_404 : i32
      %add3A_406 = arith.constant 3 : i32
      %add3A_407 = arith.addi %mul3A_405, %add3A_406 : i32
      %ge3A_408 = arith.constant 2 : i32
      %ge3A_409 = arith.cmpi sge, %add3A_407, %ge3A_408 : i32
      %convert_element_type3A_410 = arith.extui %ge3A_409 : i1 to i32
      %cond3A_411 = arith.constant 0 : i32
      %cond3A_412 = arith.cmpi ne, %convert_element_type3A_410, %cond3A_411 : i32
      scf.if %cond3A_412 {
        %jit3A_1010 = arith.constant 4 : i32
        %div3A_1011 = arith.divsi %add3A_407, %jit3A_1010 : i32
        %sign3A_1012 = arith.constant 0 : i32
        %sign3A_1013 = arith.cmpi sgt, %add3A_407, %sign3A_1012 : i32
        %sign3A_1014 = arith.extui %sign3A_1013 : i1 to i32
        %sign3A_1015 = arith.constant 0 : i32
        %sign3A_1016 = arith.cmpi slt, %add3A_407, %sign3A_1015 : i32
        %sign3A_1017 = arith.extui %sign3A_1016 : i1 to i32
        %sign3A_1018 = arith.subi %sign3A_1014, %sign3A_1017 : i32
        %sign3A_1019 = arith.constant 0 : i32
        %sign3A_1020 = arith.cmpi sgt, %jit3A_1010, %sign3A_1019 : i32
        %sign3A_1021 = arith.extui %sign3A_1020 : i1 to i32
        %sign3A_1022 = arith.constant 0 : i32
        %sign3A_1023 = arith.cmpi slt, %jit3A_1010, %sign3A_1022 : i32
        %sign3A_1024 = arith.extui %sign3A_1023 : i1 to i32
        %sign3A_1025 = arith.subi %sign3A_1021, %sign3A_1024 : i32
        %ne3A_1026 = arith.cmpi ne, %sign3A_1018, %sign3A_1025 : i32
        %rem3A_1027 = arith.remsi %add3A_407, %jit3A_1010 : i32
        %ne3A_1028 = arith.constant 0 : i32
        %ne3A_1029 = arith.cmpi ne, %rem3A_1027, %ne3A_1028 : i32
        %and3A_1030 = arith.andi %ne3A_1026, %ne3A_1029 : i1
        %sub3A_1031 = arith.constant 1 : i32
        %sub3A_1032 = arith.subi %div3A_1011, %sub3A_1031 : i32
        %select_n3A_1033 = arith.select %and3A_1030, %sub3A_1032, %div3A_1011 : i32
        %jit3A_1034 = arith.constant 4 : i32
        %eq3A_1035 = arith.constant 0 : i32
        %eq3A_1036 = arith.cmpi eq, %jit3A_1034, %eq3A_1035 : i32
        %jit3A_1037 = arith.constant 1 : i32
        %select_n3A_1038 = arith.select %eq3A_1036, %jit3A_1037, %jit3A_1034 : i32
        %rem3A_1039 = arith.remsi %add3A_407, %select_n3A_1038 : i32
        %ne3A_1040 = arith.constant 0 : i32
        %ne3A_1041 = arith.cmpi ne, %rem3A_1039, %ne3A_1040 : i32
        %lt3A_1042 = arith.constant 0 : i32
        %lt3A_1043 = arith.cmpi slt, %rem3A_1039, %lt3A_1042 : i32
        %lt3A_1044 = arith.constant 0 : i32
        %lt3A_1045 = arith.cmpi slt, %select_n3A_1038, %lt3A_1044 : i32
        %ne3A_1046 = arith.xori %lt3A_1043, %lt3A_1045 : i1
        %and3A_1047 = arith.andi %ne3A_1046, %ne3A_1041 : i1
        %add3A_1048 = arith.addi %rem3A_1039, %select_n3A_1038 : i32
        %select_n3A_1049 = arith.select %and3A_1047, %add3A_1048, %rem3A_1039 : i32
        %mul3A_1050 = arith.constant 16 : i32
        %mul3A_1051 = arith.muli %select_n3A_1033, %mul3A_1050 : i32
        %add3A_1052 = arith.addi %mul3A_2, %mul3A_1051 : i32
        %dma_wait3A_1053 = arith.constant 0 : i32
        %dma_wait3A_1054 = tpu.memref_slice %arg4[%select_n3A_1049, %add3A_1052, %dma_wait3A_1053] : memref<4x8192x1024xf32, #tpu.memory_space<hbm>> -> memref<1x16x1024xf32, #tpu.memory_space<hbm>>
        %dma_wait3A_1055 = tpu.memref_squeeze %dma_wait3A_1054 : memref<1x16x1024xf32, #tpu.memory_space<hbm>> -> memref<16x1024xf32, #tpu.memory_space<hbm>>
        %dma_wait3A_1056 = arith.constant 0 : i32
        %dma_wait3A_1057 = tpu.memref_slice %arg4[%select_n3A_1049, %add3A_1052, %dma_wait3A_1056] : memref<4x8192x1024xf32, #tpu.memory_space<hbm>> -> memref<1x16x1024xf32, #tpu.memory_space<hbm>>
        %dma_wait3A_1058 = tpu.memref_squeeze %dma_wait3A_1057 : memref<1x16x1024xf32, #tpu.memory_space<hbm>> -> memref<16x1024xf32, #tpu.memory_space<hbm>>
        tpu.wait_dma2 semaphore(%arg16 : memref<!tpu.dma_semaphore, #tpu.memory_space<semaphore_mem>>) src(%arg6 : memref<16x1024xf32, #tpu.memory_space<vmem>>) dst(%dma_wait3A_1058 : memref<16x1024xf32, #tpu.memory_space<hbm>>)
      } else {
      }
      %add3A_413 = arith.constant 2 : i32
      %add3A_414 = arith.addi %add3A_407, %add3A_413 : i32
      %lt3A_415 = arith.constant 64 : i32
      %lt3A_416 = arith.cmpi slt, %add3A_414, %lt3A_415 : i32
      %convert_element_type3A_417 = arith.extui %lt3A_416 : i1 to i32
      %cond3A_418 = arith.constant 0 : i32
      %cond3A_419 = arith.cmpi ne, %convert_element_type3A_417, %cond3A_418 : i32
      scf.if %cond3A_419 {
        %add3A_1010 = arith.constant 2 : i32
        %add3A_1011 = arith.addi %add3A_407, %add3A_1010 : i32
        %jit3A_1012 = arith.constant 4 : i32
        %div3A_1013 = arith.divsi %add3A_1011, %jit3A_1012 : i32
        %sign3A_1014 = arith.constant 0 : i32
        %sign3A_1015 = arith.cmpi sgt, %add3A_1011, %sign3A_1014 : i32
        %sign3A_1016 = arith.extui %sign3A_1015 : i1 to i32
        %sign3A_1017 = arith.constant 0 : i32
        %sign3A_1018 = arith.cmpi slt, %add3A_1011, %sign3A_1017 : i32
        %sign3A_1019 = arith.extui %sign3A_1018 : i1 to i32
        %sign3A_1020 = arith.subi %sign3A_1016, %sign3A_1019 : i32
        %sign3A_1021 = arith.constant 0 : i32
        %sign3A_1022 = arith.cmpi sgt, %jit3A_1012, %sign3A_1021 : i32
        %sign3A_1023 = arith.extui %sign3A_1022 : i1 to i32
        %sign3A_1024 = arith.constant 0 : i32
        %sign3A_1025 = arith.cmpi slt, %jit3A_1012, %sign3A_1024 : i32
        %sign3A_1026 = arith.extui %sign3A_1025 : i1 to i32
        %sign3A_1027 = arith.subi %sign3A_1023, %sign3A_1026 : i32
        %ne3A_1028 = arith.cmpi ne, %sign3A_1020, %sign3A_1027 : i32
        %rem3A_1029 = arith.remsi %add3A_1011, %jit3A_1012 : i32
        %ne3A_1030 = arith.constant 0 : i32
        %ne3A_1031 = arith.cmpi ne, %rem3A_1029, %ne3A_1030 : i32
        %and3A_1032 = arith.andi %ne3A_1028, %ne3A_1031 : i1
        %sub3A_1033 = arith.constant 1 : i32
        %sub3A_1034 = arith.subi %div3A_1013, %sub3A_1033 : i32
        %select_n3A_1035 = arith.select %and3A_1032, %sub3A_1034, %div3A_1013 : i32
        %jit3A_1036 = arith.constant 4 : i32
        %eq3A_1037 = arith.constant 0 : i32
        %eq3A_1038 = arith.cmpi eq, %jit3A_1036, %eq3A_1037 : i32
        %jit3A_1039 = arith.constant 1 : i32
        %select_n3A_1040 = arith.select %eq3A_1038, %jit3A_1039, %jit3A_1036 : i32
        %rem3A_1041 = arith.remsi %add3A_1011, %select_n3A_1040 : i32
        %ne3A_1042 = arith.constant 0 : i32
        %ne3A_1043 = arith.cmpi ne, %rem3A_1041, %ne3A_1042 : i32
        %lt3A_1044 = arith.constant 0 : i32
        %lt3A_1045 = arith.cmpi slt, %rem3A_1041, %lt3A_1044 : i32
        %lt3A_1046 = arith.constant 0 : i32
        %lt3A_1047 = arith.cmpi slt, %select_n3A_1040, %lt3A_1046 : i32
        %ne3A_1048 = arith.xori %lt3A_1045, %lt3A_1047 : i1
        %and3A_1049 = arith.andi %ne3A_1048, %ne3A_1043 : i1
        %add3A_1050 = arith.addi %rem3A_1041, %select_n3A_1040 : i32
        %select_n3A_1051 = arith.select %and3A_1049, %add3A_1050, %rem3A_1041 : i32
        %mul3A_1052 = arith.constant 16 : i32
        %mul3A_1053 = arith.muli %select_n3A_1035, %mul3A_1052 : i32
        %add3A_1054 = arith.addi %mul3A_2, %mul3A_1053 : i32
        %dma_start3A_1055 = arith.constant 0 : i32
        %dma_start3A_1056 = tpu.memref_slice %arg2[%select_n3A_1051, %add3A_1054, %dma_start3A_1055] : memref<4x8192x1024xf32, #tpu.memory_space<hbm>> -> memref<1x16x1024xf32, #tpu.memory_space<hbm>>
        %dma_start3A_1057 = tpu.memref_squeeze %dma_start3A_1056 : memref<1x16x1024xf32, #tpu.memory_space<hbm>> -> memref<16x1024xf32, #tpu.memory_space<hbm>>
        %dma_start3A_1058 = arith.constant 0 : i32
        %dma_start3A_1059 = tpu.memref_slice %arg2[%select_n3A_1051, %add3A_1054, %dma_start3A_1058] : memref<4x8192x1024xf32, #tpu.memory_space<hbm>> -> memref<1x16x1024xf32, #tpu.memory_space<hbm>>
        %dma_start3A_1060 = tpu.memref_squeeze %dma_start3A_1059 : memref<1x16x1024xf32, #tpu.memory_space<hbm>> -> memref<16x1024xf32, #tpu.memory_space<hbm>>
        tpu.enqueue_dma source(%dma_start3A_1060 : memref<16x1024xf32, #tpu.memory_space<hbm>>) target(%arg6 : memref<16x1024xf32, #tpu.memory_space<vmem>>) target_semaphore(%arg12 : memref<!tpu.dma_semaphore, #tpu.memory_space<semaphore_mem>>)
      } else {
      }
      %jit3A_420 = arith.constant 4 : i32
      %div3A_421 = arith.divsi %add3A_407, %jit3A_420 : i32
      %sign3A_422 = arith.constant 0 : i32
      %sign3A_423 = arith.cmpi sgt, %add3A_407, %sign3A_422 : i32
      %sign3A_424 = arith.extui %sign3A_423 : i1 to i32
      %sign3A_425 = arith.constant 0 : i32
      %sign3A_426 = arith.cmpi slt, %add3A_407, %sign3A_425 : i32
      %sign3A_427 = arith.extui %sign3A_426 : i1 to i32
      %sign3A_428 = arith.subi %sign3A_424, %sign3A_427 : i32
      %sign3A_429 = arith.constant 0 : i32
      %sign3A_430 = arith.cmpi sgt, %jit3A_420, %sign3A_429 : i32
      %sign3A_431 = arith.extui %sign3A_430 : i1 to i32
      %sign3A_432 = arith.constant 0 : i32
      %sign3A_433 = arith.cmpi slt, %jit3A_420, %sign3A_432 : i32
      %sign3A_434 = arith.extui %sign3A_433 : i1 to i32
      %sign3A_435 = arith.subi %sign3A_431, %sign3A_434 : i32
      %ne3A_436 = arith.cmpi ne, %sign3A_428, %sign3A_435 : i32
      %rem3A_437 = arith.remsi %add3A_407, %jit3A_420 : i32
      %ne3A_438 = arith.constant 0 : i32
      %ne3A_439 = arith.cmpi ne, %rem3A_437, %ne3A_438 : i32
      %and3A_440 = arith.andi %ne3A_436, %ne3A_439 : i1
      %sub3A_441 = arith.constant 1 : i32
      %sub3A_442 = arith.subi %div3A_421, %sub3A_441 : i32
      %select_n3A_443 = arith.select %and3A_440, %sub3A_442, %div3A_421 : i32
      %jit3A_444 = arith.constant 4 : i32
      %eq3A_445 = arith.constant 0 : i32
      %eq3A_446 = arith.cmpi eq, %jit3A_444, %eq3A_445 : i32
      %jit3A_447 = arith.constant 1 : i32
      %select_n3A_448 = arith.select %eq3A_446, %jit3A_447, %jit3A_444 : i32
      %rem3A_449 = arith.remsi %add3A_407, %select_n3A_448 : i32
      %ne3A_450 = arith.constant 0 : i32
      %ne3A_451 = arith.cmpi ne, %rem3A_449, %ne3A_450 : i32
      %lt3A_452 = arith.constant 0 : i32
      %lt3A_453 = arith.cmpi slt, %rem3A_449, %lt3A_452 : i32
      %lt3A_454 = arith.constant 0 : i32
      %lt3A_455 = arith.cmpi slt, %select_n3A_448, %lt3A_454 : i32
      %ne3A_456 = arith.xori %lt3A_453, %lt3A_455 : i1
      %and3A_457 = arith.andi %ne3A_456, %ne3A_451 : i1
      %add3A_458 = arith.addi %rem3A_449, %select_n3A_448 : i32
      %select_n3A_459 = arith.select %and3A_457, %add3A_458, %rem3A_449 : i32
      %mul3A_460 = arith.constant 16 : i32
      %mul3A_461 = arith.muli %select_n3A_443, %mul3A_460 : i32
      %add3A_462 = arith.addi %mul3A_2, %mul3A_461 : i32
      %dma_wait3A_463 = arith.constant 0 : i32
      %dma_wait3A_464 = tpu.memref_slice %arg2[%select_n3A_459, %add3A_462, %dma_wait3A_463] : memref<4x8192x1024xf32, #tpu.memory_space<hbm>> -> memref<1x16x1024xf32, #tpu.memory_space<hbm>>
      %dma_wait3A_465 = tpu.memref_squeeze %dma_wait3A_464 : memref<1x16x1024xf32, #tpu.memory_space<hbm>> -> memref<16x1024xf32, #tpu.memory_space<hbm>>
      %dma_wait3A_466 = arith.constant 0 : i32
      %dma_wait3A_467 = tpu.memref_slice %arg2[%select_n3A_459, %add3A_462, %dma_wait3A_466] : memref<4x8192x1024xf32, #tpu.memory_space<hbm>> -> memref<1x16x1024xf32, #tpu.memory_space<hbm>>
      %dma_wait3A_468 = tpu.memref_squeeze %dma_wait3A_467 : memref<1x16x1024xf32, #tpu.memory_space<hbm>> -> memref<16x1024xf32, #tpu.memory_space<hbm>>
      tpu.wait_dma2 semaphore(%arg14 : memref<!tpu.dma_semaphore, #tpu.memory_space<semaphore_mem>>) src(%dma_wait3A_468 : memref<16x1024xf32, #tpu.memory_space<hbm>>) dst(%arg8 : memref<16x1024xf32, #tpu.memory_space<vmem>>)
      %parallel_loop3A_469 = arith.constant 0 : i32
      %parallel_loop3A_470 = arith.constant 1024 : i32
      %parallel_loop3A_471 = arith.constant 1 : i32
      scf.for %parallel_loop3A_1010 = %parallel_loop3A_469 to %parallel_loop3A_470 step %parallel_loop3A_471  : i32 {
        %parallel_loop3A_1011 = arith.constant 64 : i32
        %parallel_loop3A_1012 = arith.divsi %parallel_loop3A_1010, %parallel_loop3A_1011 : i32
        %parallel_loop3A_1013 = arith.constant 0 : i32
        %parallel_loop3A_1014 = arith.cmpi sgt, %parallel_loop3A_1010, %parallel_loop3A_1013 : i32
        %parallel_loop3A_1015 = arith.extui %parallel_loop3A_1014 : i1 to i32
        %parallel_loop3A_1016 = arith.constant 0 : i32
        %parallel_loop3A_1017 = arith.cmpi slt, %parallel_loop3A_1010, %parallel_loop3A_1016 : i32
        %parallel_loop3A_1018 = arith.extui %parallel_loop3A_1017 : i1 to i32
        %parallel_loop3A_1019 = arith.subi %parallel_loop3A_1015, %parallel_loop3A_1018 : i32
        %parallel_loop3A_1020 = arith.constant 0 : i32
        %parallel_loop3A_1021 = arith.cmpi sgt, %parallel_loop3A_1011, %parallel_loop3A_1020 : i32
        %parallel_loop3A_1022 = arith.extui %parallel_loop3A_1021 : i1 to i32
        %parallel_loop3A_1023 = arith.constant 0 : i32
        %parallel_loop3A_1024 = arith.cmpi slt, %parallel_loop3A_1011, %parallel_loop3A_1023 : i32
        %parallel_loop3A_1025 = arith.extui %parallel_loop3A_1024 : i1 to i32
        %parallel_loop3A_1026 = arith.subi %parallel_loop3A_1022, %parallel_loop3A_1025 : i32
        %parallel_loop3A_1027 = arith.cmpi ne, %parallel_loop3A_1019, %parallel_loop3A_1026 : i32
        %parallel_loop3A_1028 = arith.remsi %parallel_loop3A_1010, %parallel_loop3A_1011 : i32
        %parallel_loop3A_1029 = arith.constant 0 : i32
        %parallel_loop3A_1030 = arith.cmpi ne, %parallel_loop3A_1028, %parallel_loop3A_1029 : i32
        %parallel_loop3A_1031 = arith.andi %parallel_loop3A_1027, %parallel_loop3A_1030 : i1
        %parallel_loop3A_1032 = arith.constant 1 : i32
        %parallel_loop3A_1033 = arith.subi %parallel_loop3A_1012, %parallel_loop3A_1032 : i32
        %parallel_loop3A_1034 = arith.select %parallel_loop3A_1031, %parallel_loop3A_1033, %parallel_loop3A_1012 : i32
        %parallel_loop3A_1035 = arith.constant 64 : i32
        %parallel_loop3A_1036 = arith.constant 0 : i32
        %parallel_loop3A_1037 = arith.cmpi eq, %parallel_loop3A_1035, %parallel_loop3A_1036 : i32
        %parallel_loop3A_1038 = arith.constant 1 : i32
        %parallel_loop3A_1039 = arith.select %parallel_loop3A_1037, %parallel_loop3A_1038, %parallel_loop3A_1035 : i32
        %parallel_loop3A_1040 = arith.remsi %parallel_loop3A_1010, %parallel_loop3A_1039 : i32
        %parallel_loop3A_1041 = arith.constant 0 : i32
        %parallel_loop3A_1042 = arith.cmpi ne, %parallel_loop3A_1040, %parallel_loop3A_1041 : i32
        %parallel_loop3A_1043 = arith.constant 0 : i32
        %parallel_loop3A_1044 = arith.cmpi slt, %parallel_loop3A_1040, %parallel_loop3A_1043 : i32
        %parallel_loop3A_1045 = arith.constant 0 : i32
        %parallel_loop3A_1046 = arith.cmpi slt, %parallel_loop3A_1039, %parallel_loop3A_1045 : i32
        %parallel_loop3A_1047 = arith.xori %parallel_loop3A_1044, %parallel_loop3A_1046 : i1
        %parallel_loop3A_1048 = arith.andi %parallel_loop3A_1047, %parallel_loop3A_1042 : i1
        %parallel_loop3A_1049 = arith.addi %parallel_loop3A_1040, %parallel_loop3A_1039 : i32
        %parallel_loop3A_1050 = arith.select %parallel_loop3A_1048, %parallel_loop3A_1049, %parallel_loop3A_1040 : i32
        %parallel_loop3A_1051 = arith.constant 16 : i32
        %parallel_loop3A_1052 = arith.muli %parallel_loop3A_1050, %parallel_loop3A_1051 : i32
        %parallel_loop3A_1053 = arith.index_cast %parallel_loop3A_1034 : i32 to index
        %parallel_loop3A_1054 = arith.index_cast %parallel_loop3A_1052 : i32 to index
        %parallel_loop3A_1055 = tpu.vector_load %arg8[%parallel_loop3A_1053, %parallel_loop3A_1054] {strides = array<i32>} : memref<16x1024xf32, #tpu.memory_space<vmem>>, vector<1x16xf32>,
        %parallel_loop3A_1056 = vector.shape_cast %parallel_loop3A_1055 : vector<1x16xf32> to vector<16xf32>
        %parallel_loop3A_1057 = arith.index_cast %parallel_loop3A_1034 : i32 to index
        %parallel_loop3A_1058 = arith.index_cast %parallel_loop3A_1052 : i32 to index
        %parallel_loop3A_1059 = tpu.vector_load %arg9[%parallel_loop3A_1057, %parallel_loop3A_1058] {strides = array<i32>} : memref<16x1024xf32, #tpu.memory_space<vmem>>, vector<1x16xf32>,
        %parallel_loop3A_1060 = vector.shape_cast %parallel_loop3A_1059 : vector<1x16xf32> to vector<16xf32>
        %parallel_loop3A_1061 = arith.addf %parallel_loop3A_1056, %parallel_loop3A_1060 : vector<16xf32>
        %parallel_loop3A_1062 = arith.index_cast %parallel_loop3A_1034 : i32 to index
        %parallel_loop3A_1063 = arith.index_cast %parallel_loop3A_1052 : i32 to index
        %parallel_loop3A_1064 = tpu.vector_load %arg8[%parallel_loop3A_1062, %parallel_loop3A_1063] {strides = array<i32>} : memref<16x1024xf32, #tpu.memory_space<vmem>>, vector<1x16xf32>,
        %parallel_loop3A_1065 = vector.shape_cast %parallel_loop3A_1064 : vector<1x16xf32> to vector<16xf32>
        %parallel_loop3A_1066 = vector.shape_cast %parallel_loop3A_1061 : vector<16xf32> to vector<1x16xf32>
        tpu.vector_store %arg8[%parallel_loop3A_1062, %parallel_loop3A_1063], %parallel_loop3A_1066 {strides = array<i32>} : memref<16x1024xf32, #tpu.memory_space<vmem>>, vector<1x16xf32>,
      } {sc.loop_unroll_factor = 16 : i64, sc.parallel_access}
      %jit3A_472 = arith.constant 4 : i32
      %div3A_473 = arith.divsi %add3A_407, %jit3A_472 : i32
      %sign3A_474 = arith.constant 0 : i32
      %sign3A_475 = arith.cmpi sgt, %add3A_407, %sign3A_474 : i32
      %sign3A_476 = arith.extui %sign3A_475 : i1 to i32
      %sign3A_477 = arith.constant 0 : i32
      %sign3A_478 = arith.cmpi slt, %add3A_407, %sign3A_477 : i32
      %sign3A_479 = arith.extui %sign3A_478 : i1 to i32
      %sign3A_480 = arith.subi %sign3A_476, %sign3A_479 : i32
      %sign3A_481 = arith.constant 0 : i32
      %sign3A_482 = arith.cmpi sgt, %jit3A_472, %sign3A_481 : i32
      %sign3A_483 = arith.extui %sign3A_482 : i1 to i32
      %sign3A_484 = arith.constant 0 : i32
      %sign3A_485 = arith.cmpi slt, %jit3A_472, %sign3A_484 : i32
      %sign3A_486 = arith.extui %sign3A_485 : i1 to i32
      %sign3A_487 = arith.subi %sign3A_483, %sign3A_486 : i32
      %ne3A_488 = arith.cmpi ne, %sign3A_480, %sign3A_487 : i32
      %rem3A_489 = arith.remsi %add3A_407, %jit3A_472 : i32
      %ne3A_490 = arith.constant 0 : i32
      %ne3A_491 = arith.cmpi ne, %rem3A_489, %ne3A_490 : i32
      %and3A_492 = arith.andi %ne3A_488, %ne3A_491 : i1
      %sub3A_493 = arith.constant 1 : i32
      %sub3A_494 = arith.subi %div3A_473, %sub3A_493 : i32
      %select_n3A_495 = arith.select %and3A_492, %sub3A_494, %div3A_473 : i32
      %jit3A_496 = arith.constant 4 : i32
      %eq3A_497 = arith.constant 0 : i32
      %eq3A_498 = arith.cmpi eq, %jit3A_496, %eq3A_497 : i32
      %jit3A_499 = arith.constant 1 : i32
      %select_n3A_500 = arith.select %eq3A_498, %jit3A_499, %jit3A_496 : i32
      %rem3A_501 = arith.remsi %add3A_407, %select_n3A_500 : i32
      %ne3A_502 = arith.constant 0 : i32
      %ne3A_503 = arith.cmpi ne, %rem3A_501, %ne3A_502 : i32
      %lt3A_504 = arith.constant 0 : i32
      %lt3A_505 = arith.cmpi slt, %rem3A_501, %lt3A_504 : i32
      %lt3A_506 = arith.constant 0 : i32
      %lt3A_507 = arith.cmpi slt, %select_n3A_500, %lt3A_506 : i32
      %ne3A_508 = arith.xori %lt3A_505, %lt3A_507 : i1
      %and3A_509 = arith.andi %ne3A_508, %ne3A_503 : i1
      %add3A_510 = arith.addi %rem3A_501, %select_n3A_500 : i32
      %select_n3A_511 = arith.select %and3A_509, %add3A_510, %rem3A_501 : i32
      %mul3A_512 = arith.constant 16 : i32
      %mul3A_513 = arith.muli %select_n3A_495, %mul3A_512 : i32
      %add3A_514 = arith.addi %mul3A_2, %mul3A_513 : i32
      %dma_start3A_515 = arith.constant 0 : i32
      %dma_start3A_516 = tpu.memref_slice %arg4[%select_n3A_511, %add3A_514, %dma_start3A_515] : memref<4x8192x1024xf32, #tpu.memory_space<hbm>> -> memref<1x16x1024xf32, #tpu.memory_space<hbm>>
      %dma_start3A_517 = tpu.memref_squeeze %dma_start3A_516 : memref<1x16x1024xf32, #tpu.memory_space<hbm>> -> memref<16x1024xf32, #tpu.memory_space<hbm>>
      %dma_start3A_518 = arith.constant 0 : i32
      %dma_start3A_519 = tpu.memref_slice %arg4[%select_n3A_511, %add3A_514, %dma_start3A_518] : memref<4x8192x1024xf32, #tpu.memory_space<hbm>> -> memref<1x16x1024xf32, #tpu.memory_space<hbm>>
      %dma_start3A_520 = tpu.memref_squeeze %dma_start3A_519 : memref<1x16x1024xf32, #tpu.memory_space<hbm>> -> memref<16x1024xf32, #tpu.memory_space<hbm>>
      tpu.enqueue_dma source(%arg8 : memref<16x1024xf32, #tpu.memory_space<vmem>>) target(%dma_start3A_520 : memref<16x1024xf32, #tpu.memory_space<hbm>>) target_semaphore(%arg18 : memref<!tpu.dma_semaphore, #tpu.memory_space<semaphore_mem>>)
      %add3A_521 = arith.constant 2 : i32
      %add3A_522 = arith.addi %mul3A_58, %add3A_521 : i32
      %lt3A_523 = arith.constant 16 : i32
      %lt3A_524 = arith.cmpi slt, %add3A_522, %lt3A_523 : i32
      %convert_element_type3A_525 = arith.extui %lt3A_524 : i1 to i32
      %cond3A_526 = arith.constant 0 : i32
      %cond3A_527 = arith.cmpi ne, %convert_element_type3A_525, %cond3A_526 : i32
      scf.if %cond3A_527 {
        %add3A_1010 = arith.constant 2 : i32
        %add3A_1011 = arith.addi %mul3A_58, %add3A_1010 : i32
        %mul3A_1012 = arith.constant 16 : i32
        %mul3A_1013 = arith.muli %add3A_1011, %mul3A_1012 : i32
        %add3A_1014 = arith.addi %mul3A_2, %mul3A_1013 : i32
        %dma_start3A_1015 = arith.constant 0 : i32
        %dma_start3A_1016 = tpu.memref_slice %arg3[%add3A_1014, %dma_start3A_1015] : memref<8192x1024xf32, #tpu.memory_space<hbm>> -> memref<16x1024xf32, #tpu.memory_space<hbm>>
        %dma_start3A_1017 = arith.constant 0 : i32
        %dma_start3A_1018 = tpu.memref_slice %arg3[%add3A_1014, %dma_start3A_1017] : memref<8192x1024xf32, #tpu.memory_space<hbm>> -> memref<16x1024xf32, #tpu.memory_space<hbm>>
        tpu.enqueue_dma source(%dma_start3A_1018 : memref<16x1024xf32, #tpu.memory_space<hbm>>) target(%arg9 : memref<16x1024xf32, #tpu.memory_space<vmem>>) target_semaphore(%arg19 : memref<!tpu.dma_semaphore, #tpu.memory_space<semaphore_mem>>)
      } else {
      }
      %add3A_528 = arith.constant 0 : i32
      %add3A_529 = arith.addi %mul3A_2, %add3A_528 : i32
      %dma_wait3A_530 = arith.constant 0 : i32
      %dma_wait3A_531 = tpu.memref_slice %arg3[%add3A_529, %dma_wait3A_530] : memref<8192x1024xf32, #tpu.memory_space<hbm>> -> memref<16x1024xf32, #tpu.memory_space<hbm>>
      %dma_wait3A_532 = arith.constant 0 : i32
      %dma_wait3A_533 = tpu.memref_slice %arg3[%add3A_529, %dma_wait3A_532] : memref<8192x1024xf32, #tpu.memory_space<hbm>> -> memref<16x1024xf32, #tpu.memory_space<hbm>>
      tpu.wait_dma2 semaphore(%arg20 : memref<!tpu.dma_semaphore, #tpu.memory_space<semaphore_mem>>) src(%dma_wait3A_533 : memref<16x1024xf32, #tpu.memory_space<hbm>>) dst(%arg10 : memref<16x1024xf32, #tpu.memory_space<vmem>>)
      %mul3A_534 = arith.constant 4 : i32
      %mul3A_535 = arith.muli %add3A_60, %mul3A_534 : i32
      %add3A_536 = arith.constant 0 : i32
      %add3A_537 = arith.addi %mul3A_535, %add3A_536 : i32
      %ge3A_538 = arith.constant 2 : i32
      %ge3A_539 = arith.cmpi sge, %add3A_537, %ge3A_538 : i32
      %convert_element_type3A_540 = arith.extui %ge3A_539 : i1 to i32
      %cond3A_541 = arith.constant 0 : i32
      %cond3A_542 = arith.cmpi ne, %convert_element_type3A_540, %cond3A_541 : i32
      scf.if %cond3A_542 {
        %jit3A_1010 = arith.constant 4 : i32
        %div3A_1011 = arith.divsi %add3A_537, %jit3A_1010 : i32
        %sign3A_1012 = arith.constant 0 : i32
        %sign3A_1013 = arith.cmpi sgt, %add3A_537, %sign3A_1012 : i32
        %sign3A_1014 = arith.extui %sign3A_1013 : i1 to i32
        %sign3A_1015 = arith.constant 0 : i32
        %sign3A_1016 = arith.cmpi slt, %add3A_537, %sign3A_1015 : i32
        %sign3A_1017 = arith.extui %sign3A_1016 : i1 to i32
        %sign3A_1018 = arith.subi %sign3A_1014, %sign3A_1017 : i32
        %sign3A_1019 = arith.constant 0 : i32
        %sign3A_1020 = arith.cmpi sgt, %jit3A_1010, %sign3A_1019 : i32
        %sign3A_1021 = arith.extui %sign3A_1020 : i1 to i32
        %sign3A_1022 = arith.constant 0 : i32
        %sign3A_1023 = arith.cmpi slt, %jit3A_1010, %sign3A_1022 : i32
        %sign3A_1024 = arith.extui %sign3A_1023 : i1 to i32
        %sign3A_1025 = arith.subi %sign3A_1021, %sign3A_1024 : i32
        %ne3A_1026 = arith.cmpi ne, %sign3A_1018, %sign3A_1025 : i32
        %rem3A_1027 = arith.remsi %add3A_537, %jit3A_1010 : i32
        %ne3A_1028 = arith.constant 0 : i32
        %ne3A_1029 = arith.cmpi ne, %rem3A_1027, %ne3A_1028 : i32
        %and3A_1030 = arith.andi %ne3A_1026, %ne3A_1029 : i1
        %sub3A_1031 = arith.constant 1 : i32
        %sub3A_1032 = arith.subi %div3A_1011, %sub3A_1031 : i32
        %select_n3A_1033 = arith.select %and3A_1030, %sub3A_1032, %div3A_1011 : i32
        %jit3A_1034 = arith.constant 4 : i32
        %eq3A_1035 = arith.constant 0 : i32
        %eq3A_1036 = arith.cmpi eq, %jit3A_1034, %eq3A_1035 : i32
        %jit3A_1037 = arith.constant 1 : i32
        %select_n3A_1038 = arith.select %eq3A_1036, %jit3A_1037, %jit3A_1034 : i32
        %rem3A_1039 = arith.remsi %add3A_537, %select_n3A_1038 : i32
        %ne3A_1040 = arith.constant 0 : i32
        %ne3A_1041 = arith.cmpi ne, %rem3A_1039, %ne3A_1040 : i32
        %lt3A_1042 = arith.constant 0 : i32
        %lt3A_1043 = arith.cmpi slt, %rem3A_1039, %lt3A_1042 : i32
        %lt3A_1044 = arith.constant 0 : i32
        %lt3A_1045 = arith.cmpi slt, %select_n3A_1038, %lt3A_1044 : i32
        %ne3A_1046 = arith.xori %lt3A_1043, %lt3A_1045 : i1
        %and3A_1047 = arith.andi %ne3A_1046, %ne3A_1041 : i1
        %add3A_1048 = arith.addi %rem3A_1039, %select_n3A_1038 : i32
        %select_n3A_1049 = arith.select %and3A_1047, %add3A_1048, %rem3A_1039 : i32
        %mul3A_1050 = arith.constant 16 : i32
        %mul3A_1051 = arith.muli %select_n3A_1033, %mul3A_1050 : i32
        %add3A_1052 = arith.addi %mul3A_2, %mul3A_1051 : i32
        %dma_wait3A_1053 = arith.constant 0 : i32
        %dma_wait3A_1054 = tpu.memref_slice %arg4[%select_n3A_1049, %add3A_1052, %dma_wait3A_1053] : memref<4x8192x1024xf32, #tpu.memory_space<hbm>> -> memref<1x16x1024xf32, #tpu.memory_space<hbm>>
        %dma_wait3A_1055 = tpu.memref_squeeze %dma_wait3A_1054 : memref<1x16x1024xf32, #tpu.memory_space<hbm>> -> memref<16x1024xf32, #tpu.memory_space<hbm>>
        %dma_wait3A_1056 = arith.constant 0 : i32
        %dma_wait3A_1057 = tpu.memref_slice %arg4[%select_n3A_1049, %add3A_1052, %dma_wait3A_1056] : memref<4x8192x1024xf32, #tpu.memory_space<hbm>> -> memref<1x16x1024xf32, #tpu.memory_space<hbm>>
        %dma_wait3A_1058 = tpu.memref_squeeze %dma_wait3A_1057 : memref<1x16x1024xf32, #tpu.memory_space<hbm>> -> memref<16x1024xf32, #tpu.memory_space<hbm>>
        tpu.wait_dma2 semaphore(%arg17 : memref<!tpu.dma_semaphore, #tpu.memory_space<semaphore_mem>>) src(%arg7 : memref<16x1024xf32, #tpu.memory_space<vmem>>) dst(%dma_wait3A_1058 : memref<16x1024xf32, #tpu.memory_space<hbm>>)
      } else {
      }
      %add3A_543 = arith.constant 2 : i32
      %add3A_544 = arith.addi %add3A_537, %add3A_543 : i32
      %lt3A_545 = arith.constant 64 : i32
      %lt3A_546 = arith.cmpi slt, %add3A_544, %lt3A_545 : i32
      %convert_element_type3A_547 = arith.extui %lt3A_546 : i1 to i32
      %cond3A_548 = arith.constant 0 : i32
      %cond3A_549 = arith.cmpi ne, %convert_element_type3A_547, %cond3A_548 : i32
      scf.if %cond3A_549 {
        %add3A_1010 = arith.constant 2 : i32
        %add3A_1011 = arith.addi %add3A_537, %add3A_1010 : i32
        %jit3A_1012 = arith.constant 4 : i32
        %div3A_1013 = arith.divsi %add3A_1011, %jit3A_1012 : i32
        %sign3A_1014 = arith.constant 0 : i32
        %sign3A_1015 = arith.cmpi sgt, %add3A_1011, %sign3A_1014 : i32
        %sign3A_1016 = arith.extui %sign3A_1015 : i1 to i32
        %sign3A_1017 = arith.constant 0 : i32
        %sign3A_1018 = arith.cmpi slt, %add3A_1011, %sign3A_1017 : i32
        %sign3A_1019 = arith.extui %sign3A_1018 : i1 to i32
        %sign3A_1020 = arith.subi %sign3A_1016, %sign3A_1019 : i32
        %sign3A_1021 = arith.constant 0 : i32
        %sign3A_1022 = arith.cmpi sgt, %jit3A_1012, %sign3A_1021 : i32
        %sign3A_1023 = arith.extui %sign3A_1022 : i1 to i32
        %sign3A_1024 = arith.constant 0 : i32
        %sign3A_1025 = arith.cmpi slt, %jit3A_1012, %sign3A_1024 : i32
        %sign3A_1026 = arith.extui %sign3A_1025 : i1 to i32
        %sign3A_1027 = arith.subi %sign3A_1023, %sign3A_1026 : i32
        %ne3A_1028 = arith.cmpi ne, %sign3A_1020, %sign3A_1027 : i32
        %rem3A_1029 = arith.remsi %add3A_1011, %jit3A_1012 : i32
        %ne3A_1030 = arith.constant 0 : i32
        %ne3A_1031 = arith.cmpi ne, %rem3A_1029, %ne3A_1030 : i32
        %and3A_1032 = arith.andi %ne3A_1028, %ne3A_1031 : i1
        %sub3A_1033 = arith.constant 1 : i32
        %sub3A_1034 = arith.subi %div3A_1013, %sub3A_1033 : i32
        %select_n3A_1035 = arith.select %and3A_1032, %sub3A_1034, %div3A_1013 : i32
        %jit3A_1036 = arith.constant 4 : i32
        %eq3A_1037 = arith.constant 0 : i32
        %eq3A_1038 = arith.cmpi eq, %jit3A_1036, %eq3A_1037 : i32
        %jit3A_1039 = arith.constant 1 : i32
        %select_n3A_1040 = arith.select %eq3A_1038, %jit3A_1039, %jit3A_1036 : i32
        %rem3A_1041 = arith.remsi %add3A_1011, %select_n3A_1040 : i32
        %ne3A_1042 = arith.constant 0 : i32
        %ne3A_1043 = arith.cmpi ne, %rem3A_1041, %ne3A_1042 : i32
        %lt3A_1044 = arith.constant 0 : i32
        %lt3A_1045 = arith.cmpi slt, %rem3A_1041, %lt3A_1044 : i32
        %lt3A_1046 = arith.constant 0 : i32
        %lt3A_1047 = arith.cmpi slt, %select_n3A_1040, %lt3A_1046 : i32
        %ne3A_1048 = arith.xori %lt3A_1045, %lt3A_1047 : i1
        %and3A_1049 = arith.andi %ne3A_1048, %ne3A_1043 : i1
        %add3A_1050 = arith.addi %rem3A_1041, %select_n3A_1040 : i32
        %select_n3A_1051 = arith.select %and3A_1049, %add3A_1050, %rem3A_1041 : i32
        %mul3A_1052 = arith.constant 16 : i32
        %mul3A_1053 = arith.muli %select_n3A_1035, %mul3A_1052 : i32
        %add3A_1054 = arith.addi %mul3A_2, %mul3A_1053 : i32
        %dma_start3A_1055 = arith.constant 0 : i32
        %dma_start3A_1056 = tpu.memref_slice %arg2[%select_n3A_1051, %add3A_1054, %dma_start3A_1055] : memref<4x8192x1024xf32, #tpu.memory_space<hbm>> -> memref<1x16x1024xf32, #tpu.memory_space<hbm>>
        %dma_start3A_1057 = tpu.memref_squeeze %dma_start3A_1056 : memref<1x16x1024xf32, #tpu.memory_space<hbm>> -> memref<16x1024xf32, #tpu.memory_space<hbm>>
        %dma_start3A_1058 = arith.constant 0 : i32
        %dma_start3A_1059 = tpu.memref_slice %arg2[%select_n3A_1051, %add3A_1054, %dma_start3A_1058] : memref<4x8192x1024xf32, #tpu.memory_space<hbm>> -> memref<1x16x1024xf32, #tpu.memory_space<hbm>>
        %dma_start3A_1060 = tpu.memref_squeeze %dma_start3A_1059 : memref<1x16x1024xf32, #tpu.memory_space<hbm>> -> memref<16x1024xf32, #tpu.memory_space<hbm>>
        tpu.enqueue_dma source(%dma_start3A_1060 : memref<16x1024xf32, #tpu.memory_space<hbm>>) target(%arg7 : memref<16x1024xf32, #tpu.memory_space<vmem>>) target_semaphore(%arg13 : memref<!tpu.dma_semaphore, #tpu.memory_space<semaphore_mem>>)
      } else {
      }
      %jit3A_550 = arith.constant 4 : i32
      %div3A_551 = arith.divsi %add3A_537, %jit3A_550 : i32
      %sign3A_552 = arith.constant 0 : i32
      %sign3A_553 = arith.cmpi sgt, %add3A_537, %sign3A_552 : i32
      %sign3A_554 = arith.extui %sign3A_553 : i1 to i32
      %sign3A_555 = arith.constant 0 : i32
      %sign3A_556 = arith.cmpi slt, %add3A_537, %sign3A_555 : i32
      %sign3A_557 = arith.extui %sign3A_556 : i1 to i32
      %sign3A_558 = arith.subi %sign3A_554, %sign3A_557 : i32
      %sign3A_559 = arith.constant 0 : i32
      %sign3A_560 = arith.cmpi sgt, %jit3A_550, %sign3A_559 : i32
      %sign3A_561 = arith.extui %sign3A_560 : i1 to i32
      %sign3A_562 = arith.constant 0 : i32
      %sign3A_563 = arith.cmpi slt, %jit3A_550, %sign3A_562 : i32
      %sign3A_564 = arith.extui %sign3A_563 : i1 to i32
      %sign3A_565 = arith.subi %sign3A_561, %sign3A_564 : i32
      %ne3A_566 = arith.cmpi ne, %sign3A_558, %sign3A_565 : i32
      %rem3A_567 = arith.remsi %add3A_537, %jit3A_550 : i32
      %ne3A_568 = arith.constant 0 : i32
      %ne3A_569 = arith.cmpi ne, %rem3A_567, %ne3A_568 : i32
      %and3A_570 = arith.andi %ne3A_566, %ne3A_569 : i1
      %sub3A_571 = arith.constant 1 : i32
      %sub3A_572 = arith.subi %div3A_551, %sub3A_571 : i32
      %select_n3A_573 = arith.select %and3A_570, %sub3A_572, %div3A_551 : i32
      %jit3A_574 = arith.constant 4 : i32
      %eq3A_575 = arith.constant 0 : i32
      %eq3A_576 = arith.cmpi eq, %jit3A_574, %eq3A_575 : i32
      %jit3A_577 = arith.constant 1 : i32
      %select_n3A_578 = arith.select %eq3A_576, %jit3A_577, %jit3A_574 : i32
      %rem3A_579 = arith.remsi %add3A_537, %select_n3A_578 : i32
      %ne3A_580 = arith.constant 0 : i32
      %ne3A_581 = arith.cmpi ne, %rem3A_579, %ne3A_580 : i32
      %lt3A_582 = arith.constant 0 : i32
      %lt3A_583 = arith.cmpi slt, %rem3A_579, %lt3A_582 : i32
      %lt3A_584 = arith.constant 0 : i32
      %lt3A_585 = arith.cmpi slt, %select_n3A_578, %lt3A_584 : i32
      %ne3A_586 = arith.xori %lt3A_583, %lt3A_585 : i1
      %and3A_587 = arith.andi %ne3A_586, %ne3A_581 : i1
      %add3A_588 = arith.addi %rem3A_579, %select_n3A_578 : i32
      %select_n3A_589 = arith.select %and3A_587, %add3A_588, %rem3A_579 : i32
      %mul3A_590 = arith.constant 16 : i32
      %mul3A_591 = arith.muli %select_n3A_573, %mul3A_590 : i32
      %add3A_592 = arith.addi %mul3A_2, %mul3A_591 : i32
      %dma_wait3A_593 = arith.constant 0 : i32
      %dma_wait3A_594 = tpu.memref_slice %arg2[%select_n3A_589, %add3A_592, %dma_wait3A_593] : memref<4x8192x1024xf32, #tpu.memory_space<hbm>> -> memref<1x16x1024xf32, #tpu.memory_space<hbm>>
      %dma_wait3A_595 = tpu.memref_squeeze %dma_wait3A_594 : memref<1x16x1024xf32, #tpu.memory_space<hbm>> -> memref<16x1024xf32, #tpu.memory_space<hbm>>
      %dma_wait3A_596 = arith.constant 0 : i32
      %dma_wait3A_597 = tpu.memref_slice %arg2[%select_n3A_589, %add3A_592, %dma_wait3A_596] : memref<4x8192x1024xf32, #tpu.memory_space<hbm>> -> memref<1x16x1024xf32, #tpu.memory_space<hbm>>
      %dma_wait3A_598 = tpu.memref_squeeze %dma_wait3A_597 : memref<1x16x1024xf32, #tpu.memory_space<hbm>> -> memref<16x1024xf32, #tpu.memory_space<hbm>>
      tpu.wait_dma2 semaphore(%arg11 : memref<!tpu.dma_semaphore, #tpu.memory_space<semaphore_mem>>) src(%dma_wait3A_598 : memref<16x1024xf32, #tpu.memory_space<hbm>>) dst(%arg5 : memref<16x1024xf32, #tpu.memory_space<vmem>>)
      %parallel_loop3A_599 = arith.constant 0 : i32
      %parallel_loop3A_600 = arith.constant 1024 : i32
      %parallel_loop3A_601 = arith.constant 1 : i32
      scf.for %parallel_loop3A_1010 = %parallel_loop3A_599 to %parallel_loop3A_600 step %parallel_loop3A_601  : i32 {
        %parallel_loop3A_1011 = arith.constant 64 : i32
        %parallel_loop3A_1012 = arith.divsi %parallel_loop3A_1010, %parallel_loop3A_1011 : i32
        %parallel_loop3A_1013 = arith.constant 0 : i32
        %parallel_loop3A_1014 = arith.cmpi sgt, %parallel_loop3A_1010, %parallel_loop3A_1013 : i32
        %parallel_loop3A_1015 = arith.extui %parallel_loop3A_1014 : i1 to i32
        %parallel_loop3A_1016 = arith.constant 0 : i32
        %parallel_loop3A_1017 = arith.cmpi slt, %parallel_loop3A_1010, %parallel_loop3A_1016 : i32
        %parallel_loop3A_1018 = arith.extui %parallel_loop3A_1017 : i1 to i32
        %parallel_loop3A_1019 = arith.subi %parallel_loop3A_1015, %parallel_loop3A_1018 : i32
        %parallel_loop3A_1020 = arith.constant 0 : i32
        %parallel_loop3A_1021 = arith.cmpi sgt, %parallel_loop3A_1011, %parallel_loop3A_1020 : i32
        %parallel_loop3A_1022 = arith.extui %parallel_loop3A_1021 : i1 to i32
        %parallel_loop3A_1023 = arith.constant 0 : i32
        %parallel_loop3A_1024 = arith.cmpi slt, %parallel_loop3A_1011, %parallel_loop3A_1023 : i32
        %parallel_loop3A_1025 = arith.extui %parallel_loop3A_1024 : i1 to i32
        %parallel_loop3A_1026 = arith.subi %parallel_loop3A_1022, %parallel_loop3A_1025 : i32
        %parallel_loop3A_1027 = arith.cmpi ne, %parallel_loop3A_1019, %parallel_loop3A_1026 : i32
        %parallel_loop3A_1028 = arith.remsi %parallel_loop3A_1010, %parallel_loop3A_1011 : i32
        %parallel_loop3A_1029 = arith.constant 0 : i32
        %parallel_loop3A_1030 = arith.cmpi ne, %parallel_loop3A_1028, %parallel_loop3A_1029 : i32
        %parallel_loop3A_1031 = arith.andi %parallel_loop3A_1027, %parallel_loop3A_1030 : i1
        %parallel_loop3A_1032 = arith.constant 1 : i32
        %parallel_loop3A_1033 = arith.subi %parallel_loop3A_1012, %parallel_loop3A_1032 : i32
        %parallel_loop3A_1034 = arith.select %parallel_loop3A_1031, %parallel_loop3A_1033, %parallel_loop3A_1012 : i32
        %parallel_loop3A_1035 = arith.constant 64 : i32
        %parallel_loop3A_1036 = arith.constant 0 : i32
        %parallel_loop3A_1037 = arith.cmpi eq, %parallel_loop3A_1035, %parallel_loop3A_1036 : i32
        %parallel_loop3A_1038 = arith.constant 1 : i32
        %parallel_loop3A_1039 = arith.select %parallel_loop3A_1037, %parallel_loop3A_1038, %parallel_loop3A_1035 : i32
        %parallel_loop3A_1040 = arith.remsi %parallel_loop3A_1010, %parallel_loop3A_1039 : i32
        %parallel_loop3A_1041 = arith.constant 0 : i32
        %parallel_loop3A_1042 = arith.cmpi ne, %parallel_loop3A_1040, %parallel_loop3A_1041 : i32
        %parallel_loop3A_1043 = arith.constant 0 : i32
        %parallel_loop3A_1044 = arith.cmpi slt, %parallel_loop3A_1040, %parallel_loop3A_1043 : i32
        %parallel_loop3A_1045 = arith.constant 0 : i32
        %parallel_loop3A_1046 = arith.cmpi slt, %parallel_loop3A_1039, %parallel_loop3A_1045 : i32
        %parallel_loop3A_1047 = arith.xori %parallel_loop3A_1044, %parallel_loop3A_1046 : i1
        %parallel_loop3A_1048 = arith.andi %parallel_loop3A_1047, %parallel_loop3A_1042 : i1
        %parallel_loop3A_1049 = arith.addi %parallel_loop3A_1040, %parallel_loop3A_1039 : i32
        %parallel_loop3A_1050 = arith.select %parallel_loop3A_1048, %parallel_loop3A_1049, %parallel_loop3A_1040 : i32
        %parallel_loop3A_1051 = arith.constant 16 : i32
        %parallel_loop3A_1052 = arith.muli %parallel_loop3A_1050, %parallel_loop3A_1051 : i32
        %parallel_loop3A_1053 = arith.index_cast %parallel_loop3A_1034 : i32 to index
        %parallel_loop3A_1054 = arith.index_cast %parallel_loop3A_1052 : i32 to index
        %parallel_loop3A_1055 = tpu.vector_load %arg5[%parallel_loop3A_1053, %parallel_loop3A_1054] {strides = array<i32>} : memref<16x1024xf32, #tpu.memory_space<vmem>>, vector<1x16xf32>,
        %parallel_loop3A_1056 = vector.shape_cast %parallel_loop3A_1055 : vector<1x16xf32> to vector<16xf32>
        %parallel_loop3A_1057 = arith.index_cast %parallel_loop3A_1034 : i32 to index
        %parallel_loop3A_1058 = arith.index_cast %parallel_loop3A_1052 : i32 to index
        %parallel_loop3A_1059 = tpu.vector_load %arg10[%parallel_loop3A_1057, %parallel_loop3A_1058] {strides = array<i32>} : memref<16x1024xf32, #tpu.memory_space<vmem>>, vector<1x16xf32>,
        %parallel_loop3A_1060 = vector.shape_cast %parallel_loop3A_1059 : vector<1x16xf32> to vector<16xf32>
        %parallel_loop3A_1061 = arith.addf %parallel_loop3A_1056, %parallel_loop3A_1060 : vector<16xf32>
        %parallel_loop3A_1062 = arith.index_cast %parallel_loop3A_1034 : i32 to index
        %parallel_loop3A_1063 = arith.index_cast %parallel_loop3A_1052 : i32 to index
        %parallel_loop3A_1064 = tpu.vector_load %arg5[%parallel_loop3A_1062, %parallel_loop3A_1063] {strides = array<i32>} : memref<16x1024xf32, #tpu.memory_space<vmem>>, vector<1x16xf32>,
        %parallel_loop3A_1065 = vector.shape_cast %parallel_loop3A_1064 : vector<1x16xf32> to vector<16xf32>
        %parallel_loop3A_1066 = vector.shape_cast %parallel_loop3A_1061 : vector<16xf32> to vector<1x16xf32>
        tpu.vector_store %arg5[%parallel_loop3A_1062, %parallel_loop3A_1063], %parallel_loop3A_1066 {strides = array<i32>} : memref<16x1024xf32, #tpu.memory_space<vmem>>, vector<1x16xf32>,
      } {sc.loop_unroll_factor = 16 : i64, sc.parallel_access}
      %jit3A_602 = arith.constant 4 : i32
      %div3A_603 = arith.divsi %add3A_537, %jit3A_602 : i32
      %sign3A_604 = arith.constant 0 : i32
      %sign3A_605 = arith.cmpi sgt, %add3A_537, %sign3A_604 : i32
      %sign3A_606 = arith.extui %sign3A_605 : i1 to i32
      %sign3A_607 = arith.constant 0 : i32
      %sign3A_608 = arith.cmpi slt, %add3A_537, %sign3A_607 : i32
      %sign3A_609 = arith.extui %sign3A_608 : i1 to i32
      %sign3A_610 = arith.subi %sign3A_606, %sign3A_609 : i32
      %sign3A_611 = arith.constant 0 : i32
      %sign3A_612 = arith.cmpi sgt, %jit3A_602, %sign3A_611 : i32
      %sign3A_613 = arith.extui %sign3A_612 : i1 to i32
      %sign3A_614 = arith.constant 0 : i32
      %sign3A_615 = arith.cmpi slt, %jit3A_602, %sign3A_614 : i32
      %sign3A_616 = arith.extui %sign3A_615 : i1 to i32
      %sign3A_617 = arith.subi %sign3A_613, %sign3A_616 : i32
      %ne3A_618 = arith.cmpi ne, %sign3A_610, %sign3A_617 : i32
      %rem3A_619 = arith.remsi %add3A_537, %jit3A_602 : i32
      %ne3A_620 = arith.constant 0 : i32
      %ne3A_621 = arith.cmpi ne, %rem3A_619, %ne3A_620 : i32
      %and3A_622 = arith.andi %ne3A_618, %ne3A_621 : i1
      %sub3A_623 = arith.constant 1 : i32
      %sub3A_624 = arith.subi %div3A_603, %sub3A_623 : i32
      %select_n3A_625 = arith.select %and3A_622, %sub3A_624, %div3A_603 : i32
      %jit3A_626 = arith.constant 4 : i32
      %eq3A_627 = arith.constant 0 : i32
      %eq3A_628 = arith.cmpi eq, %jit3A_626, %eq3A_627 : i32
      %jit3A_629 = arith.constant 1 : i32
      %select_n3A_630 = arith.select %eq3A_628, %jit3A_629, %jit3A_626 : i32
      %rem3A_631 = arith.remsi %add3A_537, %select_n3A_630 : i32
      %ne3A_632 = arith.constant 0 : i32
      %ne3A_633 = arith.cmpi ne, %rem3A_631, %ne3A_632 : i32
      %lt3A_634 = arith.constant 0 : i32
      %lt3A_635 = arith.cmpi slt, %rem3A_631, %lt3A_634 : i32
      %lt3A_636 = arith.constant 0 : i32
      %lt3A_637 = arith.cmpi slt, %select_n3A_630, %lt3A_636 : i32
      %ne3A_638 = arith.xori %lt3A_635, %lt3A_637 : i1
      %and3A_639 = arith.andi %ne3A_638, %ne3A_633 : i1
      %add3A_640 = arith.addi %rem3A_631, %select_n3A_630 : i32
      %select_n3A_641 = arith.select %and3A_639, %add3A_640, %rem3A_631 : i32
      %mul3A_642 = arith.constant 16 : i32
      %mul3A_643 = arith.muli %select_n3A_625, %mul3A_642 : i32
      %add3A_644 = arith.addi %mul3A_2, %mul3A_643 : i32
      %dma_start3A_645 = arith.constant 0 : i32
      %dma_start3A_646 = tpu.memref_slice %arg4[%select_n3A_641, %add3A_644, %dma_start3A_645] : memref<4x8192x1024xf32, #tpu.memory_space<hbm>> -> memref<1x16x1024xf32, #tpu.memory_space<hbm>>
      %dma_start3A_647 = tpu.memref_squeeze %dma_start3A_646 : memref<1x16x1024xf32, #tpu.memory_space<hbm>> -> memref<16x1024xf32, #tpu.memory_space<hbm>>
      %dma_start3A_648 = arith.constant 0 : i32
      %dma_start3A_649 = tpu.memref_slice %arg4[%select_n3A_641, %add3A_644, %dma_start3A_648] : memref<4x8192x1024xf32, #tpu.memory_space<hbm>> -> memref<1x16x1024xf32, #tpu.memory_space<hbm>>
      %dma_start3A_650 = tpu.memref_squeeze %dma_start3A_649 : memref<1x16x1024xf32, #tpu.memory_space<hbm>> -> memref<16x1024xf32, #tpu.memory_space<hbm>>
      tpu.enqueue_dma source(%arg5 : memref<16x1024xf32, #tpu.memory_space<vmem>>) target(%dma_start3A_650 : memref<16x1024xf32, #tpu.memory_space<hbm>>) target_semaphore(%arg15 : memref<!tpu.dma_semaphore, #tpu.memory_space<semaphore_mem>>)
      %mul3A_651 = arith.constant 4 : i32
      %mul3A_652 = arith.muli %add3A_60, %mul3A_651 : i32
      %add3A_653 = arith.constant 1 : i32
      %add3A_654 = arith.addi %mul3A_652, %add3A_653 : i32
      %ge3A_655 = arith.constant 2 : i32
      %ge3A_656 = arith.cmpi sge, %add3A_654, %ge3A_655 : i32
      %convert_element_type3A_657 = arith.extui %ge3A_656 : i1 to i32
      %cond3A_658 = arith.constant 0 : i32
      %cond3A_659 = arith.cmpi ne, %convert_element_type3A_657, %cond3A_658 : i32
      scf.if %cond3A_659 {
        %jit3A_1010 = arith.constant 4 : i32
        %div3A_1011 = arith.divsi %add3A_654, %jit3A_1010 : i32
        %sign3A_1012 = arith.constant 0 : i32
        %sign3A_1013 = arith.cmpi sgt, %add3A_654, %sign3A_1012 : i32
        %sign3A_1014 = arith.extui %sign3A_1013 : i1 to i32
        %sign3A_1015 = arith.constant 0 : i32
        %sign3A_1016 = arith.cmpi slt, %add3A_654, %sign3A_1015 : i32
        %sign3A_1017 = arith.extui %sign3A_1016 : i1 to i32
        %sign3A_1018 = arith.subi %sign3A_1014, %sign3A_1017 : i32
        %sign3A_1019 = arith.constant 0 : i32
        %sign3A_1020 = arith.cmpi sgt, %jit3A_1010, %sign3A_1019 : i32
        %sign3A_1021 = arith.extui %sign3A_1020 : i1 to i32
        %sign3A_1022 = arith.constant 0 : i32
        %sign3A_1023 = arith.cmpi slt, %jit3A_1010, %sign3A_1022 : i32
        %sign3A_1024 = arith.extui %sign3A_1023 : i1 to i32
        %sign3A_1025 = arith.subi %sign3A_1021, %sign3A_1024 : i32
        %ne3A_1026 = arith.cmpi ne, %sign3A_1018, %sign3A_1025 : i32
        %rem3A_1027 = arith.remsi %add3A_654, %jit3A_1010 : i32
        %ne3A_1028 = arith.constant 0 : i32
        %ne3A_1029 = arith.cmpi ne, %rem3A_1027, %ne3A_1028 : i32
        %and3A_1030 = arith.andi %ne3A_1026, %ne3A_1029 : i1
        %sub3A_1031 = arith.constant 1 : i32
        %sub3A_1032 = arith.subi %div3A_1011, %sub3A_1031 : i32
        %select_n3A_1033 = arith.select %and3A_1030, %sub3A_1032, %div3A_1011 : i32
        %jit3A_1034 = arith.constant 4 : i32
        %eq3A_1035 = arith.constant 0 : i32
        %eq3A_1036 = arith.cmpi eq, %jit3A_1034, %eq3A_1035 : i32
        %jit3A_1037 = arith.constant 1 : i32
        %select_n3A_1038 = arith.select %eq3A_1036, %jit3A_1037, %jit3A_1034 : i32
        %rem3A_1039 = arith.remsi %add3A_654, %select_n3A_1038 : i32
        %ne3A_1040 = arith.constant 0 : i32
        %ne3A_1041 = arith.cmpi ne, %rem3A_1039, %ne3A_1040 : i32
        %lt3A_1042 = arith.constant 0 : i32
        %lt3A_1043 = arith.cmpi slt, %rem3A_1039, %lt3A_1042 : i32
        %lt3A_1044 = arith.constant 0 : i32
        %lt3A_1045 = arith.cmpi slt, %select_n3A_1038, %lt3A_1044 : i32
        %ne3A_1046 = arith.xori %lt3A_1043, %lt3A_1045 : i1
        %and3A_1047 = arith.andi %ne3A_1046, %ne3A_1041 : i1
        %add3A_1048 = arith.addi %rem3A_1039, %select_n3A_1038 : i32
        %select_n3A_1049 = arith.select %and3A_1047, %add3A_1048, %rem3A_1039 : i32
        %mul3A_1050 = arith.constant 16 : i32
        %mul3A_1051 = arith.muli %select_n3A_1033, %mul3A_1050 : i32
        %add3A_1052 = arith.addi %mul3A_2, %mul3A_1051 : i32
        %dma_wait3A_1053 = arith.constant 0 : i32
        %dma_wait3A_1054 = tpu.memref_slice %arg4[%select_n3A_1049, %add3A_1052, %dma_wait3A_1053] : memref<4x8192x1024xf32, #tpu.memory_space<hbm>> -> memref<1x16x1024xf32, #tpu.memory_space<hbm>>
        %dma_wait3A_1055 = tpu.memref_squeeze %dma_wait3A_1054 : memref<1x16x1024xf32, #tpu.memory_space<hbm>> -> memref<16x1024xf32, #tpu.memory_space<hbm>>
        %dma_wait3A_1056 = arith.constant 0 : i32
        %dma_wait3A_1057 = tpu.memref_slice %arg4[%select_n3A_1049, %add3A_1052, %dma_wait3A_1056] : memref<4x8192x1024xf32, #tpu.memory_space<hbm>> -> memref<1x16x1024xf32, #tpu.memory_space<hbm>>
        %dma_wait3A_1058 = tpu.memref_squeeze %dma_wait3A_1057 : memref<1x16x1024xf32, #tpu.memory_space<hbm>> -> memref<16x1024xf32, #tpu.memory_space<hbm>>
        tpu.wait_dma2 semaphore(%arg18 : memref<!tpu.dma_semaphore, #tpu.memory_space<semaphore_mem>>) src(%arg8 : memref<16x1024xf32, #tpu.memory_space<vmem>>) dst(%dma_wait3A_1058 : memref<16x1024xf32, #tpu.memory_space<hbm>>)
      } else {
      }
      %add3A_660 = arith.constant 2 : i32
      %add3A_661 = arith.addi %add3A_654, %add3A_660 : i32
      %lt3A_662 = arith.constant 64 : i32
      %lt3A_663 = arith.cmpi slt, %add3A_661, %lt3A_662 : i32
      %convert_element_type3A_664 = arith.extui %lt3A_663 : i1 to i32
      %cond3A_665 = arith.constant 0 : i32
      %cond3A_666 = arith.cmpi ne, %convert_element_type3A_664, %cond3A_665 : i32
      scf.if %cond3A_666 {
        %add3A_1010 = arith.constant 2 : i32
        %add3A_1011 = arith.addi %add3A_654, %add3A_1010 : i32
        %jit3A_1012 = arith.constant 4 : i32
        %div3A_1013 = arith.divsi %add3A_1011, %jit3A_1012 : i32
        %sign3A_1014 = arith.constant 0 : i32
        %sign3A_1015 = arith.cmpi sgt, %add3A_1011, %sign3A_1014 : i32
        %sign3A_1016 = arith.extui %sign3A_1015 : i1 to i32
        %sign3A_1017 = arith.constant 0 : i32
        %sign3A_1018 = arith.cmpi slt, %add3A_1011, %sign3A_1017 : i32
        %sign3A_1019 = arith.extui %sign3A_1018 : i1 to i32
        %sign3A_1020 = arith.subi %sign3A_1016, %sign3A_1019 : i32
        %sign3A_1021 = arith.constant 0 : i32
        %sign3A_1022 = arith.cmpi sgt, %jit3A_1012, %sign3A_1021 : i32
        %sign3A_1023 = arith.extui %sign3A_1022 : i1 to i32
        %sign3A_1024 = arith.constant 0 : i32
        %sign3A_1025 = arith.cmpi slt, %jit3A_1012, %sign3A_1024 : i32
        %sign3A_1026 = arith.extui %sign3A_1025 : i1 to i32
        %sign3A_1027 = arith.subi %sign3A_1023, %sign3A_1026 : i32
        %ne3A_1028 = arith.cmpi ne, %sign3A_1020, %sign3A_1027 : i32
        %rem3A_1029 = arith.remsi %add3A_1011, %jit3A_1012 : i32
        %ne3A_1030 = arith.constant 0 : i32
        %ne3A_1031 = arith.cmpi ne, %rem3A_1029, %ne3A_1030 : i32
        %and3A_1032 = arith.andi %ne3A_1028, %ne3A_1031 : i1
        %sub3A_1033 = arith.constant 1 : i32
        %sub3A_1034 = arith.subi %div3A_1013, %sub3A_1033 : i32
        %select_n3A_1035 = arith.select %and3A_1032, %sub3A_1034, %div3A_1013 : i32
        %jit3A_1036 = arith.constant 4 : i32
        %eq3A_1037 = arith.constant 0 : i32
        %eq3A_1038 = arith.cmpi eq, %jit3A_1036, %eq3A_1037 : i32
        %jit3A_1039 = arith.constant 1 : i32
        %select_n3A_1040 = arith.select %eq3A_1038, %jit3A_1039, %jit3A_1036 : i32
        %rem3A_1041 = arith.remsi %add3A_1011, %select_n3A_1040 : i32
        %ne3A_1042 = arith.constant 0 : i32
        %ne3A_1043 = arith.cmpi ne, %rem3A_1041, %ne3A_1042 : i32
        %lt3A_1044 = arith.constant 0 : i32
        %lt3A_1045 = arith.cmpi slt, %rem3A_1041, %lt3A_1044 : i32
        %lt3A_1046 = arith.constant 0 : i32
        %lt3A_1047 = arith.cmpi slt, %select_n3A_1040, %lt3A_1046 : i32
        %ne3A_1048 = arith.xori %lt3A_1045, %lt3A_1047 : i1
        %and3A_1049 = arith.andi %ne3A_1048, %ne3A_1043 : i1
        %add3A_1050 = arith.addi %rem3A_1041, %select_n3A_1040 : i32
        %select_n3A_1051 = arith.select %and3A_1049, %add3A_1050, %rem3A_1041 : i32
        %mul3A_1052 = arith.constant 16 : i32
        %mul3A_1053 = arith.muli %select_n3A_1035, %mul3A_1052 : i32
        %add3A_1054 = arith.addi %mul3A_2, %mul3A_1053 : i32
        %dma_start3A_1055 = arith.constant 0 : i32
        %dma_start3A_1056 = tpu.memref_slice %arg2[%select_n3A_1051, %add3A_1054, %dma_start3A_1055] : memref<4x8192x1024xf32, #tpu.memory_space<hbm>> -> memref<1x16x1024xf32, #tpu.memory_space<hbm>>
        %dma_start3A_1057 = tpu.memref_squeeze %dma_start3A_1056 : memref<1x16x1024xf32, #tpu.memory_space<hbm>> -> memref<16x1024xf32, #tpu.memory_space<hbm>>
        %dma_start3A_1058 = arith.constant 0 : i32
        %dma_start3A_1059 = tpu.memref_slice %arg2[%select_n3A_1051, %add3A_1054, %dma_start3A_1058] : memref<4x8192x1024xf32, #tpu.memory_space<hbm>> -> memref<1x16x1024xf32, #tpu.memory_space<hbm>>
        %dma_start3A_1060 = tpu.memref_squeeze %dma_start3A_1059 : memref<1x16x1024xf32, #tpu.memory_space<hbm>> -> memref<16x1024xf32, #tpu.memory_space<hbm>>
        tpu.enqueue_dma source(%dma_start3A_1060 : memref<16x1024xf32, #tpu.memory_space<hbm>>) target(%arg8 : memref<16x1024xf32, #tpu.memory_space<vmem>>) target_semaphore(%arg14 : memref<!tpu.dma_semaphore, #tpu.memory_space<semaphore_mem>>)
      } else {
      }
      %jit3A_667 = arith.constant 4 : i32
      %div3A_668 = arith.divsi %add3A_654, %jit3A_667 : i32
      %sign3A_669 = arith.constant 0 : i32
      %sign3A_670 = arith.cmpi sgt, %add3A_654, %sign3A_669 : i32
      %sign3A_671 = arith.extui %sign3A_670 : i1 to i32
      %sign3A_672 = arith.constant 0 : i32
      %sign3A_673 = arith.cmpi slt, %add3A_654, %sign3A_672 : i32
      %sign3A_674 = arith.extui %sign3A_673 : i1 to i32
      %sign3A_675 = arith.subi %sign3A_671, %sign3A_674 : i32
      %sign3A_676 = arith.constant 0 : i32
      %sign3A_677 = arith.cmpi sgt, %jit3A_667, %sign3A_676 : i32
      %sign3A_678 = arith.extui %sign3A_677 : i1 to i32
      %sign3A_679 = arith.constant 0 : i32
      %sign3A_680 = arith.cmpi slt, %jit3A_667, %sign3A_679 : i32
      %sign3A_681 = arith.extui %sign3A_680 : i1 to i32
      %sign3A_682 = arith.subi %sign3A_678, %sign3A_681 : i32
      %ne3A_683 = arith.cmpi ne, %sign3A_675, %sign3A_682 : i32
      %rem3A_684 = arith.remsi %add3A_654, %jit3A_667 : i32
      %ne3A_685 = arith.constant 0 : i32
      %ne3A_686 = arith.cmpi ne, %rem3A_684, %ne3A_685 : i32
      %and3A_687 = arith.andi %ne3A_683, %ne3A_686 : i1
      %sub3A_688 = arith.constant 1 : i32
      %sub3A_689 = arith.subi %div3A_668, %sub3A_688 : i32
      %select_n3A_690 = arith.select %and3A_687, %sub3A_689, %div3A_668 : i32
      %jit3A_691 = arith.constant 4 : i32
      %eq3A_692 = arith.constant 0 : i32
      %eq3A_693 = arith.cmpi eq, %jit3A_691, %eq3A_692 : i32
      %jit3A_694 = arith.constant 1 : i32
      %select_n3A_695 = arith.select %eq3A_693, %jit3A_694, %jit3A_691 : i32
      %rem3A_696 = arith.remsi %add3A_654, %select_n3A_695 : i32
      %ne3A_697 = arith.constant 0 : i32
      %ne3A_698 = arith.cmpi ne, %rem3A_696, %ne3A_697 : i32
      %lt3A_699 = arith.constant 0 : i32
      %lt3A_700 = arith.cmpi slt, %rem3A_696, %lt3A_699 : i32
      %lt3A_701 = arith.constant 0 : i32
      %lt3A_702 = arith.cmpi slt, %select_n3A_695, %lt3A_701 : i32
      %ne3A_703 = arith.xori %lt3A_700, %lt3A_702 : i1
      %and3A_704 = arith.andi %ne3A_703, %ne3A_698 : i1
      %add3A_705 = arith.addi %rem3A_696, %select_n3A_695 : i32
      %select_n3A_706 = arith.select %and3A_704, %add3A_705, %rem3A_696 : i32
      %mul3A_707 = arith.constant 16 : i32
      %mul3A_708 = arith.muli %select_n3A_690, %mul3A_707 : i32
      %add3A_709 = arith.addi %mul3A_2, %mul3A_708 : i32
      %dma_wait3A_710 = arith.constant 0 : i32
      %dma_wait3A_711 = tpu.memref_slice %arg2[%select_n3A_706, %add3A_709, %dma_wait3A_710] : memref<4x8192x1024xf32, #tpu.memory_space<hbm>> -> memref<1x16x1024xf32, #tpu.memory_space<hbm>>
      %dma_wait3A_712 = tpu.memref_squeeze %dma_wait3A_711 : memref<1x16x1024xf32, #tpu.memory_space<hbm>> -> memref<16x1024xf32, #tpu.memory_space<hbm>>
      %dma_wait3A_713 = arith.constant 0 : i32
      %dma_wait3A_714 = tpu.memref_slice %arg2[%select_n3A_706, %add3A_709, %dma_wait3A_713] : memref<4x8192x1024xf32, #tpu.memory_space<hbm>> -> memref<1x16x1024xf32, #tpu.memory_space<hbm>>
      %dma_wait3A_715 = tpu.memref_squeeze %dma_wait3A_714 : memref<1x16x1024xf32, #tpu.memory_space<hbm>> -> memref<16x1024xf32, #tpu.memory_space<hbm>>
      tpu.wait_dma2 semaphore(%arg12 : memref<!tpu.dma_semaphore, #tpu.memory_space<semaphore_mem>>) src(%dma_wait3A_715 : memref<16x1024xf32, #tpu.memory_space<hbm>>) dst(%arg6 : memref<16x1024xf32, #tpu.memory_space<vmem>>)
      %parallel_loop3A_716 = arith.constant 0 : i32
      %parallel_loop3A_717 = arith.constant 1024 : i32
      %parallel_loop3A_718 = arith.constant 1 : i32
      scf.for %parallel_loop3A_1010 = %parallel_loop3A_716 to %parallel_loop3A_717 step %parallel_loop3A_718  : i32 {
        %parallel_loop3A_1011 = arith.constant 64 : i32
        %parallel_loop3A_1012 = arith.divsi %parallel_loop3A_1010, %parallel_loop3A_1011 : i32
        %parallel_loop3A_1013 = arith.constant 0 : i32
        %parallel_loop3A_1014 = arith.cmpi sgt, %parallel_loop3A_1010, %parallel_loop3A_1013 : i32
        %parallel_loop3A_1015 = arith.extui %parallel_loop3A_1014 : i1 to i32
        %parallel_loop3A_1016 = arith.constant 0 : i32
        %parallel_loop3A_1017 = arith.cmpi slt, %parallel_loop3A_1010, %parallel_loop3A_1016 : i32
        %parallel_loop3A_1018 = arith.extui %parallel_loop3A_1017 : i1 to i32
        %parallel_loop3A_1019 = arith.subi %parallel_loop3A_1015, %parallel_loop3A_1018 : i32
        %parallel_loop3A_1020 = arith.constant 0 : i32
        %parallel_loop3A_1021 = arith.cmpi sgt, %parallel_loop3A_1011, %parallel_loop3A_1020 : i32
        %parallel_loop3A_1022 = arith.extui %parallel_loop3A_1021 : i1 to i32
        %parallel_loop3A_1023 = arith.constant 0 : i32
        %parallel_loop3A_1024 = arith.cmpi slt, %parallel_loop3A_1011, %parallel_loop3A_1023 : i32
        %parallel_loop3A_1025 = arith.extui %parallel_loop3A_1024 : i1 to i32
        %parallel_loop3A_1026 = arith.subi %parallel_loop3A_1022, %parallel_loop3A_1025 : i32
        %parallel_loop3A_1027 = arith.cmpi ne, %parallel_loop3A_1019, %parallel_loop3A_1026 : i32
        %parallel_loop3A_1028 = arith.remsi %parallel_loop3A_1010, %parallel_loop3A_1011 : i32
        %parallel_loop3A_1029 = arith.constant 0 : i32
        %parallel_loop3A_1030 = arith.cmpi ne, %parallel_loop3A_1028, %parallel_loop3A_1029 : i32
        %parallel_loop3A_1031 = arith.andi %parallel_loop3A_1027, %parallel_loop3A_1030 : i1
        %parallel_loop3A_1032 = arith.constant 1 : i32
        %parallel_loop3A_1033 = arith.subi %parallel_loop3A_1012, %parallel_loop3A_1032 : i32
        %parallel_loop3A_1034 = arith.select %parallel_loop3A_1031, %parallel_loop3A_1033, %parallel_loop3A_1012 : i32
        %parallel_loop3A_1035 = arith.constant 64 : i32
        %parallel_loop3A_1036 = arith.constant 0 : i32
        %parallel_loop3A_1037 = arith.cmpi eq, %parallel_loop3A_1035, %parallel_loop3A_1036 : i32
        %parallel_loop3A_1038 = arith.constant 1 : i32
        %parallel_loop3A_1039 = arith.select %parallel_loop3A_1037, %parallel_loop3A_1038, %parallel_loop3A_1035 : i32
        %parallel_loop3A_1040 = arith.remsi %parallel_loop3A_1010, %parallel_loop3A_1039 : i32
        %parallel_loop3A_1041 = arith.constant 0 : i32
        %parallel_loop3A_1042 = arith.cmpi ne, %parallel_loop3A_1040, %parallel_loop3A_1041 : i32
        %parallel_loop3A_1043 = arith.constant 0 : i32
        %parallel_loop3A_1044 = arith.cmpi slt, %parallel_loop3A_1040, %parallel_loop3A_1043 : i32
        %parallel_loop3A_1045 = arith.constant 0 : i32
        %parallel_loop3A_1046 = arith.cmpi slt, %parallel_loop3A_1039, %parallel_loop3A_1045 : i32
        %parallel_loop3A_1047 = arith.xori %parallel_loop3A_1044, %parallel_loop3A_1046 : i1
        %parallel_loop3A_1048 = arith.andi %parallel_loop3A_1047, %parallel_loop3A_1042 : i1
        %parallel_loop3A_1049 = arith.addi %parallel_loop3A_1040, %parallel_loop3A_1039 : i32
        %parallel_loop3A_1050 = arith.select %parallel_loop3A_1048, %parallel_loop3A_1049, %parallel_loop3A_1040 : i32
        %parallel_loop3A_1051 = arith.constant 16 : i32
        %parallel_loop3A_1052 = arith.muli %parallel_loop3A_1050, %parallel_loop3A_1051 : i32
        %parallel_loop3A_1053 = arith.index_cast %parallel_loop3A_1034 : i32 to index
        %parallel_loop3A_1054 = arith.index_cast %parallel_loop3A_1052 : i32 to index
        %parallel_loop3A_1055 = tpu.vector_load %arg6[%parallel_loop3A_1053, %parallel_loop3A_1054] {strides = array<i32>} : memref<16x1024xf32, #tpu.memory_space<vmem>>, vector<1x16xf32>,
        %parallel_loop3A_1056 = vector.shape_cast %parallel_loop3A_1055 : vector<1x16xf32> to vector<16xf32>
        %parallel_loop3A_1057 = arith.index_cast %parallel_loop3A_1034 : i32 to index
        %parallel_loop3A_1058 = arith.index_cast %parallel_loop3A_1052 : i32 to index
        %parallel_loop3A_1059 = tpu.vector_load %arg10[%parallel_loop3A_1057, %parallel_loop3A_1058] {strides = array<i32>} : memref<16x1024xf32, #tpu.memory_space<vmem>>, vector<1x16xf32>,
        %parallel_loop3A_1060 = vector.shape_cast %parallel_loop3A_1059 : vector<1x16xf32> to vector<16xf32>
        %parallel_loop3A_1061 = arith.addf %parallel_loop3A_1056, %parallel_loop3A_1060 : vector<16xf32>
        %parallel_loop3A_1062 = arith.index_cast %parallel_loop3A_1034 : i32 to index
        %parallel_loop3A_1063 = arith.index_cast %parallel_loop3A_1052 : i32 to index
        %parallel_loop3A_1064 = tpu.vector_load %arg6[%parallel_loop3A_1062, %parallel_loop3A_1063] {strides = array<i32>} : memref<16x1024xf32, #tpu.memory_space<vmem>>, vector<1x16xf32>,
        %parallel_loop3A_1065 = vector.shape_cast %parallel_loop3A_1064 : vector<1x16xf32> to vector<16xf32>
        %parallel_loop3A_1066 = vector.shape_cast %parallel_loop3A_1061 : vector<16xf32> to vector<1x16xf32>
        tpu.vector_store %arg6[%parallel_loop3A_1062, %parallel_loop3A_1063], %parallel_loop3A_1066 {strides = array<i32>} : memref<16x1024xf32, #tpu.memory_space<vmem>>, vector<1x16xf32>,
      } {sc.loop_unroll_factor = 16 : i64, sc.parallel_access}
      %jit3A_719 = arith.constant 4 : i32
      %div3A_720 = arith.divsi %add3A_654, %jit3A_719 : i32
      %sign3A_721 = arith.constant 0 : i32
      %sign3A_722 = arith.cmpi sgt, %add3A_654, %sign3A_721 : i32
      %sign3A_723 = arith.extui %sign3A_722 : i1 to i32
      %sign3A_724 = arith.constant 0 : i32
      %sign3A_725 = arith.cmpi slt, %add3A_654, %sign3A_724 : i32
      %sign3A_726 = arith.extui %sign3A_725 : i1 to i32
      %sign3A_727 = arith.subi %sign3A_723, %sign3A_726 : i32
      %sign3A_728 = arith.constant 0 : i32
      %sign3A_729 = arith.cmpi sgt, %jit3A_719, %sign3A_728 : i32
      %sign3A_730 = arith.extui %sign3A_729 : i1 to i32
      %sign3A_731 = arith.constant 0 : i32
      %sign3A_732 = arith.cmpi slt, %jit3A_719, %sign3A_731 : i32
      %sign3A_733 = arith.extui %sign3A_732 : i1 to i32
      %sign3A_734 = arith.subi %sign3A_730, %sign3A_733 : i32
      %ne3A_735 = arith.cmpi ne, %sign3A_727, %sign3A_734 : i32
      %rem3A_736 = arith.remsi %add3A_654, %jit3A_719 : i32
      %ne3A_737 = arith.constant 0 : i32
      %ne3A_738 = arith.cmpi ne, %rem3A_736, %ne3A_737 : i32
      %and3A_739 = arith.andi %ne3A_735, %ne3A_738 : i1
      %sub3A_740 = arith.constant 1 : i32
      %sub3A_741 = arith.subi %div3A_720, %sub3A_740 : i32
      %select_n3A_742 = arith.select %and3A_739, %sub3A_741, %div3A_720 : i32
      %jit3A_743 = arith.constant 4 : i32
      %eq3A_744 = arith.constant 0 : i32
      %eq3A_745 = arith.cmpi eq, %jit3A_743, %eq3A_744 : i32
      %jit3A_746 = arith.constant 1 : i32
      %select_n3A_747 = arith.select %eq3A_745, %jit3A_746, %jit3A_743 : i32
      %rem3A_748 = arith.remsi %add3A_654, %select_n3A_747 : i32
      %ne3A_749 = arith.constant 0 : i32
      %ne3A_750 = arith.cmpi ne, %rem3A_748, %ne3A_749 : i32
      %lt3A_751 = arith.constant 0 : i32
      %lt3A_752 = arith.cmpi slt, %rem3A_748, %lt3A_751 : i32
      %lt3A_753 = arith.constant 0 : i32
      %lt3A_754 = arith.cmpi slt, %select_n3A_747, %lt3A_753 : i32
      %ne3A_755 = arith.xori %lt3A_752, %lt3A_754 : i1
      %and3A_756 = arith.andi %ne3A_755, %ne3A_750 : i1
      %add3A_757 = arith.addi %rem3A_748, %select_n3A_747 : i32
      %select_n3A_758 = arith.select %and3A_756, %add3A_757, %rem3A_748 : i32
      %mul3A_759 = arith.constant 16 : i32
      %mul3A_760 = arith.muli %select_n3A_742, %mul3A_759 : i32
      %add3A_761 = arith.addi %mul3A_2, %mul3A_760 : i32
      %dma_start3A_762 = arith.constant 0 : i32
      %dma_start3A_763 = tpu.memref_slice %arg4[%select_n3A_758, %add3A_761, %dma_start3A_762] : memref<4x8192x1024xf32, #tpu.memory_space<hbm>> -> memref<1x16x1024xf32, #tpu.memory_space<hbm>>
      %dma_start3A_764 = tpu.memref_squeeze %dma_start3A_763 : memref<1x16x1024xf32, #tpu.memory_space<hbm>> -> memref<16x1024xf32, #tpu.memory_space<hbm>>
      %dma_start3A_765 = arith.constant 0 : i32
      %dma_start3A_766 = tpu.memref_slice %arg4[%select_n3A_758, %add3A_761, %dma_start3A_765] : memref<4x8192x1024xf32, #tpu.memory_space<hbm>> -> memref<1x16x1024xf32, #tpu.memory_space<hbm>>
      %dma_start3A_767 = tpu.memref_squeeze %dma_start3A_766 : memref<1x16x1024xf32, #tpu.memory_space<hbm>> -> memref<16x1024xf32, #tpu.memory_space<hbm>>
      tpu.enqueue_dma source(%arg6 : memref<16x1024xf32, #tpu.memory_space<vmem>>) target(%dma_start3A_767 : memref<16x1024xf32, #tpu.memory_space<hbm>>) target_semaphore(%arg16 : memref<!tpu.dma_semaphore, #tpu.memory_space<semaphore_mem>>)
      %mul3A_768 = arith.constant 4 : i32
      %mul3A_769 = arith.muli %add3A_60, %mul3A_768 : i32
      %add3A_770 = arith.constant 2 : i32
      %add3A_771 = arith.addi %mul3A_769, %add3A_770 : i32
      %ge3A_772 = arith.constant 2 : i32
      %ge3A_773 = arith.cmpi sge, %add3A_771, %ge3A_772 : i32
      %convert_element_type3A_774 = arith.extui %ge3A_773 : i1 to i32
      %cond3A_775 = arith.constant 0 : i32
      %cond3A_776 = arith.cmpi ne, %convert_element_type3A_774, %cond3A_775 : i32
      scf.if %cond3A_776 {
        %jit3A_1010 = arith.constant 4 : i32
        %div3A_1011 = arith.divsi %add3A_771, %jit3A_1010 : i32
        %sign3A_1012 = arith.constant 0 : i32
        %sign3A_1013 = arith.cmpi sgt, %add3A_771, %sign3A_1012 : i32
        %sign3A_1014 = arith.extui %sign3A_1013 : i1 to i32
        %sign3A_1015 = arith.constant 0 : i32
        %sign3A_1016 = arith.cmpi slt, %add3A_771, %sign3A_1015 : i32
        %sign3A_1017 = arith.extui %sign3A_1016 : i1 to i32
        %sign3A_1018 = arith.subi %sign3A_1014, %sign3A_1017 : i32
        %sign3A_1019 = arith.constant 0 : i32
        %sign3A_1020 = arith.cmpi sgt, %jit3A_1010, %sign3A_1019 : i32
        %sign3A_1021 = arith.extui %sign3A_1020 : i1 to i32
        %sign3A_1022 = arith.constant 0 : i32
        %sign3A_1023 = arith.cmpi slt, %jit3A_1010, %sign3A_1022 : i32
        %sign3A_1024 = arith.extui %sign3A_1023 : i1 to i32
        %sign3A_1025 = arith.subi %sign3A_1021, %sign3A_1024 : i32
        %ne3A_1026 = arith.cmpi ne, %sign3A_1018, %sign3A_1025 : i32
        %rem3A_1027 = arith.remsi %add3A_771, %jit3A_1010 : i32
        %ne3A_1028 = arith.constant 0 : i32
        %ne3A_1029 = arith.cmpi ne, %rem3A_1027, %ne3A_1028 : i32
        %and3A_1030 = arith.andi %ne3A_1026, %ne3A_1029 : i1
        %sub3A_1031 = arith.constant 1 : i32
        %sub3A_1032 = arith.subi %div3A_1011, %sub3A_1031 : i32
        %select_n3A_1033 = arith.select %and3A_1030, %sub3A_1032, %div3A_1011 : i32
        %jit3A_1034 = arith.constant 4 : i32
        %eq3A_1035 = arith.constant 0 : i32
        %eq3A_1036 = arith.cmpi eq, %jit3A_1034, %eq3A_1035 : i32
        %jit3A_1037 = arith.constant 1 : i32
        %select_n3A_1038 = arith.select %eq3A_1036, %jit3A_1037, %jit3A_1034 : i32
        %rem3A_1039 = arith.remsi %add3A_771, %select_n3A_1038 : i32
        %ne3A_1040 = arith.constant 0 : i32
        %ne3A_1041 = arith.cmpi ne, %rem3A_1039, %ne3A_1040 : i32
        %lt3A_1042 = arith.constant 0 : i32
        %lt3A_1043 = arith.cmpi slt, %rem3A_1039, %lt3A_1042 : i32
        %lt3A_1044 = arith.constant 0 : i32
        %lt3A_1045 = arith.cmpi slt, %select_n3A_1038, %lt3A_1044 : i32
        %ne3A_1046 = arith.xori %lt3A_1043, %lt3A_1045 : i1
        %and3A_1047 = arith.andi %ne3A_1046, %ne3A_1041 : i1
        %add3A_1048 = arith.addi %rem3A_1039, %select_n3A_1038 : i32
        %select_n3A_1049 = arith.select %and3A_1047, %add3A_1048, %rem3A_1039 : i32
        %mul3A_1050 = arith.constant 16 : i32
        %mul3A_1051 = arith.muli %select_n3A_1033, %mul3A_1050 : i32
        %add3A_1052 = arith.addi %mul3A_2, %mul3A_1051 : i32
        %dma_wait3A_1053 = arith.constant 0 : i32
        %dma_wait3A_1054 = tpu.memref_slice %arg4[%select_n3A_1049, %add3A_1052, %dma_wait3A_1053] : memref<4x8192x1024xf32, #tpu.memory_space<hbm>> -> memref<1x16x1024xf32, #tpu.memory_space<hbm>>
        %dma_wait3A_1055 = tpu.memref_squeeze %dma_wait3A_1054 : memref<1x16x1024xf32, #tpu.memory_space<hbm>> -> memref<16x1024xf32, #tpu.memory_space<hbm>>
        %dma_wait3A_1056 = arith.constant 0 : i32
        %dma_wait3A_1057 = tpu.memref_slice %arg4[%select_n3A_1049, %add3A_1052, %dma_wait3A_1056] : memref<4x8192x1024xf32, #tpu.memory_space<hbm>> -> memref<1x16x1024xf32, #tpu.memory_space<hbm>>
        %dma_wait3A_1058 = tpu.memref_squeeze %dma_wait3A_1057 : memref<1x16x1024xf32, #tpu.memory_space<hbm>> -> memref<16x1024xf32, #tpu.memory_space<hbm>>
        tpu.wait_dma2 semaphore(%arg15 : memref<!tpu.dma_semaphore, #tpu.memory_space<semaphore_mem>>) src(%arg5 : memref<16x1024xf32, #tpu.memory_space<vmem>>) dst(%dma_wait3A_1058 : memref<16x1024xf32, #tpu.memory_space<hbm>>)
      } else {
      }
      %add3A_777 = arith.constant 2 : i32
      %add3A_778 = arith.addi %add3A_771, %add3A_777 : i32
      %lt3A_779 = arith.constant 64 : i32
      %lt3A_780 = arith.cmpi slt, %add3A_778, %lt3A_779 : i32
      %convert_element_type3A_781 = arith.extui %lt3A_780 : i1 to i32
      %cond3A_782 = arith.constant 0 : i32
      %cond3A_783 = arith.cmpi ne, %convert_element_type3A_781, %cond3A_782 : i32
      scf.if %cond3A_783 {
        %add3A_1010 = arith.constant 2 : i32
        %add3A_1011 = arith.addi %add3A_771, %add3A_1010 : i32
        %jit3A_1012 = arith.constant 4 : i32
        %div3A_1013 = arith.divsi %add3A_1011, %jit3A_1012 : i32
        %sign3A_1014 = arith.constant 0 : i32
        %sign3A_1015 = arith.cmpi sgt, %add3A_1011, %sign3A_1014 : i32
        %sign3A_1016 = arith.extui %sign3A_1015 : i1 to i32
        %sign3A_1017 = arith.constant 0 : i32
        %sign3A_1018 = arith.cmpi slt, %add3A_1011, %sign3A_1017 : i32
        %sign3A_1019 = arith.extui %sign3A_1018 : i1 to i32
        %sign3A_1020 = arith.subi %sign3A_1016, %sign3A_1019 : i32
        %sign3A_1021 = arith.constant 0 : i32
        %sign3A_1022 = arith.cmpi sgt, %jit3A_1012, %sign3A_1021 : i32
        %sign3A_1023 = arith.extui %sign3A_1022 : i1 to i32
        %sign3A_1024 = arith.constant 0 : i32
        %sign3A_1025 = arith.cmpi slt, %jit3A_1012, %sign3A_1024 : i32
        %sign3A_1026 = arith.extui %sign3A_1025 : i1 to i32
        %sign3A_1027 = arith.subi %sign3A_1023, %sign3A_1026 : i32
        %ne3A_1028 = arith.cmpi ne, %sign3A_1020, %sign3A_1027 : i32
        %rem3A_1029 = arith.remsi %add3A_1011, %jit3A_1012 : i32
        %ne3A_1030 = arith.constant 0 : i32
        %ne3A_1031 = arith.cmpi ne, %rem3A_1029, %ne3A_1030 : i32
        %and3A_1032 = arith.andi %ne3A_1028, %ne3A_1031 : i1
        %sub3A_1033 = arith.constant 1 : i32
        %sub3A_1034 = arith.subi %div3A_1013, %sub3A_1033 : i32
        %select_n3A_1035 = arith.select %and3A_1032, %sub3A_1034, %div3A_1013 : i32
        %jit3A_1036 = arith.constant 4 : i32
        %eq3A_1037 = arith.constant 0 : i32
        %eq3A_1038 = arith.cmpi eq, %jit3A_1036, %eq3A_1037 : i32
        %jit3A_1039 = arith.constant 1 : i32
        %select_n3A_1040 = arith.select %eq3A_1038, %jit3A_1039, %jit3A_1036 : i32
        %rem3A_1041 = arith.remsi %add3A_1011, %select_n3A_1040 : i32
        %ne3A_1042 = arith.constant 0 : i32
        %ne3A_1043 = arith.cmpi ne, %rem3A_1041, %ne3A_1042 : i32
        %lt3A_1044 = arith.constant 0 : i32
        %lt3A_1045 = arith.cmpi slt, %rem3A_1041, %lt3A_1044 : i32
        %lt3A_1046 = arith.constant 0 : i32
        %lt3A_1047 = arith.cmpi slt, %select_n3A_1040, %lt3A_1046 : i32
        %ne3A_1048 = arith.xori %lt3A_1045, %lt3A_1047 : i1
        %and3A_1049 = arith.andi %ne3A_1048, %ne3A_1043 : i1
        %add3A_1050 = arith.addi %rem3A_1041, %select_n3A_1040 : i32
        %select_n3A_1051 = arith.select %and3A_1049, %add3A_1050, %rem3A_1041 : i32
        %mul3A_1052 = arith.constant 16 : i32
        %mul3A_1053 = arith.muli %select_n3A_1035, %mul3A_1052 : i32
        %add3A_1054 = arith.addi %mul3A_2, %mul3A_1053 : i32
        %dma_start3A_1055 = arith.constant 0 : i32
        %dma_start3A_1056 = tpu.memref_slice %arg2[%select_n3A_1051, %add3A_1054, %dma_start3A_1055] : memref<4x8192x1024xf32, #tpu.memory_space<hbm>> -> memref<1x16x1024xf32, #tpu.memory_space<hbm>>
        %dma_start3A_1057 = tpu.memref_squeeze %dma_start3A_1056 : memref<1x16x1024xf32, #tpu.memory_space<hbm>> -> memref<16x1024xf32, #tpu.memory_space<hbm>>
        %dma_start3A_1058 = arith.constant 0 : i32
        %dma_start3A_1059 = tpu.memref_slice %arg2[%select_n3A_1051, %add3A_1054, %dma_start3A_1058] : memref<4x8192x1024xf32, #tpu.memory_space<hbm>> -> memref<1x16x1024xf32, #tpu.memory_space<hbm>>
        %dma_start3A_1060 = tpu.memref_squeeze %dma_start3A_1059 : memref<1x16x1024xf32, #tpu.memory_space<hbm>> -> memref<16x1024xf32, #tpu.memory_space<hbm>>
        tpu.enqueue_dma source(%dma_start3A_1060 : memref<16x1024xf32, #tpu.memory_space<hbm>>) target(%arg5 : memref<16x1024xf32, #tpu.memory_space<vmem>>) target_semaphore(%arg11 : memref<!tpu.dma_semaphore, #tpu.memory_space<semaphore_mem>>)
      } else {
      }
      %jit3A_784 = arith.constant 4 : i32
      %div3A_785 = arith.divsi %add3A_771, %jit3A_784 : i32
      %sign3A_786 = arith.constant 0 : i32
      %sign3A_787 = arith.cmpi sgt, %add3A_771, %sign3A_786 : i32
      %sign3A_788 = arith.extui %sign3A_787 : i1 to i32
      %sign3A_789 = arith.constant 0 : i32
      %sign3A_790 = arith.cmpi slt, %add3A_771, %sign3A_789 : i32
      %sign3A_791 = arith.extui %sign3A_790 : i1 to i32
      %sign3A_792 = arith.subi %sign3A_788, %sign3A_791 : i32
      %sign3A_793 = arith.constant 0 : i32
      %sign3A_794 = arith.cmpi sgt, %jit3A_784, %sign3A_793 : i32
      %sign3A_795 = arith.extui %sign3A_794 : i1 to i32
      %sign3A_796 = arith.constant 0 : i32
      %sign3A_797 = arith.cmpi slt, %jit3A_784, %sign3A_796 : i32
      %sign3A_798 = arith.extui %sign3A_797 : i1 to i32
      %sign3A_799 = arith.subi %sign3A_795, %sign3A_798 : i32
      %ne3A_800 = arith.cmpi ne, %sign3A_792, %sign3A_799 : i32
      %rem3A_801 = arith.remsi %add3A_771, %jit3A_784 : i32
      %ne3A_802 = arith.constant 0 : i32
      %ne3A_803 = arith.cmpi ne, %rem3A_801, %ne3A_802 : i32
      %and3A_804 = arith.andi %ne3A_800, %ne3A_803 : i1
      %sub3A_805 = arith.constant 1 : i32
      %sub3A_806 = arith.subi %div3A_785, %sub3A_805 : i32
      %select_n3A_807 = arith.select %and3A_804, %sub3A_806, %div3A_785 : i32
      %jit3A_808 = arith.constant 4 : i32
      %eq3A_809 = arith.constant 0 : i32
      %eq3A_810 = arith.cmpi eq, %jit3A_808, %eq3A_809 : i32
      %jit3A_811 = arith.constant 1 : i32
      %select_n3A_812 = arith.select %eq3A_810, %jit3A_811, %jit3A_808 : i32
      %rem3A_813 = arith.remsi %add3A_771, %select_n3A_812 : i32
      %ne3A_814 = arith.constant 0 : i32
      %ne3A_815 = arith.cmpi ne, %rem3A_813, %ne3A_814 : i32
      %lt3A_816 = arith.constant 0 : i32
      %lt3A_817 = arith.cmpi slt, %rem3A_813, %lt3A_816 : i32
      %lt3A_818 = arith.constant 0 : i32
      %lt3A_819 = arith.cmpi slt, %select_n3A_812, %lt3A_818 : i32
      %ne3A_820 = arith.xori %lt3A_817, %lt3A_819 : i1
      %and3A_821 = arith.andi %ne3A_820, %ne3A_815 : i1
      %add3A_822 = arith.addi %rem3A_813, %select_n3A_812 : i32
      %select_n3A_823 = arith.select %and3A_821, %add3A_822, %rem3A_813 : i32
      %mul3A_824 = arith.constant 16 : i32
      %mul3A_825 = arith.muli %select_n3A_807, %mul3A_824 : i32
      %add3A_826 = arith.addi %mul3A_2, %mul3A_825 : i32
      %dma_wait3A_827 = arith.constant 0 : i32
      %dma_wait3A_828 = tpu.memref_slice %arg2[%select_n3A_823, %add3A_826, %dma_wait3A_827] : memref<4x8192x1024xf32, #tpu.memory_space<hbm>> -> memref<1x16x1024xf32, #tpu.memory_space<hbm>>
      %dma_wait3A_829 = tpu.memref_squeeze %dma_wait3A_828 : memref<1x16x1024xf32, #tpu.memory_space<hbm>> -> memref<16x1024xf32, #tpu.memory_space<hbm>>
      %dma_wait3A_830 = arith.constant 0 : i32
      %dma_wait3A_831 = tpu.memref_slice %arg2[%select_n3A_823, %add3A_826, %dma_wait3A_830] : memref<4x8192x1024xf32, #tpu.memory_space<hbm>> -> memref<1x16x1024xf32, #tpu.memory_space<hbm>>
      %dma_wait3A_832 = tpu.memref_squeeze %dma_wait3A_831 : memref<1x16x1024xf32, #tpu.memory_space<hbm>> -> memref<16x1024xf32, #tpu.memory_space<hbm>>
      tpu.wait_dma2 semaphore(%arg13 : memref<!tpu.dma_semaphore, #tpu.memory_space<semaphore_mem>>) src(%dma_wait3A_832 : memref<16x1024xf32, #tpu.memory_space<hbm>>) dst(%arg7 : memref<16x1024xf32, #tpu.memory_space<vmem>>)
      %parallel_loop3A_833 = arith.constant 0 : i32
      %parallel_loop3A_834 = arith.constant 1024 : i32
      %parallel_loop3A_835 = arith.constant 1 : i32
      scf.for %parallel_loop3A_1010 = %parallel_loop3A_833 to %parallel_loop3A_834 step %parallel_loop3A_835  : i32 {
        %parallel_loop3A_1011 = arith.constant 64 : i32
        %parallel_loop3A_1012 = arith.divsi %parallel_loop3A_1010, %parallel_loop3A_1011 : i32
        %parallel_loop3A_1013 = arith.constant 0 : i32
        %parallel_loop3A_1014 = arith.cmpi sgt, %parallel_loop3A_1010, %parallel_loop3A_1013 : i32
        %parallel_loop3A_1015 = arith.extui %parallel_loop3A_1014 : i1 to i32
        %parallel_loop3A_1016 = arith.constant 0 : i32
        %parallel_loop3A_1017 = arith.cmpi slt, %parallel_loop3A_1010, %parallel_loop3A_1016 : i32
        %parallel_loop3A_1018 = arith.extui %parallel_loop3A_1017 : i1 to i32
        %parallel_loop3A_1019 = arith.subi %parallel_loop3A_1015, %parallel_loop3A_1018 : i32
        %parallel_loop3A_1020 = arith.constant 0 : i32
        %parallel_loop3A_1021 = arith.cmpi sgt, %parallel_loop3A_1011, %parallel_loop3A_1020 : i32
        %parallel_loop3A_1022 = arith.extui %parallel_loop3A_1021 : i1 to i32
        %parallel_loop3A_1023 = arith.constant 0 : i32
        %parallel_loop3A_1024 = arith.cmpi slt, %parallel_loop3A_1011, %parallel_loop3A_1023 : i32
        %parallel_loop3A_1025 = arith.extui %parallel_loop3A_1024 : i1 to i32
        %parallel_loop3A_1026 = arith.subi %parallel_loop3A_1022, %parallel_loop3A_1025 : i32
        %parallel_loop3A_1027 = arith.cmpi ne, %parallel_loop3A_1019, %parallel_loop3A_1026 : i32
        %parallel_loop3A_1028 = arith.remsi %parallel_loop3A_1010, %parallel_loop3A_1011 : i32
        %parallel_loop3A_1029 = arith.constant 0 : i32
        %parallel_loop3A_1030 = arith.cmpi ne, %parallel_loop3A_1028, %parallel_loop3A_1029 : i32
        %parallel_loop3A_1031 = arith.andi %parallel_loop3A_1027, %parallel_loop3A_1030 : i1
        %parallel_loop3A_1032 = arith.constant 1 : i32
        %parallel_loop3A_1033 = arith.subi %parallel_loop3A_1012, %parallel_loop3A_1032 : i32
        %parallel_loop3A_1034 = arith.select %parallel_loop3A_1031, %parallel_loop3A_1033, %parallel_loop3A_1012 : i32
        %parallel_loop3A_1035 = arith.constant 64 : i32
        %parallel_loop3A_1036 = arith.constant 0 : i32
        %parallel_loop3A_1037 = arith.cmpi eq, %parallel_loop3A_1035, %parallel_loop3A_1036 : i32
        %parallel_loop3A_1038 = arith.constant 1 : i32
        %parallel_loop3A_1039 = arith.select %parallel_loop3A_1037, %parallel_loop3A_1038, %parallel_loop3A_1035 : i32
        %parallel_loop3A_1040 = arith.remsi %parallel_loop3A_1010, %parallel_loop3A_1039 : i32
        %parallel_loop3A_1041 = arith.constant 0 : i32
        %parallel_loop3A_1042 = arith.cmpi ne, %parallel_loop3A_1040, %parallel_loop3A_1041 : i32
        %parallel_loop3A_1043 = arith.constant 0 : i32
        %parallel_loop3A_1044 = arith.cmpi slt, %parallel_loop3A_1040, %parallel_loop3A_1043 : i32
        %parallel_loop3A_1045 = arith.constant 0 : i32
        %parallel_loop3A_1046 = arith.cmpi slt, %parallel_loop3A_1039, %parallel_loop3A_1045 : i32
        %parallel_loop3A_1047 = arith.xori %parallel_loop3A_1044, %parallel_loop3A_1046 : i1
        %parallel_loop3A_1048 = arith.andi %parallel_loop3A_1047, %parallel_loop3A_1042 : i1
        %parallel_loop3A_1049 = arith.addi %parallel_loop3A_1040, %parallel_loop3A_1039 : i32
        %parallel_loop3A_1050 = arith.select %parallel_loop3A_1048, %parallel_loop3A_1049, %parallel_loop3A_1040 : i32
        %parallel_loop3A_1051 = arith.constant 16 : i32
        %parallel_loop3A_1052 = arith.muli %parallel_loop3A_1050, %parallel_loop3A_1051 : i32
        %parallel_loop3A_1053 = arith.index_cast %parallel_loop3A_1034 : i32 to index
        %parallel_loop3A_1054 = arith.index_cast %parallel_loop3A_1052 : i32 to index
        %parallel_loop3A_1055 = tpu.vector_load %arg7[%parallel_loop3A_1053, %parallel_loop3A_1054] {strides = array<i32>} : memref<16x1024xf32, #tpu.memory_space<vmem>>, vector<1x16xf32>,
        %parallel_loop3A_1056 = vector.shape_cast %parallel_loop3A_1055 : vector<1x16xf32> to vector<16xf32>
        %parallel_loop3A_1057 = arith.index_cast %parallel_loop3A_1034 : i32 to index
        %parallel_loop3A_1058 = arith.index_cast %parallel_loop3A_1052 : i32 to index
        %parallel_loop3A_1059 = tpu.vector_load %arg10[%parallel_loop3A_1057, %parallel_loop3A_1058] {strides = array<i32>} : memref<16x1024xf32, #tpu.memory_space<vmem>>, vector<1x16xf32>,
        %parallel_loop3A_1060 = vector.shape_cast %parallel_loop3A_1059 : vector<1x16xf32> to vector<16xf32>
        %parallel_loop3A_1061 = arith.addf %parallel_loop3A_1056, %parallel_loop3A_1060 : vector<16xf32>
        %parallel_loop3A_1062 = arith.index_cast %parallel_loop3A_1034 : i32 to index
        %parallel_loop3A_1063 = arith.index_cast %parallel_loop3A_1052 : i32 to index
        %parallel_loop3A_1064 = tpu.vector_load %arg7[%parallel_loop3A_1062, %parallel_loop3A_1063] {strides = array<i32>} : memref<16x1024xf32, #tpu.memory_space<vmem>>, vector<1x16xf32>,
        %parallel_loop3A_1065 = vector.shape_cast %parallel_loop3A_1064 : vector<1x16xf32> to vector<16xf32>
        %parallel_loop3A_1066 = vector.shape_cast %parallel_loop3A_1061 : vector<16xf32> to vector<1x16xf32>
        tpu.vector_store %arg7[%parallel_loop3A_1062, %parallel_loop3A_1063], %parallel_loop3A_1066 {strides = array<i32>} : memref<16x1024xf32, #tpu.memory_space<vmem>>, vector<1x16xf32>,
      } {sc.loop_unroll_factor = 16 : i64, sc.parallel_access}
      %jit3A_836 = arith.constant 4 : i32
      %div3A_837 = arith.divsi %add3A_771, %jit3A_836 : i32
      %sign3A_838 = arith.constant 0 : i32
      %sign3A_839 = arith.cmpi sgt, %add3A_771, %sign3A_838 : i32
      %sign3A_840 = arith.extui %sign3A_839 : i1 to i32
      %sign3A_841 = arith.constant 0 : i32
      %sign3A_842 = arith.cmpi slt, %add3A_771, %sign3A_841 : i32
      %sign3A_843 = arith.extui %sign3A_842 : i1 to i32
      %sign3A_844 = arith.subi %sign3A_840, %sign3A_843 : i32
      %sign3A_845 = arith.constant 0 : i32
      %sign3A_846 = arith.cmpi sgt, %jit3A_836, %sign3A_845 : i32
      %sign3A_847 = arith.extui %sign3A_846 : i1 to i32
      %sign3A_848 = arith.constant 0 : i32
      %sign3A_849 = arith.cmpi slt, %jit3A_836, %sign3A_848 : i32
      %sign3A_850 = arith.extui %sign3A_849 : i1 to i32
      %sign3A_851 = arith.subi %sign3A_847, %sign3A_850 : i32
      %ne3A_852 = arith.cmpi ne, %sign3A_844, %sign3A_851 : i32
      %rem3A_853 = arith.remsi %add3A_771, %jit3A_836 : i32
      %ne3A_854 = arith.constant 0 : i32
      %ne3A_855 = arith.cmpi ne, %rem3A_853, %ne3A_854 : i32
      %and3A_856 = arith.andi %ne3A_852, %ne3A_855 : i1
      %sub3A_857 = arith.constant 1 : i32
      %sub3A_858 = arith.subi %div3A_837, %sub3A_857 : i32
      %select_n3A_859 = arith.select %and3A_856, %sub3A_858, %div3A_837 : i32
      %jit3A_860 = arith.constant 4 : i32
      %eq3A_861 = arith.constant 0 : i32
      %eq3A_862 = arith.cmpi eq, %jit3A_860, %eq3A_861 : i32
      %jit3A_863 = arith.constant 1 : i32
      %select_n3A_864 = arith.select %eq3A_862, %jit3A_863, %jit3A_860 : i32
      %rem3A_865 = arith.remsi %add3A_771, %select_n3A_864 : i32
      %ne3A_866 = arith.constant 0 : i32
      %ne3A_867 = arith.cmpi ne, %rem3A_865, %ne3A_866 : i32
      %lt3A_868 = arith.constant 0 : i32
      %lt3A_869 = arith.cmpi slt, %rem3A_865, %lt3A_868 : i32
      %lt3A_870 = arith.constant 0 : i32
      %lt3A_871 = arith.cmpi slt, %select_n3A_864, %lt3A_870 : i32
      %ne3A_872 = arith.xori %lt3A_869, %lt3A_871 : i1
      %and3A_873 = arith.andi %ne3A_872, %ne3A_867 : i1
      %add3A_874 = arith.addi %rem3A_865, %select_n3A_864 : i32
      %select_n3A_875 = arith.select %and3A_873, %add3A_874, %rem3A_865 : i32
      %mul3A_876 = arith.constant 16 : i32
      %mul3A_877 = arith.muli %select_n3A_859, %mul3A_876 : i32
      %add3A_878 = arith.addi %mul3A_2, %mul3A_877 : i32
      %dma_start3A_879 = arith.constant 0 : i32
      %dma_start3A_880 = tpu.memref_slice %arg4[%select_n3A_875, %add3A_878, %dma_start3A_879] : memref<4x8192x1024xf32, #tpu.memory_space<hbm>> -> memref<1x16x1024xf32, #tpu.memory_space<hbm>>
      %dma_start3A_881 = tpu.memref_squeeze %dma_start3A_880 : memref<1x16x1024xf32, #tpu.memory_space<hbm>> -> memref<16x1024xf32, #tpu.memory_space<hbm>>
      %dma_start3A_882 = arith.constant 0 : i32
      %dma_start3A_883 = tpu.memref_slice %arg4[%select_n3A_875, %add3A_878, %dma_start3A_882] : memref<4x8192x1024xf32, #tpu.memory_space<hbm>> -> memref<1x16x1024xf32, #tpu.memory_space<hbm>>
      %dma_start3A_884 = tpu.memref_squeeze %dma_start3A_883 : memref<1x16x1024xf32, #tpu.memory_space<hbm>> -> memref<16x1024xf32, #tpu.memory_space<hbm>>
      tpu.enqueue_dma source(%arg7 : memref<16x1024xf32, #tpu.memory_space<vmem>>) target(%dma_start3A_884 : memref<16x1024xf32, #tpu.memory_space<hbm>>) target_semaphore(%arg17 : memref<!tpu.dma_semaphore, #tpu.memory_space<semaphore_mem>>)
      %mul3A_885 = arith.constant 4 : i32
      %mul3A_886 = arith.muli %add3A_60, %mul3A_885 : i32
      %add3A_887 = arith.constant 3 : i32
      %add3A_888 = arith.addi %mul3A_886, %add3A_887 : i32
      %ge3A_889 = arith.constant 2 : i32
      %ge3A_890 = arith.cmpi sge, %add3A_888, %ge3A_889 : i32
      %convert_element_type3A_891 = arith.extui %ge3A_890 : i1 to i32
      %cond3A_892 = arith.constant 0 : i32
      %cond3A_893 = arith.cmpi ne, %convert_element_type3A_891, %cond3A_892 : i32
      scf.if %cond3A_893 {
        %jit3A_1010 = arith.constant 4 : i32
        %div3A_1011 = arith.divsi %add3A_888, %jit3A_1010 : i32
        %sign3A_1012 = arith.constant 0 : i32
        %sign3A_1013 = arith.cmpi sgt, %add3A_888, %sign3A_1012 : i32
        %sign3A_1014 = arith.extui %sign3A_1013 : i1 to i32
        %sign3A_1015 = arith.constant 0 : i32
        %sign3A_1016 = arith.cmpi slt, %add3A_888, %sign3A_1015 : i32
        %sign3A_1017 = arith.extui %sign3A_1016 : i1 to i32
        %sign3A_1018 = arith.subi %sign3A_1014, %sign3A_1017 : i32
        %sign3A_1019 = arith.constant 0 : i32
        %sign3A_1020 = arith.cmpi sgt, %jit3A_1010, %sign3A_1019 : i32
        %sign3A_1021 = arith.extui %sign3A_1020 : i1 to i32
        %sign3A_1022 = arith.constant 0 : i32
        %sign3A_1023 = arith.cmpi slt, %jit3A_1010, %sign3A_1022 : i32
        %sign3A_1024 = arith.extui %sign3A_1023 : i1 to i32
        %sign3A_1025 = arith.subi %sign3A_1021, %sign3A_1024 : i32
        %ne3A_1026 = arith.cmpi ne, %sign3A_1018, %sign3A_1025 : i32
        %rem3A_1027 = arith.remsi %add3A_888, %jit3A_1010 : i32
        %ne3A_1028 = arith.constant 0 : i32
        %ne3A_1029 = arith.cmpi ne, %rem3A_1027, %ne3A_1028 : i32
        %and3A_1030 = arith.andi %ne3A_1026, %ne3A_1029 : i1
        %sub3A_1031 = arith.constant 1 : i32
        %sub3A_1032 = arith.subi %div3A_1011, %sub3A_1031 : i32
        %select_n3A_1033 = arith.select %and3A_1030, %sub3A_1032, %div3A_1011 : i32
        %jit3A_1034 = arith.constant 4 : i32
        %eq3A_1035 = arith.constant 0 : i32
        %eq3A_1036 = arith.cmpi eq, %jit3A_1034, %eq3A_1035 : i32
        %jit3A_1037 = arith.constant 1 : i32
        %select_n3A_1038 = arith.select %eq3A_1036, %jit3A_1037, %jit3A_1034 : i32
        %rem3A_1039 = arith.remsi %add3A_888, %select_n3A_1038 : i32
        %ne3A_1040 = arith.constant 0 : i32
        %ne3A_1041 = arith.cmpi ne, %rem3A_1039, %ne3A_1040 : i32
        %lt3A_1042 = arith.constant 0 : i32
        %lt3A_1043 = arith.cmpi slt, %rem3A_1039, %lt3A_1042 : i32
        %lt3A_1044 = arith.constant 0 : i32
        %lt3A_1045 = arith.cmpi slt, %select_n3A_1038, %lt3A_1044 : i32
        %ne3A_1046 = arith.xori %lt3A_1043, %lt3A_1045 : i1
        %and3A_1047 = arith.andi %ne3A_1046, %ne3A_1041 : i1
        %add3A_1048 = arith.addi %rem3A_1039, %select_n3A_1038 : i32
        %select_n3A_1049 = arith.select %and3A_1047, %add3A_1048, %rem3A_1039 : i32
        %mul3A_1050 = arith.constant 16 : i32
        %mul3A_1051 = arith.muli %select_n3A_1033, %mul3A_1050 : i32
        %add3A_1052 = arith.addi %mul3A_2, %mul3A_1051 : i32
        %dma_wait3A_1053 = arith.constant 0 : i32
        %dma_wait3A_1054 = tpu.memref_slice %arg4[%select_n3A_1049, %add3A_1052, %dma_wait3A_1053] : memref<4x8192x1024xf32, #tpu.memory_space<hbm>> -> memref<1x16x1024xf32, #tpu.memory_space<hbm>>
        %dma_wait3A_1055 = tpu.memref_squeeze %dma_wait3A_1054 : memref<1x16x1024xf32, #tpu.memory_space<hbm>> -> memref<16x1024xf32, #tpu.memory_space<hbm>>
        %dma_wait3A_1056 = arith.constant 0 : i32
        %dma_wait3A_1057 = tpu.memref_slice %arg4[%select_n3A_1049, %add3A_1052, %dma_wait3A_1056] : memref<4x8192x1024xf32, #tpu.memory_space<hbm>> -> memref<1x16x1024xf32, #tpu.memory_space<hbm>>
        %dma_wait3A_1058 = tpu.memref_squeeze %dma_wait3A_1057 : memref<1x16x1024xf32, #tpu.memory_space<hbm>> -> memref<16x1024xf32, #tpu.memory_space<hbm>>
        tpu.wait_dma2 semaphore(%arg16 : memref<!tpu.dma_semaphore, #tpu.memory_space<semaphore_mem>>) src(%arg6 : memref<16x1024xf32, #tpu.memory_space<vmem>>) dst(%dma_wait3A_1058 : memref<16x1024xf32, #tpu.memory_space<hbm>>)
      } else {
      }
      %add3A_894 = arith.constant 2 : i32
      %add3A_895 = arith.addi %add3A_888, %add3A_894 : i32
      %lt3A_896 = arith.constant 64 : i32
      %lt3A_897 = arith.cmpi slt, %add3A_895, %lt3A_896 : i32
      %convert_element_type3A_898 = arith.extui %lt3A_897 : i1 to i32
      %cond3A_899 = arith.constant 0 : i32
      %cond3A_900 = arith.cmpi ne, %convert_element_type3A_898, %cond3A_899 : i32
      scf.if %cond3A_900 {
        %add3A_1010 = arith.constant 2 : i32
        %add3A_1011 = arith.addi %add3A_888, %add3A_1010 : i32
        %jit3A_1012 = arith.constant 4 : i32
        %div3A_1013 = arith.divsi %add3A_1011, %jit3A_1012 : i32
        %sign3A_1014 = arith.constant 0 : i32
        %sign3A_1015 = arith.cmpi sgt, %add3A_1011, %sign3A_1014 : i32
        %sign3A_1016 = arith.extui %sign3A_1015 : i1 to i32
        %sign3A_1017 = arith.constant 0 : i32
        %sign3A_1018 = arith.cmpi slt, %add3A_1011, %sign3A_1017 : i32
        %sign3A_1019 = arith.extui %sign3A_1018 : i1 to i32
        %sign3A_1020 = arith.subi %sign3A_1016, %sign3A_1019 : i32
        %sign3A_1021 = arith.constant 0 : i32
        %sign3A_1022 = arith.cmpi sgt, %jit3A_1012, %sign3A_1021 : i32
        %sign3A_1023 = arith.extui %sign3A_1022 : i1 to i32
        %sign3A_1024 = arith.constant 0 : i32
        %sign3A_1025 = arith.cmpi slt, %jit3A_1012, %sign3A_1024 : i32
        %sign3A_1026 = arith.extui %sign3A_1025 : i1 to i32
        %sign3A_1027 = arith.subi %sign3A_1023, %sign3A_1026 : i32
        %ne3A_1028 = arith.cmpi ne, %sign3A_1020, %sign3A_1027 : i32
        %rem3A_1029 = arith.remsi %add3A_1011, %jit3A_1012 : i32
        %ne3A_1030 = arith.constant 0 : i32
        %ne3A_1031 = arith.cmpi ne, %rem3A_1029, %ne3A_1030 : i32
        %and3A_1032 = arith.andi %ne3A_1028, %ne3A_1031 : i1
        %sub3A_1033 = arith.constant 1 : i32
        %sub3A_1034 = arith.subi %div3A_1013, %sub3A_1033 : i32
        %select_n3A_1035 = arith.select %and3A_1032, %sub3A_1034, %div3A_1013 : i32
        %jit3A_1036 = arith.constant 4 : i32
        %eq3A_1037 = arith.constant 0 : i32
        %eq3A_1038 = arith.cmpi eq, %jit3A_1036, %eq3A_1037 : i32
        %jit3A_1039 = arith.constant 1 : i32
        %select_n3A_1040 = arith.select %eq3A_1038, %jit3A_1039, %jit3A_1036 : i32
        %rem3A_1041 = arith.remsi %add3A_1011, %select_n3A_1040 : i32
        %ne3A_1042 = arith.constant 0 : i32
        %ne3A_1043 = arith.cmpi ne, %rem3A_1041, %ne3A_1042 : i32
        %lt3A_1044 = arith.constant 0 : i32
        %lt3A_1045 = arith.cmpi slt, %rem3A_1041, %lt3A_1044 : i32
        %lt3A_1046 = arith.constant 0 : i32
        %lt3A_1047 = arith.cmpi slt, %select_n3A_1040, %lt3A_1046 : i32
        %ne3A_1048 = arith.xori %lt3A_1045, %lt3A_1047 : i1
        %and3A_1049 = arith.andi %ne3A_1048, %ne3A_1043 : i1
        %add3A_1050 = arith.addi %rem3A_1041, %select_n3A_1040 : i32
        %select_n3A_1051 = arith.select %and3A_1049, %add3A_1050, %rem3A_1041 : i32
        %mul3A_1052 = arith.constant 16 : i32
        %mul3A_1053 = arith.muli %select_n3A_1035, %mul3A_1052 : i32
        %add3A_1054 = arith.addi %mul3A_2, %mul3A_1053 : i32
        %dma_start3A_1055 = arith.constant 0 : i32
        %dma_start3A_1056 = tpu.memref_slice %arg2[%select_n3A_1051, %add3A_1054, %dma_start3A_1055] : memref<4x8192x1024xf32, #tpu.memory_space<hbm>> -> memref<1x16x1024xf32, #tpu.memory_space<hbm>>
        %dma_start3A_1057 = tpu.memref_squeeze %dma_start3A_1056 : memref<1x16x1024xf32, #tpu.memory_space<hbm>> -> memref<16x1024xf32, #tpu.memory_space<hbm>>
        %dma_start3A_1058 = arith.constant 0 : i32
        %dma_start3A_1059 = tpu.memref_slice %arg2[%select_n3A_1051, %add3A_1054, %dma_start3A_1058] : memref<4x8192x1024xf32, #tpu.memory_space<hbm>> -> memref<1x16x1024xf32, #tpu.memory_space<hbm>>
        %dma_start3A_1060 = tpu.memref_squeeze %dma_start3A_1059 : memref<1x16x1024xf32, #tpu.memory_space<hbm>> -> memref<16x1024xf32, #tpu.memory_space<hbm>>
        tpu.enqueue_dma source(%dma_start3A_1060 : memref<16x1024xf32, #tpu.memory_space<hbm>>) target(%arg6 : memref<16x1024xf32, #tpu.memory_space<vmem>>) target_semaphore(%arg12 : memref<!tpu.dma_semaphore, #tpu.memory_space<semaphore_mem>>)
      } else {
      }
      %jit3A_901 = arith.constant 4 : i32
      %div3A_902 = arith.divsi %add3A_888, %jit3A_901 : i32
      %sign3A_903 = arith.constant 0 : i32
      %sign3A_904 = arith.cmpi sgt, %add3A_888, %sign3A_903 : i32
      %sign3A_905 = arith.extui %sign3A_904 : i1 to i32
      %sign3A_906 = arith.constant 0 : i32
      %sign3A_907 = arith.cmpi slt, %add3A_888, %sign3A_906 : i32
      %sign3A_908 = arith.extui %sign3A_907 : i1 to i32
      %sign3A_909 = arith.subi %sign3A_905, %sign3A_908 : i32
      %sign3A_910 = arith.constant 0 : i32
      %sign3A_911 = arith.cmpi sgt, %jit3A_901, %sign3A_910 : i32
      %sign3A_912 = arith.extui %sign3A_911 : i1 to i32
      %sign3A_913 = arith.constant 0 : i32
      %sign3A_914 = arith.cmpi slt, %jit3A_901, %sign3A_913 : i32
      %sign3A_915 = arith.extui %sign3A_914 : i1 to i32
      %sign3A_916 = arith.subi %sign3A_912, %sign3A_915 : i32
      %ne3A_917 = arith.cmpi ne, %sign3A_909, %sign3A_916 : i32
      %rem3A_918 = arith.remsi %add3A_888, %jit3A_901 : i32
      %ne3A_919 = arith.constant 0 : i32
      %ne3A_920 = arith.cmpi ne, %rem3A_918, %ne3A_919 : i32
      %and3A_921 = arith.andi %ne3A_917, %ne3A_920 : i1
      %sub3A_922 = arith.constant 1 : i32
      %sub3A_923 = arith.subi %div3A_902, %sub3A_922 : i32
      %select_n3A_924 = arith.select %and3A_921, %sub3A_923, %div3A_902 : i32
      %jit3A_925 = arith.constant 4 : i32
      %eq3A_926 = arith.constant 0 : i32
      %eq3A_927 = arith.cmpi eq, %jit3A_925, %eq3A_926 : i32
      %jit3A_928 = arith.constant 1 : i32
      %select_n3A_929 = arith.select %eq3A_927, %jit3A_928, %jit3A_925 : i32
      %rem3A_930 = arith.remsi %add3A_888, %select_n3A_929 : i32
      %ne3A_931 = arith.constant 0 : i32
      %ne3A_932 = arith.cmpi ne, %rem3A_930, %ne3A_931 : i32
      %lt3A_933 = arith.constant 0 : i32
      %lt3A_934 = arith.cmpi slt, %rem3A_930, %lt3A_933 : i32
      %lt3A_935 = arith.constant 0 : i32
      %lt3A_936 = arith.cmpi slt, %select_n3A_929, %lt3A_935 : i32
      %ne3A_937 = arith.xori %lt3A_934, %lt3A_936 : i1
      %and3A_938 = arith.andi %ne3A_937, %ne3A_932 : i1
      %add3A_939 = arith.addi %rem3A_930, %select_n3A_929 : i32
      %select_n3A_940 = arith.select %and3A_938, %add3A_939, %rem3A_930 : i32
      %mul3A_941 = arith.constant 16 : i32
      %mul3A_942 = arith.muli %select_n3A_924, %mul3A_941 : i32
      %add3A_943 = arith.addi %mul3A_2, %mul3A_942 : i32
      %dma_wait3A_944 = arith.constant 0 : i32
      %dma_wait3A_945 = tpu.memref_slice %arg2[%select_n3A_940, %add3A_943, %dma_wait3A_944] : memref<4x8192x1024xf32, #tpu.memory_space<hbm>> -> memref<1x16x1024xf32, #tpu.memory_space<hbm>>
      %dma_wait3A_946 = tpu.memref_squeeze %dma_wait3A_945 : memref<1x16x1024xf32, #tpu.memory_space<hbm>> -> memref<16x1024xf32, #tpu.memory_space<hbm>>
      %dma_wait3A_947 = arith.constant 0 : i32
      %dma_wait3A_948 = tpu.memref_slice %arg2[%select_n3A_940, %add3A_943, %dma_wait3A_947] : memref<4x8192x1024xf32, #tpu.memory_space<hbm>> -> memref<1x16x1024xf32, #tpu.memory_space<hbm>>
      %dma_wait3A_949 = tpu.memref_squeeze %dma_wait3A_948 : memref<1x16x1024xf32, #tpu.memory_space<hbm>> -> memref<16x1024xf32, #tpu.memory_space<hbm>>
      tpu.wait_dma2 semaphore(%arg14 : memref<!tpu.dma_semaphore, #tpu.memory_space<semaphore_mem>>) src(%dma_wait3A_949 : memref<16x1024xf32, #tpu.memory_space<hbm>>) dst(%arg8 : memref<16x1024xf32, #tpu.memory_space<vmem>>)
      %parallel_loop3A_950 = arith.constant 0 : i32
      %parallel_loop3A_951 = arith.constant 1024 : i32
      %parallel_loop3A_952 = arith.constant 1 : i32
      scf.for %parallel_loop3A_1010 = %parallel_loop3A_950 to %parallel_loop3A_951 step %parallel_loop3A_952  : i32 {
        %parallel_loop3A_1011 = arith.constant 64 : i32
        %parallel_loop3A_1012 = arith.divsi %parallel_loop3A_1010, %parallel_loop3A_1011 : i32
        %parallel_loop3A_1013 = arith.constant 0 : i32
        %parallel_loop3A_1014 = arith.cmpi sgt, %parallel_loop3A_1010, %parallel_loop3A_1013 : i32
        %parallel_loop3A_1015 = arith.extui %parallel_loop3A_1014 : i1 to i32
        %parallel_loop3A_1016 = arith.constant 0 : i32
        %parallel_loop3A_1017 = arith.cmpi slt, %parallel_loop3A_1010, %parallel_loop3A_1016 : i32
        %parallel_loop3A_1018 = arith.extui %parallel_loop3A_1017 : i1 to i32
        %parallel_loop3A_1019 = arith.subi %parallel_loop3A_1015, %parallel_loop3A_1018 : i32
        %parallel_loop3A_1020 = arith.constant 0 : i32
        %parallel_loop3A_1021 = arith.cmpi sgt, %parallel_loop3A_1011, %parallel_loop3A_1020 : i32
        %parallel_loop3A_1022 = arith.extui %parallel_loop3A_1021 : i1 to i32
        %parallel_loop3A_1023 = arith.constant 0 : i32
        %parallel_loop3A_1024 = arith.cmpi slt, %parallel_loop3A_1011, %parallel_loop3A_1023 : i32
        %parallel_loop3A_1025 = arith.extui %parallel_loop3A_1024 : i1 to i32
        %parallel_loop3A_1026 = arith.subi %parallel_loop3A_1022, %parallel_loop3A_1025 : i32
        %parallel_loop3A_1027 = arith.cmpi ne, %parallel_loop3A_1019, %parallel_loop3A_1026 : i32
        %parallel_loop3A_1028 = arith.remsi %parallel_loop3A_1010, %parallel_loop3A_1011 : i32
        %parallel_loop3A_1029 = arith.constant 0 : i32
        %parallel_loop3A_1030 = arith.cmpi ne, %parallel_loop3A_1028, %parallel_loop3A_1029 : i32
        %parallel_loop3A_1031 = arith.andi %parallel_loop3A_1027, %parallel_loop3A_1030 : i1
        %parallel_loop3A_1032 = arith.constant 1 : i32
        %parallel_loop3A_1033 = arith.subi %parallel_loop3A_1012, %parallel_loop3A_1032 : i32
        %parallel_loop3A_1034 = arith.select %parallel_loop3A_1031, %parallel_loop3A_1033, %parallel_loop3A_1012 : i32
        %parallel_loop3A_1035 = arith.constant 64 : i32
        %parallel_loop3A_1036 = arith.constant 0 : i32
        %parallel_loop3A_1037 = arith.cmpi eq, %parallel_loop3A_1035, %parallel_loop3A_1036 : i32
        %parallel_loop3A_1038 = arith.constant 1 : i32
        %parallel_loop3A_1039 = arith.select %parallel_loop3A_1037, %parallel_loop3A_1038, %parallel_loop3A_1035 : i32
        %parallel_loop3A_1040 = arith.remsi %parallel_loop3A_1010, %parallel_loop3A_1039 : i32
        %parallel_loop3A_1041 = arith.constant 0 : i32
        %parallel_loop3A_1042 = arith.cmpi ne, %parallel_loop3A_1040, %parallel_loop3A_1041 : i32
        %parallel_loop3A_1043 = arith.constant 0 : i32
        %parallel_loop3A_1044 = arith.cmpi slt, %parallel_loop3A_1040, %parallel_loop3A_1043 : i32
        %parallel_loop3A_1045 = arith.constant 0 : i32
        %parallel_loop3A_1046 = arith.cmpi slt, %parallel_loop3A_1039, %parallel_loop3A_1045 : i32
        %parallel_loop3A_1047 = arith.xori %parallel_loop3A_1044, %parallel_loop3A_1046 : i1
        %parallel_loop3A_1048 = arith.andi %parallel_loop3A_1047, %parallel_loop3A_1042 : i1
        %parallel_loop3A_1049 = arith.addi %parallel_loop3A_1040, %parallel_loop3A_1039 : i32
        %parallel_loop3A_1050 = arith.select %parallel_loop3A_1048, %parallel_loop3A_1049, %parallel_loop3A_1040 : i32
        %parallel_loop3A_1051 = arith.constant 16 : i32
        %parallel_loop3A_1052 = arith.muli %parallel_loop3A_1050, %parallel_loop3A_1051 : i32
        %parallel_loop3A_1053 = arith.index_cast %parallel_loop3A_1034 : i32 to index
        %parallel_loop3A_1054 = arith.index_cast %parallel_loop3A_1052 : i32 to index
        %parallel_loop3A_1055 = tpu.vector_load %arg8[%parallel_loop3A_1053, %parallel_loop3A_1054] {strides = array<i32>} : memref<16x1024xf32, #tpu.memory_space<vmem>>, vector<1x16xf32>,
        %parallel_loop3A_1056 = vector.shape_cast %parallel_loop3A_1055 : vector<1x16xf32> to vector<16xf32>
        %parallel_loop3A_1057 = arith.index_cast %parallel_loop3A_1034 : i32 to index
        %parallel_loop3A_1058 = arith.index_cast %parallel_loop3A_1052 : i32 to index
        %parallel_loop3A_1059 = tpu.vector_load %arg10[%parallel_loop3A_1057, %parallel_loop3A_1058] {strides = array<i32>} : memref<16x1024xf32, #tpu.memory_space<vmem>>, vector<1x16xf32>,
        %parallel_loop3A_1060 = vector.shape_cast %parallel_loop3A_1059 : vector<1x16xf32> to vector<16xf32>
        %parallel_loop3A_1061 = arith.addf %parallel_loop3A_1056, %parallel_loop3A_1060 : vector<16xf32>
        %parallel_loop3A_1062 = arith.index_cast %parallel_loop3A_1034 : i32 to index
        %parallel_loop3A_1063 = arith.index_cast %parallel_loop3A_1052 : i32 to index
        %parallel_loop3A_1064 = tpu.vector_load %arg8[%parallel_loop3A_1062, %parallel_loop3A_1063] {strides = array<i32>} : memref<16x1024xf32, #tpu.memory_space<vmem>>, vector<1x16xf32>,
        %parallel_loop3A_1065 = vector.shape_cast %parallel_loop3A_1064 : vector<1x16xf32> to vector<16xf32>
        %parallel_loop3A_1066 = vector.shape_cast %parallel_loop3A_1061 : vector<16xf32> to vector<1x16xf32>
        tpu.vector_store %arg8[%parallel_loop3A_1062, %parallel_loop3A_1063], %parallel_loop3A_1066 {strides = array<i32>} : memref<16x1024xf32, #tpu.memory_space<vmem>>, vector<1x16xf32>,
      } {sc.loop_unroll_factor = 16 : i64, sc.parallel_access}
      %jit3A_953 = arith.constant 4 : i32
      %div3A_954 = arith.divsi %add3A_888, %jit3A_953 : i32
      %sign3A_955 = arith.constant 0 : i32
      %sign3A_956 = arith.cmpi sgt, %add3A_888, %sign3A_955 : i32
      %sign3A_957 = arith.extui %sign3A_956 : i1 to i32
      %sign3A_958 = arith.constant 0 : i32
      %sign3A_959 = arith.cmpi slt, %add3A_888, %sign3A_958 : i32
      %sign3A_960 = arith.extui %sign3A_959 : i1 to i32
      %sign3A_961 = arith.subi %sign3A_957, %sign3A_960 : i32
      %sign3A_962 = arith.constant 0 : i32
      %sign3A_963 = arith.cmpi sgt, %jit3A_953, %sign3A_962 : i32
      %sign3A_964 = arith.extui %sign3A_963 : i1 to i32
      %sign3A_965 = arith.constant 0 : i32
      %sign3A_966 = arith.cmpi slt, %jit3A_953, %sign3A_965 : i32
      %sign3A_967 = arith.extui %sign3A_966 : i1 to i32
      %sign3A_968 = arith.subi %sign3A_964, %sign3A_967 : i32
      %ne3A_969 = arith.cmpi ne, %sign3A_961, %sign3A_968 : i32
      %rem3A_970 = arith.remsi %add3A_888, %jit3A_953 : i32
      %ne3A_971 = arith.constant 0 : i32
      %ne3A_972 = arith.cmpi ne, %rem3A_970, %ne3A_971 : i32
      %and3A_973 = arith.andi %ne3A_969, %ne3A_972 : i1
      %sub3A_974 = arith.constant 1 : i32
      %sub3A_975 = arith.subi %div3A_954, %sub3A_974 : i32
      %select_n3A_976 = arith.select %and3A_973, %sub3A_975, %div3A_954 : i32
      %jit3A_977 = arith.constant 4 : i32
      %eq3A_978 = arith.constant 0 : i32
      %eq3A_979 = arith.cmpi eq, %jit3A_977, %eq3A_978 : i32
      %jit3A_980 = arith.constant 1 : i32
      %select_n3A_981 = arith.select %eq3A_979, %jit3A_980, %jit3A_977 : i32
      %rem3A_982 = arith.remsi %add3A_888, %select_n3A_981 : i32
      %ne3A_983 = arith.constant 0 : i32
      %ne3A_984 = arith.cmpi ne, %rem3A_982, %ne3A_983 : i32
      %lt3A_985 = arith.constant 0 : i32
      %lt3A_986 = arith.cmpi slt, %rem3A_982, %lt3A_985 : i32
      %lt3A_987 = arith.constant 0 : i32
      %lt3A_988 = arith.cmpi slt, %select_n3A_981, %lt3A_987 : i32
      %ne3A_989 = arith.xori %lt3A_986, %lt3A_988 : i1
      %and3A_990 = arith.andi %ne3A_989, %ne3A_984 : i1
      %add3A_991 = arith.addi %rem3A_982, %select_n3A_981 : i32
      %select_n3A_992 = arith.select %and3A_990, %add3A_991, %rem3A_982 : i32
      %mul3A_993 = arith.constant 16 : i32
      %mul3A_994 = arith.muli %select_n3A_976, %mul3A_993 : i32
      %add3A_995 = arith.addi %mul3A_2, %mul3A_994 : i32
      %dma_start3A_996 = arith.constant 0 : i32
      %dma_start3A_997 = tpu.memref_slice %arg4[%select_n3A_992, %add3A_995, %dma_start3A_996] : memref<4x8192x1024xf32, #tpu.memory_space<hbm>> -> memref<1x16x1024xf32, #tpu.memory_space<hbm>>
      %dma_start3A_998 = tpu.memref_squeeze %dma_start3A_997 : memref<1x16x1024xf32, #tpu.memory_space<hbm>> -> memref<16x1024xf32, #tpu.memory_space<hbm>>
      %dma_start3A_999 = arith.constant 0 : i32
      %dma_start3A_1000 = tpu.memref_slice %arg4[%select_n3A_992, %add3A_995, %dma_start3A_999] : memref<4x8192x1024xf32, #tpu.memory_space<hbm>> -> memref<1x16x1024xf32, #tpu.memory_space<hbm>>
      %dma_start3A_1001 = tpu.memref_squeeze %dma_start3A_1000 : memref<1x16x1024xf32, #tpu.memory_space<hbm>> -> memref<16x1024xf32, #tpu.memory_space<hbm>>
      tpu.enqueue_dma source(%arg8 : memref<16x1024xf32, #tpu.memory_space<vmem>>) target(%dma_start3A_1001 : memref<16x1024xf32, #tpu.memory_space<hbm>>) target_semaphore(%arg18 : memref<!tpu.dma_semaphore, #tpu.memory_space<semaphore_mem>>)
      %add3A_1002 = arith.constant 2 : i32
      %add3A_1003 = arith.addi %add3A_60, %add3A_1002 : i32
      %lt3A_1004 = arith.constant 16 : i32
      %lt3A_1005 = arith.cmpi slt, %add3A_1003, %lt3A_1004 : i32
      %convert_element_type3A_1006 = arith.extui %lt3A_1005 : i1 to i32
      %cond3A_1007 = arith.constant 0 : i32
      %cond3A_1008 = arith.cmpi ne, %convert_element_type3A_1006, %cond3A_1007 : i32
      scf.if %cond3A_1008 {
        %add3A_1010 = arith.constant 2 : i32
        %add3A_1011 = arith.addi %add3A_60, %add3A_1010 : i32
        %mul3A_1012 = arith.constant 16 : i32
        %mul3A_1013 = arith.muli %add3A_1011, %mul3A_1012 : i32
        %add3A_1014 = arith.addi %mul3A_2, %mul3A_1013 : i32
        %dma_start3A_1015 = arith.constant 0 : i32
        %dma_start3A_1016 = tpu.memref_slice %arg3[%add3A_1014, %dma_start3A_1015] : memref<8192x1024xf32, #tpu.memory_space<hbm>> -> memref<16x1024xf32, #tpu.memory_space<hbm>>
        %dma_start3A_1017 = arith.constant 0 : i32
        %dma_start3A_1018 = tpu.memref_slice %arg3[%add3A_1014, %dma_start3A_1017] : memref<8192x1024xf32, #tpu.memory_space<hbm>> -> memref<16x1024xf32, #tpu.memory_space<hbm>>
        tpu.enqueue_dma source(%dma_start3A_1018 : memref<16x1024xf32, #tpu.memory_space<hbm>>) target(%arg10 : memref<16x1024xf32, #tpu.memory_space<vmem>>) target_semaphore(%arg20 : memref<!tpu.dma_semaphore, #tpu.memory_space<semaphore_mem>>)
      } else {
      }
      %scan3A_1009 = arith.constant 0 : i32
      scf.yield %scan3A_1009 : i32
    }
    %scan3A_37 = arith.constant 8 : i32
    %add3A_38 = arith.constant 0 : i32
    %add3A_39 = arith.addi %mul3A_2, %add3A_38 : i32
    %dma_wait3A = arith.constant 0 : i32
    %dma_wait3A_40 = arith.constant 0 : i32
    %dma_wait3A_41 = tpu.memref_slice %arg4[%dma_wait3A, %add3A_39, %dma_wait3A_40] : memref<4x8192x1024xf32, #tpu.memory_space<hbm>> -> memref<1x16x1024xf32, #tpu.memory_space<hbm>>
    %dma_wait3A_42 = tpu.memref_squeeze %dma_wait3A_41 : memref<1x16x1024xf32, #tpu.memory_space<hbm>> -> memref<16x1024xf32, #tpu.memory_space<hbm>>
    %dma_wait3A_43 = arith.constant 0 : i32
    %dma_wait3A_44 = tpu.memref_slice %arg4[%dma_wait3A, %add3A_39, %dma_wait3A_43] : memref<4x8192x1024xf32, #tpu.memory_space<hbm>> -> memref<1x16x1024xf32, #tpu.memory_space<hbm>>
    %dma_wait3A_45 = tpu.memref_squeeze %dma_wait3A_44 : memref<1x16x1024xf32, #tpu.memory_space<hbm>> -> memref<16x1024xf32, #tpu.memory_space<hbm>>
    tpu.wait_dma2 semaphore(%arg17 : memref<!tpu.dma_semaphore, #tpu.memory_space<semaphore_mem>>) src(%arg7 : memref<16x1024xf32, #tpu.memory_space<vmem>>) dst(%dma_wait3A_45 : memref<16x1024xf32, #tpu.memory_space<hbm>>)
    %add3A_46 = arith.constant 0 : i32
    %add3A_47 = arith.addi %mul3A_2, %add3A_46 : i32
    %dma_wait3A_48 = arith.constant 0 : i32
    %dma_wait3A_49 = arith.constant 0 : i32
    %dma_wait3A_50 = tpu.memref_slice %arg4[%dma_wait3A_48, %add3A_47, %dma_wait3A_49] : memref<4x8192x1024xf32, #tpu.memory_space<hbm>> -> memref<1x16x1024xf32, #tpu.memory_space<hbm>>
    %dma_wait3A_51 = tpu.memref_squeeze %dma_wait3A_50 : memref<1x16x1024xf32, #tpu.memory_space<hbm>> -> memref<16x1024xf32, #tpu.memory_space<hbm>>
    %dma_wait3A_52 = arith.constant 0 : i32
    %dma_wait3A_53 = tpu.memref_slice %arg4[%dma_wait3A_48, %add3A_47, %dma_wait3A_52] : memref<4x8192x1024xf32, #tpu.memory_space<hbm>> -> memref<1x16x1024xf32, #tpu.memory_space<hbm>>
    %dma_wait3A_54 = tpu.memref_squeeze %dma_wait3A_53 : memref<1x16x1024xf32, #tpu.memory_space<hbm>> -> memref<16x1024xf32, #tpu.memory_space<hbm>>
    tpu.wait_dma2 semaphore(%arg18 : memref<!tpu.dma_semaphore, #tpu.memory_space<semaphore_mem>>) src(%arg8 : memref<16x1024xf32, #tpu.memory_space<vmem>>) dst(%dma_wait3A_54 : memref<16x1024xf32, #tpu.memory_space<hbm>>)
    return
  }
}

</mosaic_0001>

<sc_bundles>
// kernel: kernel.3.cloned.1.call-start
scs
__scs_entry_jumppad:
0x0: {  	(pc) =	sbr.rel $0x88, $3  }
0x1: {  	(tag) =	ssettag $0x0;
	lr =	simm.s32 $0x1  }
0x2: {  	[smem:$0x3F9F] =	sst lr;
	_ =	strace $0xD0000000  }
0x3: {  	_ = 	snop  }
0x4: {  	_ = 	snop  }
0x5: {  	_ = 	snop  }
0x6: {  	_ = 	snop  }
0x7: {  	_ = 	snop  }
__scs_overlays_trampoline_lowered:
0x8: {  	[smem:$0x3FAE] =	sst s0  }
0x9: {  	[smem:$0x3FAF] =	sst s1  }
0xa: {  	[smem:$0x3FB0] =	sst s2  }
0xb: {  	[smem:$0x3FB1] =	sst s3  }
0xc: {  	[smem:$0x3FB2] =	sst s4  }
0xd: {  	[smem:$0x3FB3] =	sst s5  }
0xe: {  	[smem:$0x3FB4] =	sst s6  }
0xf: {  	[smem:$0x3FB5] =	sst s7  }
0x10: {  	[smem:$0x3FB6] =	sst s8  }
0x11: {  	[smem:$0x3FB7] =	sst s9;
	s0 =	simm.s32 @!p0 $0x0  }
0x12: {  	s1 =	sld [smem:$0x3F9D];
	s0 =	simm.s32 @p0 $0x1  }
0x13: {  	[smem:$0x3FB8] =	sst s0;
	s0 =	simm.s32 @!p1 $0x0  }
0x14: {  	s2 =	sld [smem:$0x3F9C];
	s0 =	simm.s32 @p1 $0x1  }
0x15: {  	[smem:$0x3FB9] =	sst s0;
	s0 =	simm.s32 @!p2 $0x0  }
0x16: {  	s3 =	sld [smem:$0x3FDB];
	s0 =	simm.s32 @p2 $0x1  }
0x17: {  	s4 =	simm.s32 $0x1BF5;
	[smem:$0x3FBB] =	sst s0  }
0x18: {  	s0 =	sld [smem:$0x3F9E];
	_ =	swait.ge [sflag:s4], $0x0  }
0x19: {  	s7 =	sld [smem:$0x3F9F]  }
0x1a: {  	s8 =	sadd.s32 $0xFFFFE003, lr  }
0x1b: {  	s9 =	sadd.s32 $0xFFFFFEF7, lr;
	s5 =	simm.s32 $0xFFFFFFFF;
	p2 =	slt.u32 s8, $0xFFFFF086  }
0x1c: {  	p1 =	slt.u32 s9, $0xF7A;
	s5 =	simm.s32 @!p2 $0x0  }
0x1d: {  	s5 =	simm.s32 @p1 $0x1;
	p0 =	seq.s32 s7, s2  }
0x1e: {  	s7 =	smul.u32 @!p0 $0xF7A, s2;
	p2 =	seq.s32 @!p0 s5, $0x0  }
0x1f: {  	s9 =	smul.u32 $0xF7A, s1;
	s8 =	simm.s32 @!p0 $0x1BF5;
	p2 =	por !p2, p0  }
0x20: {  	[sflag:s8] =	ssyncset.s32 @!p0 $0xFFFFF086;
	s6 =	sadd.s32 @!p0 s3, s7;
	s7 =	simm.s32 @!p0 $0x108  }
0x21: {  	s3 =	sadd.s32 s3, s9;
	s6 =	sadd.s32 @!p0 $0x88, s6;
	s7 =	simm.s32 @p2 $0x1082  }
0x22: {  	[simem:s7], [sflag:s8] =	dma.local @!p0 [hbm:s6], $0xF7A  }
0x23: {  	s9 =	sor.u32 $0xD0000000, s2;
	s6 =	simm.s32 $0x108;
	_ =	swait.ge @!p0 [sflag:s8], $0x0  }
0x24: {  	s3 =	sadd.s32 $0x88, s3;
	s6 =	simm.s32 @!p1 $0x1082;
	[sflag:s4] =	ssyncset.s32 $0xFFFFF086  }
0x25: {  	[simem:s6], [sflag:s4] =	dma.local [hbm:s3], $0xF7A  }
0x26: {  	[smem:$0x3F9F] =	sst s1;
	(tag) =	ssettag s2;
	_ =	strace s9  }
0x27: {  	s1 =	sld [smem:$0x3FAF]  }
0x28: {  	s2 =	sld [smem:$0x3FB0]  }
0x29: {  	s4 =	sld [smem:$0x3FB2]  }
0x2a: {  	p0 =	seq.s32 s5, $0x0;
	s5 =	sld [smem:$0x3FB3]  }
0x2b: {  	s6 =	sld [smem:$0x3FB4]  }
0x2c: {  	s7 =	sld [smem:$0x3FB5]  }
0x2d: {  	s3 =	simm.s32 $0x108;
	s8 =	sld [smem:$0x3FB6]  }
0x2e: {  	s3 =	simm.s32 @!p0 $0x1082;
	s9 =	sld [smem:$0x3FB7]  }
0x2f: {  	lr =	sadd.s32 s0, s3;
	s0 =	sld [smem:$0x3FAE]  }
0x30: {  	s3 =	sld [smem:$0x3FB1]  }
0x31: {  	[smem:$0x3FBA] =	sst s10  }
0x32: {  	s10 =	sld [smem:$0x3FB8];
	_ =	sdelay $0x3  }
0x33: {  	p0 =	seq.s32 s10, $0x1;
	s10 =	sld [smem:$0x3FBA];
	_ =	sdelay $0x3  }
0x34: {  	[smem:$0x3FBA] =	sst s10  }
0x35: {  	s10 =	sld [smem:$0x3FB9];
	_ =	sdelay $0x3  }
0x36: {  	p1 =	seq.s32 s10, $0x1;
	s10 =	sld [smem:$0x3FBA];
	_ =	sdelay $0x3  }
0x37: {  	[smem:$0x3FBA] =	sst s10  }
0x38: {  	s10 =	sld [smem:$0x3FBB]  }
0x39: {  	_ = 	snop;
	(pc) =	sbr.ind lr, $3  }
0x3a: {  	_ = 	snop  }
0x3b: {  	_ = 	snop  }
0x3c: {  	p2 =	seq.s32 s10, $0x1;
	s10 =	sld [smem:$0x3FBA]  }
0x3d: {  	_ =	shalt  }
0x3e: {  	_ =	shalt  }
0x3f: {  	_ =	shalt  }
0x40: {  	_ =	shalt  }
0x41: {  	_ =	shalt  }
0x42: {  	_ =	shalt  }
0x43: {  	_ =	shalt  }
0x44: {  	_ =	shalt  }
0x45: {  	_ =	shalt  }
0x46: {  	_ =	shalt  }
0x47: {  	_ =	shalt  }
0x48: {  	_ =	shalt  }
0x49: {  	_ =	shalt  }
0x4a: {  	_ =	shalt  }
0x4b: {  	_ =	shalt  }
0x4c: {  	_ =	shalt  }
0x4d: {  	_ =	shalt  }
0x4e: {  	_ =	shalt  }
0x4f: {  	_ =	shalt  }
0x50: {  	_ =	shalt  }
0x51: {  	_ =	shalt  }
0x52: {  	_ =	shalt  }
0x53: {  	_ =	shalt  }
0x54: {  	_ =	shalt  }
0x55: {  	_ =	shalt  }
0x56: {  	_ =	shalt  }
0x57: {  	_ =	shalt  }
0x58: {  	_ =	shalt  }
0x59: {  	_ =	shalt  }
0x5a: {  	_ =	shalt  }
0x5b: {  	_ =	shalt  }
0x5c: {  	_ =	shalt  }
0x5d: {  	_ =	shalt  }
0x5e: {  	_ =	shalt  }
0x5f: {  	_ =	shalt  }
0x60: {  	_ =	shalt  }
0x61: {  	_ =	shalt  }
0x62: {  	_ =	shalt  }
0x63: {  	_ =	shalt  }
0x64: {  	_ =	shalt  }
0x65: {  	_ =	shalt  }
0x66: {  	_ =	shalt  }
0x67: {  	_ =	shalt  }
0x68: {  	_ =	shalt  }
0x69: {  	_ =	shalt  }
0x6a: {  	_ =	shalt  }
0x6b: {  	_ =	shalt  }
0x6c: {  	_ =	shalt  }
0x6d: {  	_ =	shalt  }
0x6e: {  	_ =	shalt  }
0x6f: {  	_ =	shalt  }
0x70: {  	_ =	shalt  }
0x71: {  	_ =	shalt  }
0x72: {  	_ =	shalt  }
0x73: {  	_ =	shalt  }
0x74: {  	_ =	shalt  }
0x75: {  	_ =	shalt  }
0x76: {  	_ =	shalt  }
0x77: {  	_ =	shalt  }
0x78: {  	_ =	shalt  }
0x79: {  	_ =	shalt  }
0x7a: {  	_ =	shalt  }
0x7b: {  	_ =	shalt  }
0x7c: {  	_ =	shalt  }
0x7d: {  	_ =	shalt  }
0x7e: {  	_ =	shalt  }
0x7f: {  	_ =	shalt  }
0x80: {  	_ =	shalt  }
0x81: {  	_ =	shalt  }
0x82: {  	_ =	shalt  }
0x83: {  	_ =	shalt  }
0x84: {  	_ =	shalt  }
0x85: {  	_ =	shalt  }
0x86: {  	_ =	shalt  }
0x87: {  	_ =	shalt  }
.Lfunc_end0:
.L_simem_size_0:
called_computation_lowered:
.L_overlay_start_0:
0x88: {  	s2 =	sld [smem:$0x3FD9]  }
0x89: {  	s3 =	sld [smem:$0x3FFE];
	_ =	sdelay $0x1  }
0x8a: {  	s1 =	srdreg.scid  }
0x8b: {  	s0 =	sand.u32 $0x1, s1  }
0x8c: {  	s18 =	sshll.u32 s0, $0xA;
	s2 =	sadd.s32 s3, s2  }
0x8d: {  	s2 =	sadd.s32 s2, s18  }
0x8e: {  	[smem:$0x3FC6] =	sst s2  }
0x8f: {  	_ = 	snop  }
0x90: {  	s2 =	sld [smem:$0x3FC9]  }
0x91: {  	s19 =	sld [smem:$0x3FC8]  }
0x92: {  	s4 =	sld [smem:$0x3FD0];
	(tm) =	ssettm $0x1  }
0x93: {  	s5 =	sld [smem:$0x3FFB];
	_ =	sdelay $0x3  }
0x94: {  	_ =	strace s5  }
0x95: {  	s5 =	sld [smem:$0x3FFC];
	_ =	sdelay $0x3  }
0x96: {  	_ =	strace s5  }
0x97: {  	s5 =	sld [smem:$0x3FFD];
	_ =	sdelay $0x3  }
0x98: {  	_ =	strace s5  }
0x99: {  	_ =	strace $0x8FFFFFFF  }
0x9a: {  	s20 =	sld [smem:$0x3FDB];
	_ =	sdelay $0x1  }
0x9b: {  	s6 =	simm.s32 $_scs_section_size  }
0x9c: {  	s7 =	simm.s32 $_size__tile_overlayer_lowered;
	s8 =	simm.s32 $_tile_overlayer_lowered  }
0x9d: {  	s23 =	simm.s32 $0x1BFF;
	s22 =	sshll.u32 s8, $0x1;
	s5 =	sadd.s32 s6, s20  }
0x9e: {  	s9 =	simm.s32 $0x0;
	s21 =	sshll.u32 s7, $0x1;
	s7 =	sadd.s32 s22, s5  }
0x9f: {  	[timem:s9], [sflag:s23] =	dma.local [hbm:s7], s21  }
0xa0: {  	_ =	swait.ge [sflag:s23], s21  }
0xa1: {  	s6 =	ssub.s32 $0x0, s21;
	[sflag:s23] =	ssyncset.done $0x0  }
0xa2: {  	[sflag:s23] =	ssyncadd.s32 s6;
	_ =	sdelay $0x1  }
0xa3: {  	s24 =	simm.s32 $0x1B8B  }
0xa4: {  	_ =	swait.ge [sflag:s24], $0x1  }
0xa5: {  	[sflag:s24] =	ssyncset.done $0x0  }
0xa6: {  	s25 =	simm.s32 $0x1B8E;
	[sflag:s24] =	ssyncadd.s32 $0xFFFFFFFF  }
0xa7: {  	s26 =	simm.s32 $execute0_lowered;
	[smem:$0x3FD2] =	sst s25  }
0xa8: {  	s6 =	sshll.u32 s26, $0x1;
	_ =	strace $0x80000046;
	[dreg:$0x1] =	wrdreg $0xFFFFFFFF  }
0xa9: {  	s28 =	simm.s32 $_size_execute0_lowered;
	s5 =	sadd.s32 s5, s6;
	[dreg:$0x0] =	wrdreg $0x0  }
0xaa: {  	s6 =	sshll.u32 s28, $0x1;
	[dreg:$0x2] =	wrdreg s5  }
0xab: {  	[dreg:$0x3] =	wrdreg s6  }
0xac: {  	[dreg:$0x4] =	wrdreg $0xC0  }
0xad: {  	_ =	task [dreg:s9], $0x5FFFF  }
0xae: {  	[dreg:$0x1] =	wrdreg $0xFFFFFFFF  }
0xaf: {  	[dreg:$0x0] =	wrdreg $0x60  }
0xb0: {  	[dreg:$0x2] =	wrdreg s2  }
0xb1: {  	[dreg:$0x3] =	wrdreg s19  }
0xb2: {  	[dreg:$0x4] =	wrdreg s4  }
0xb3: {  	[dreg:$0x5] =	wrdreg $0x9  }
0xb4: {  	_ =	task.clear_ibuf [dreg:s9], $0x6FFFF;
	_ =	strace $0x90000046  }
0xb5: {  	s29 =	simm.s32 $0x9;
	_ =	strace $0x80000048  }
0xb6: {  	_ =	swait.ge [sflag:s29], $0x1  }
0xb7: {  	[sflag:s29] =	ssyncadd.s32 $0xFFFFFFFF  }
0xb8: {  	_ =	strace $0x90000048  }
0xb9: {  	_ =	sfence  }
0xba: {  	s30 =	sld [smem:$0x0];
	_ =	sdelay $0x2  }
0xbb: {  	s31 =	sshll.u32 s1, $0xD;
	s1 =	sshrl.u32 s1, $0x2  }
0xbc: {  	s3 =	sand.u32 $0x4000, s31;
	s1 =	sadd.s32 s1, s30  }
0xbd: {  	s0 =	sor.u32 s3, s0;
	s1 =	sshll.u32 s1, $0x11  }
0xbe: {  	s0 =	sor.u32 s1, s0  }
0xbf: {  	s0 =	sadd.s32 $0x8F2B, s0  }
0xc0: {  	[sflag:s0] =	ssyncadd.remote.s32 $0x1  }
0xc1: {  	_ =	sfence.sel $0xFFFF  }
0xc2: {  	[dreg:$0x0] =	wrdreg $0xFFFFFFFF;
	(pc) =	sbr.abs _section_cstart, $3  }
0xc3: {  	[dreg:$0x1] =	wrdreg $0xFFFFFFFF  }
0xc4: {  	_ =	task.clear_ibuf [dreg:s9], $0x2FFFF;
	_ =	strace $0x9FFFFFFF  }
0xc5: {  	(tm) =	ssettm $0x7FFFFFFF  }
tec
execute0_lowered:
.L_overlay_start_1:
0x0: {  	(tag) =	ssettag $0x1  }
0x1: {  	s1 =	rddreg [dreg:$0x0]  }
0x2: {  	s0 =	rddreg [dreg:$0x1]  }
0x3: {  	s3 =	rddreg [dreg:$0x2];
	s2 =	srdreg.scid;
	s4 =	simm.s32 $0x0  }
0x4: {  	s5 =	stileid.u32;
	s28 =	simm.s32 $0x3;
	s29 =	simm.s32 $0x6  }
0x5: {  	s30 =	simm.s32 $0x4;
	s31 =	simm.s32 $0xA;
	s2 =	sand.u32 $0x1, s2  }
0x6: {  	s5 =	sshll.u32 s5, $0x10;
	[smem:$0x7FF] =	sst s4;
	s24 =	sadd.s32 $0x100000, s3  }
0x7: {  	s6 =	ssub.s32 $0x2, s2;
	s2 =	sshll.u32 s2, $0xF;
	_ =	strace $0x80000047  }
0x8: {  	[dreg:$0xa] =	wrdreg s24;
	s24 =	simm.s32 $0xC000;
	s5 =	sor.u32 s2, s5  }
0x9: {  	s0 =	sadd.s32 s0, s5;
	s21 =	sadd.s32 s1, s5;
	s22 =	sor.u32 $0x200800, s5  }
0xa: {  	s13 =	smov.u32 s5;
	s5 =	sor.u32 $0x300800, s5;
	[dreg:$0x7] =	wrdreg s22  }
0xb: {  	s7 =	sshrl.u32 s6, $0x1;
	s2 =	simm.s32 $0x8;
	[dreg:$0x9] =	wrdreg s5  }
0xc: {  	s19 =	ssub.s32 s6, s7;
	s6 =	simm.s32 $0x0;
	[dreg:$0x6] =	wrdreg s21  }
0xd: {  	s20 =	sadd.s32 $0x800, s0;
	s23 =	sadd.s32 $0x100000, s21;
	[dreg:$0x4] =	wrdreg s0  }
0xe: {  	s25 =	sadd.s32 $0x1000, s0;
	s14 =	sadd.s32 $0x1000, s21;
	[dreg:$0x5] =	wrdreg s20  }
.Ltmp0:
0xf: {  	s15 =	sadd.s32 $0x101000, s21;
	[dreg:$0x8] =	wrdreg s23;
	(pc) =	sbr.rel .LBB2_1-.Ltmp0, $4  }
0x10: {  	s0 =	sadd.s32 $0x1800, s0;
	s26 =	smax.u32 s19, $0x1;
	[dreg:$0xb] =	wrdreg s25  }
0x11: {  	s21 =	simm.s32 $0x9;
	s22 =	simm.s32 $0x8000;
	[dreg:$0xc] =	wrdreg s0  }
0x12: {  	[dreg:$0xd] =	wrdreg s26;
	s20 =	simm.s32 $0x4000;
	s23 =	simm.s32 $0x1  }
0x13: {  	s25 =	simm.s32 $0x2;
	s26 =	simm.s32 $0x5;
	s0 =	simm.s32 $0x7  }
.LBB2_20:
0x14: {  	_ =	swait.ge [sflag:s0], $0x4000  }
0x15: {  	[sflag:s0] =	ssyncset.done $0x0  }
0x16: {  	[sflag:s0] =	ssyncadd.s32 $0xFFFFC000  }
0x17: {  	_ =	swait.ge [sflag:s2], $0x4000  }
0x18: {  	s6 =	rddreg [dreg:$0xe]  }
0x19: {  	s5 =	rddreg [dreg:$0xd];
	s6 =	sadd.s32 $0x1, s6  }
0x1a: {  	p0 =	sne.s32 s6, s5  }
.Ltmp1:
0x1b: {  	_ = 	snop;
	(pc) =	sbr.rel @!p0 .LBB2_21-.Ltmp1, $3  }
0x1c: {  	_ =	sdelay $0x1  }
0x1d: {  	[sflag:s2] =	ssyncset.done $0x0  }
0x1e: {  	[sflag:s2] =	ssyncadd.s32 $0xFFFFC000  }
.LBB2_1:
0x1f: {  	[dreg:$0xe] =	wrdreg s6  }
0x20: {  	s5 =	rddreg [dreg:$0x4];
	s12 =	simm.s32 $0x10000  }
0x21: {  	[tilespmem:s12], [sflag:$0x9] =	stream.linear.gather [hbm4b:s5+s4], $0x4000, $0x38;
	[tilespmem:$0x18000] =	vst v63  }
0x22: {  	s16 =	rddreg [dreg:$0x5];
	s17 =	simm.s32 $0x14000  }
0x23: {  	[tilespmem:s17], [sflag:$0xA] =	stream.linear.gather [hbm4b:s16+s4], $0x4000, $0x38;
	[tilespmem:$0x18000] =	vst v63  }
0x24: {  	s18 =	rddreg [dreg:$0x6]  }
0x25: {  	[tilespmem:s4], [sflag:$0x1] =	stream.linear.gather [hbm4b:s18+s4], $0x4000, $0x38;
	[tilespmem:$0x18000] =	vst v63  }
0x26: {  	s19 =	rddreg [dreg:$0x8];
	s7 =	simm.s32 $0x0  }
0x27: {  	[tilespmem:s20], [sflag:$0x2] =	stream.linear.gather [hbm4b:s19+s4], $0x4000, $0x38;
	[tilespmem:$0x18000] =	vst v63  }
.LBB2_2:
0x28: {  	_ =	swait.ge [sflag:s21], $0x4000  }
0x29: {  	p0 =	seq.s32 s7, $0x0;
	[sflag:s21] =	ssyncset.done $0x0  }
0x2a: {  	s10 =	sshll.u32 s7, $0xC;
	s6 =	simm.s32 @!p0 $0x7;
	[sflag:s21] =	ssyncadd.s32 $0xFFFFC000  }
0x2b: {  	s16 =	simm.s32 $0x0;
	s17 =	sor.u32 s13, s10;
	_ =	swait.ge @!p0 [sflag:s6], $0x4000  }
0x2c: {  	s18 =	simm.s32 $0x0;
	s8 =	sor.u32 $0x200000, s17;
	[sflag:s6] =	ssyncset.done @!p0 $0x0  }
0x2d: {  	s9 =	sand.u32 $0x1800, s16;
	s12 =	sadd.s32 s1, s8;
	[sflag:s6] =	ssyncadd.s32 @!p0 $0xFFFFC000  }
0x2e: {  	[tilespmem:s22], [sflag:$0x3] =	stream.linear.gather [hbm4b:s12+s16], $0x4000, $0x38;
	[tilespmem:$0x18000] =	vst v63  }
0x2f: {  	s6 =	sand.u32 $0x2000, s18;
	s18 =	simm.s32 $0x0;
	_ =	swait.ge [sflag:s23], $0x4000  }
0x30: {  	s6 =	sor.u32 s9, s6;
	s19 =	sand.u32 $0x380, s18;
	[sflag:s23] =	ssyncset.done $0x0  }
0x31: {  	s6 =	sor.u32 s19, s6;
	[sflag:s23] =	ssyncadd.s32 $0xFFFFC000  }
0x32: {  	v0 =	vld [tilespmem:s6+$0x470]  }
0x33: {  	v1 =	vld [tilespmem:s6+$0x10470]  }
0x34: {  	v2 =	vld [tilespmem:s6+$0x0]  }
0x35: {  	v3 =	vld [tilespmem:s6+$0x10000]  }
0x36: {  	v4 =	vld [tilespmem:s6+$0x10]  }
0x37: {  	v5 =	vld [tilespmem:s6+$0x10010]  }
0x38: {  	v6 =	vld [tilespmem:s6+$0x20]  }
0x39: {  	v7 =	vld [tilespmem:s6+$0x10020]  }
0x3a: {  	v8 =	vld [tilespmem:s6+$0x30]  }
0x3b: {  	v9 =	vld [tilespmem:s6+$0x10030]  }
0x3c: {  	v10 =	vld [tilespmem:s6+$0x40]  }
0x3d: {  	v11 =	vld [tilespmem:s6+$0x10040]  }
0x3e: {  	v12 =	vld [tilespmem:s6+$0x50]  }
0x3f: {  	v13 =	vld [tilespmem:s6+$0x10050]  }
0x40: {  	v14 =	vld [tilespmem:s6+$0x60]  }
0x41: {  	v0 =	vadd.f32 v1, v0;
	v1 =	vld [tilespmem:s6+$0x10060]  }
0x42: {  	v2 =	vadd.f32 v3, v2;
	v3 =	vld [tilespmem:s6+$0x70]  }
0x43: {  	[tilespmem:s6+$0x470] =	vst v0;
	v0 =	vadd.f32 v5, v4;
	v4 =	vld [tilespmem:s6+$0x10070]  }
0x44: {  	[tilespmem:s6+$0x0] =	vst v2;
	v2 =	vadd.f32 v7, v6;
	v5 =	vld [tilespmem:s6+$0x400]  }
0x45: {  	v6 =	vld [tilespmem:s6+$0x10400];
	[tilespmem:s6+$0x10] =	vst v0;
	v0 =	vadd.f32 v9, v8  }
0x46: {  	v63 =	vld [tilespmem:s6+$0x10410];
	[tilespmem:s6+$0x20] =	vst v2;
	v2 =	vadd.f32 v11, v10  }
0x47: {  	v7 =	vld [tilespmem:s6+$0x410];
	[tilespmem:s6+$0x30] =	vst v0;
	v0 =	vadd.f32 v13, v12  }
0x48: {  	[tilespmem:s6+$0x40] =	vst v2;
	v2 =	vadd.f32 v1, v14;
	v1 =	vld [tilespmem:s6+$0x420]  }
0x49: {  	v3 =	vadd.f32 v4, v3;
	v4 =	vld [tilespmem:s6+$0x10420];
	[tilespmem:s6+$0x50] =	vst v0  }
0x4a: {  	[tilespmem:s6+$0x60] =	vst v2;
	v2 =	vadd.f32 v6, v5;
	v0 =	vld [tilespmem:s6+$0x430]  }
0x4b: {  	[tilespmem:s6+$0x70] =	vst v3;
	v3 =	vld [tilespmem:s6+$0x10430]  }
0x4c: {  	s18 =	simm.s32 $0x0;
	v5 =	vadd.f32 v63, v7;
	[tilespmem:s6+$0x400] =	vst v2;
	v2 =	vld [tilespmem:s6+$0x440]  }
.LBB2_3:
0x4d: {  	s18 =	sadd.s32 $0x10, s18;
	v6 =	vld [tilespmem:s6+$0x10440]  }
0x4e: {  	s16 =	sadd.s32 $0x800, s16;
	s9 =	sshll.u32 s18, $0x4;
	p1 =	slt.u32 s18, $0x3F0;
	[tilespmem:s6+$0x410] =	vst v5;
	v1 =	vadd.f32 v4, v1;
	v4 =	vld [tilespmem:s6+$0x450]  }
0x4f: {  	s19 =	sand.u32 $0x1800, s16;
	s5 =	sshll.u32 s18, $0x1;
	s9 =	sand.u32 $0x2000, s9;
	v5 =	vld [tilespmem:s6+$0x10450]  }
0x50: {  	s5 =	sand.u32 $0x380, s5;
	s9 =	sor.u32 s19, s9;
	[tilespmem:s6+$0x420] =	vst v1;
	v0 =	vadd.f32 v3, v0;
	v1 =	vld [tilespmem:s6+$0x460]  }
0x51: {  	s5 =	sor.u32 s5, s9;
	v3 =	vld [tilespmem:s6+$0x10460]  }
0x52: {  	v7 =	vld [tilespmem:s5+$0x470];
	[tilespmem:s6+$0x430] =	vst v0;
	v0 =	vadd.f32 v6, v2  }
0x53: {  	v2 =	vld [tilespmem:s5+$0x10470]  }
0x54: {  	v6 =	vld [tilespmem:s5+$0x0];
	[tilespmem:s6+$0x440] =	vst v0;
	v0 =	vadd.f32 v5, v4  }
0x55: {  	v4 =	vld [tilespmem:s5+$0x10000]  }
0x56: {  	v5 =	vld [tilespmem:s5+$0x10];
	[tilespmem:s6+$0x450] =	vst v0;
	v0 =	vadd.f32 v3, v1  }
0x57: {  	v1 =	vld [tilespmem:s5+$0x10010]  }
0x58: {  	v3 =	vld [tilespmem:s5+$0x20];
	v2 =	vadd.f32 v2, v7;
	[tilespmem:s6+$0x460] =	vst v0;
	s6 =	smov.u32 s5  }
0x59: {  	v0 =	vld [tilespmem:s6+$0x10020]  }
0x5a: {  	v4 =	vadd.f32 v4, v6;
	v6 =	vld [tilespmem:s6+$0x30];
	[tilespmem:s6+$0x470] =	vst v2  }
0x5b: {  	v2 =	vld [tilespmem:s6+$0x10030]  }
0x5c: {  	[tilespmem:s6+$0x0] =	vst v4;
	v1 =	vadd.f32 v1, v5;
	v4 =	vld [tilespmem:s6+$0x40]  }
0x5d: {  	v5 =	vld [tilespmem:s6+$0x10040]  }
0x5e: {  	[tilespmem:s6+$0x10] =	vst v1;
	v0 =	vadd.f32 v0, v3;
	v1 =	vld [tilespmem:s6+$0x50]  }
0x5f: {  	v3 =	vld [tilespmem:s6+$0x10050]  }
0x60: {  	[tilespmem:s6+$0x20] =	vst v0;
	v0 =	vadd.f32 v2, v6;
	v2 =	vld [tilespmem:s6+$0x60]  }
0x61: {  	v6 =	vld [tilespmem:s6+$0x10060]  }
0x62: {  	[tilespmem:s6+$0x30] =	vst v0;
	v0 =	vadd.f32 v5, v4;
	v4 =	vld [tilespmem:s6+$0x70]  }
0x63: {  	v5 =	vld [tilespmem:s6+$0x10070]  }
0x64: {  	[tilespmem:s6+$0x40] =	vst v0;
	v0 =	vadd.f32 v3, v1;
	v3 =	vld [tilespmem:s6+$0x400]  }
0x65: {  	v7 =	vld [tilespmem:s6+$0x10400]  }
0x66: {  	[tilespmem:s6+$0x50] =	vst v0;
	v0 =	vadd.f32 v6, v2;
	v2 =	vld [tilespmem:s6+$0x410]  }
0x67: {  	v6 =	vld [tilespmem:s6+$0x10410]  }
.Ltmp2:
0x68: {  	[tilespmem:s6+$0x60] =	vst v0;
	v0 =	vadd.f32 v5, v4;
	v1 =	vld [tilespmem:s6+$0x420];
	(pc) =	sbr.rel @p1 .LBB2_3-.Ltmp2, $4  }
0x69: {  	v4 =	vld [tilespmem:s6+$0x10420]  }
0x6a: {  	[tilespmem:s6+$0x70] =	vst v0;
	v5 =	vadd.f32 v7, v3;
	v0 =	vld [tilespmem:s6+$0x430]  }
0x6b: {  	v3 =	vld [tilespmem:s6+$0x10430]  }
0x6c: {  	[tilespmem:s6+$0x400] =	vst v5;
	v5 =	vadd.f32 v6, v2;
	v2 =	vld [tilespmem:s6+$0x440]  }
0x6d: {  	v6 =	vld [tilespmem:s6+$0x10440]  }
0x6e: {  	v7 =	vld [tilespmem:s6+$0x450]  }
0x6f: {  	v8 =	vld [tilespmem:s6+$0x10450]  }
0x70: {  	v9 =	vld [tilespmem:s6+$0x460]  }
0x71: {  	v10 =	vld [tilespmem:s6+$0x10460]  }
0x72: {  	v1 =	vadd.f32 v4, v1  }
0x73: {  	[tilespmem:s6+$0x410] =	vst v5;
	v0 =	vadd.f32 v3, v0  }
0x74: {  	[tilespmem:s6+$0x420] =	vst v1;
	v1 =	vadd.f32 v6, v2  }
0x75: {  	[tilespmem:s6+$0x430] =	vst v0;
	v0 =	vadd.f32 v8, v7  }
0x76: {  	[tilespmem:s6+$0x440] =	vst v1;
	v1 =	vadd.f32 v10, v9  }
0x77: {  	[tilespmem:s6+$0x450] =	vst v0  }
0x78: {  	s5 =	sadd.s32 s3, s17;
	[tilespmem:s6+$0x460] =	vst v1  }
0x79: {  	[hbm4b:s5+s4] =	stream.linear.scatter [tilespmem:s4], [sflag:$0x5], $0x4000, $0x38;
	[tilespmem:$0x18000] =	vst v63  }
0x7a: {  	s5 =	simm.s32 @!p0 $0x8  }
0x7b: {  	s18 =	sor.u32 $0x300000, s17;
	_ =	swait.ge @!p0 [sflag:s5], $0x4000  }
0x7c: {  	s16 =	simm.s32 $0x0;
	s11 =	simm.s32 $0x0;
	[sflag:s5] =	ssyncset.done @!p0 $0x0  }
0x7d: {  	s9 =	sadd.s32 s1, s18;
	s12 =	sand.u32 $0x1800, s16;
	[sflag:s5] =	ssyncadd.s32 @!p0 $0xFFFFC000  }
0x7e: {  	[tilespmem:s24], [sflag:$0x4] =	stream.linear.gather [hbm4b:s9+s16], $0x4000, $0x38;
	[tilespmem:$0x18000] =	vst v63  }
0x7f: {  	s5 =	sand.u32 $0x2000, s11;
	s9 =	simm.s32 $0x0;
	_ =	swait.ge [sflag:s25], $0x4000  }
0x80: {  	s5 =	sor.u32 s12, s5;
	s19 =	sand.u32 $0x380, s9;
	[sflag:s25] =	ssyncset.done $0x0  }
0x81: {  	s6 =	sor.u32 s19, s5;
	[sflag:s25] =	ssyncadd.s32 $0xFFFFC000  }
0x82: {  	v0 =	vld [tilespmem:s6+$0x4470]  }
0x83: {  	v1 =	vld [tilespmem:s6+$0x10470]  }
0x84: {  	v2 =	vld [tilespmem:s6+$0x4000]  }
0x85: {  	v3 =	vld [tilespmem:s6+$0x10000]  }
0x86: {  	v4 =	vld [tilespmem:s6+$0x4010]  }
0x87: {  	v5 =	vld [tilespmem:s6+$0x10010]  }
0x88: {  	v6 =	vld [tilespmem:s6+$0x4020]  }
0x89: {  	v7 =	vld [tilespmem:s6+$0x10020]  }
0x8a: {  	v60 =	vld [tilespmem:s6+$0x4030]  }
0x8b: {  	v61 =	vld [tilespmem:s6+$0x10030]  }
0x8c: {  	v62 =	vld [tilespmem:s6+$0x4040]  }
0x8d: {  	v11 =	vld [tilespmem:s6+$0x10040]  }
0x8e: {  	v12 =	vld [tilespmem:s6+$0x4050]  }
0x8f: {  	v13 =	vld [tilespmem:s6+$0x10050]  }
0x90: {  	v14 =	vld [tilespmem:s6+$0x4060]  }
0x91: {  	v0 =	vadd.f32 v1, v0;
	v1 =	vld [tilespmem:s6+$0x10060]  }
0x92: {  	v2 =	vadd.f32 v3, v2;
	v3 =	vld [tilespmem:s6+$0x4070]  }
0x93: {  	[tilespmem:s6+$0x4470] =	vst v0;
	v0 =	vadd.f32 v5, v4;
	v4 =	vld [tilespmem:s6+$0x10070]  }
0x94: {  	[tilespmem:s6+$0x4000] =	vst v2;
	v2 =	vadd.f32 v7, v6;
	v5 =	vld [tilespmem:s6+$0x4400]  }
0x95: {  	v6 =	vld [tilespmem:s6+$0x10400];
	[tilespmem:s6+$0x4010] =	vst v0;
	v0 =	vadd.f32 v61, v60  }
0x96: {  	v63 =	vld [tilespmem:s6+$0x10410];
	[tilespmem:s6+$0x4020] =	vst v2;
	v2 =	vadd.f32 v11, v62  }
0x97: {  	v7 =	vld [tilespmem:s6+$0x4410];
	[tilespmem:s6+$0x4030] =	vst v0;
	v0 =	vadd.f32 v13, v12  }
0x98: {  	[tilespmem:s6+$0x4040] =	vst v2;
	v2 =	vadd.f32 v1, v14;
	v1 =	vld [tilespmem:s6+$0x4420]  }
0x99: {  	v3 =	vadd.f32 v4, v3;
	v4 =	vld [tilespmem:s6+$0x10420];
	[tilespmem:s6+$0x4050] =	vst v0  }
0x9a: {  	[tilespmem:s6+$0x4060] =	vst v2;
	v2 =	vadd.f32 v6, v5;
	v0 =	vld [tilespmem:s6+$0x4430]  }
0x9b: {  	[tilespmem:s6+$0x4070] =	vst v3;
	v3 =	vld [tilespmem:s6+$0x10430]  }
0x9c: {  	s19 =	simm.s32 $0x0;
	v5 =	vadd.f32 v63, v7;
	[tilespmem:s6+$0x4400] =	vst v2;
	v2 =	vld [tilespmem:s6+$0x4440]  }
.LBB2_5:
0x9d: {  	s19 =	sadd.s32 $0x10, s19;
	v6 =	vld [tilespmem:s6+$0x10440]  }
0x9e: {  	s16 =	sadd.s32 $0x800, s16;
	s5 =	sshll.u32 s19, $0x4;
	p0 =	slt.u32 s19, $0x3F0;
	[tilespmem:s6+$0x4410] =	vst v5;
	v1 =	vadd.f32 v4, v1;
	v4 =	vld [tilespmem:s6+$0x4450]  }
0x9f: {  	s9 =	sand.u32 $0x1800, s16;
	s11 =	sshll.u32 s19, $0x1;
	s5 =	sand.u32 $0x2000, s5;
	v5 =	vld [tilespmem:s6+$0x10450]  }
0xa0: {  	s5 =	sor.u32 s9, s5;
	s9 =	sand.u32 $0x380, s11;
	[tilespmem:s6+$0x4420] =	vst v1;
	v0 =	vadd.f32 v3, v0;
	v1 =	vld [tilespmem:s6+$0x4460]  }
0xa1: {  	s5 =	sor.u32 s9, s5;
	v3 =	vld [tilespmem:s6+$0x10460]  }
0xa2: {  	v7 =	vld [tilespmem:s5+$0x4470];
	[tilespmem:s6+$0x4430] =	vst v0;
	v0 =	vadd.f32 v6, v2  }
0xa3: {  	v2 =	vld [tilespmem:s5+$0x10470]  }
0xa4: {  	v6 =	vld [tilespmem:s5+$0x4000];
	[tilespmem:s6+$0x4440] =	vst v0;
	v0 =	vadd.f32 v5, v4  }
0xa5: {  	v4 =	vld [tilespmem:s5+$0x10000]  }
0xa6: {  	v5 =	vld [tilespmem:s5+$0x4010];
	[tilespmem:s6+$0x4450] =	vst v0;
	v0 =	vadd.f32 v3, v1  }
0xa7: {  	v1 =	vld [tilespmem:s5+$0x10010]  }
0xa8: {  	v3 =	vld [tilespmem:s5+$0x4020];
	v2 =	vadd.f32 v2, v7;
	[tilespmem:s6+$0x4460] =	vst v0;
	s6 =	smov.u32 s5  }
0xa9: {  	v0 =	vld [tilespmem:s6+$0x10020]  }
0xaa: {  	v4 =	vadd.f32 v4, v6;
	v6 =	vld [tilespmem:s6+$0x4030];
	[tilespmem:s6+$0x4470] =	vst v2  }
0xab: {  	v2 =	vld [tilespmem:s6+$0x10030]  }
0xac: {  	[tilespmem:s6+$0x4000] =	vst v4;
	v1 =	vadd.f32 v1, v5;
	v4 =	vld [tilespmem:s6+$0x4040]  }
0xad: {  	v5 =	vld [tilespmem:s6+$0x10040]  }
0xae: {  	[tilespmem:s6+$0x4010] =	vst v1;
	v0 =	vadd.f32 v0, v3;
	v1 =	vld [tilespmem:s6+$0x4050]  }
0xaf: {  	v3 =	vld [tilespmem:s6+$0x10050]  }
0xb0: {  	[tilespmem:s6+$0x4020] =	vst v0;
	v0 =	vadd.f32 v2, v6;
	v2 =	vld [tilespmem:s6+$0x4060]  }
0xb1: {  	v6 =	vld [tilespmem:s6+$0x10060]  }
0xb2: {  	[tilespmem:s6+$0x4030] =	vst v0;
	v0 =	vadd.f32 v5, v4;
	v4 =	vld [tilespmem:s6+$0x4070]  }
0xb3: {  	v5 =	vld [tilespmem:s6+$0x10070]  }
0xb4: {  	[tilespmem:s6+$0x4040] =	vst v0;
	v0 =	vadd.f32 v3, v1;
	v3 =	vld [tilespmem:s6+$0x4400]  }
0xb5: {  	v7 =	vld [tilespmem:s6+$0x10400]  }
0xb6: {  	[tilespmem:s6+$0x4050] =	vst v0;
	v0 =	vadd.f32 v6, v2;
	v2 =	vld [tilespmem:s6+$0x4410]  }
0xb7: {  	v6 =	vld [tilespmem:s6+$0x10410]  }
.Ltmp3:
0xb8: {  	[tilespmem:s6+$0x4060] =	vst v0;
	v0 =	vadd.f32 v5, v4;
	v1 =	vld [tilespmem:s6+$0x4420];
	(pc) =	sbr.rel @p0 .LBB2_5-.Ltmp3, $4  }
0xb9: {  	v4 =	vld [tilespmem:s6+$0x10420]  }
0xba: {  	[tilespmem:s6+$0x4070] =	vst v0;
	v5 =	vadd.f32 v7, v3;
	v0 =	vld [tilespmem:s6+$0x4430]  }
0xbb: {  	v3 =	vld [tilespmem:s6+$0x10430]  }
0xbc: {  	[tilespmem:s6+$0x4400] =	vst v5;
	v5 =	vadd.f32 v6, v2;
	v2 =	vld [tilespmem:s6+$0x4440]  }
0xbd: {  	v6 =	vld [tilespmem:s6+$0x10440]  }
0xbe: {  	v7 =	vld [tilespmem:s6+$0x4450]  }
0xbf: {  	v8 =	vld [tilespmem:s6+$0x10450]  }
0xc0: {  	v9 =	vld [tilespmem:s6+$0x4460]  }
0xc1: {  	v10 =	vld [tilespmem:s6+$0x10460]  }
0xc2: {  	v1 =	vadd.f32 v4, v1  }
0xc3: {  	[tilespmem:s6+$0x4410] =	vst v5;
	v0 =	vadd.f32 v3, v0  }
0xc4: {  	[tilespmem:s6+$0x4420] =	vst v1;
	v1 =	vadd.f32 v6, v2  }
0xc5: {  	[tilespmem:s6+$0x4430] =	vst v0;
	v0 =	vadd.f32 v8, v7  }
0xc6: {  	[tilespmem:s6+$0x4440] =	vst v1;
	v1 =	vadd.f32 v10, v9  }
0xc7: {  	[tilespmem:s6+$0x4450] =	vst v0  }
0xc8: {  	[tilespmem:s6+$0x4460] =	vst v1  }
0xc9: {  	s5 =	rddreg [dreg:$0xa]  }
0xca: {  	s19 =	simm.s32 $0x0;
	s5 =	sadd.s32 s17, s5  }
0xcb: {  	[hbm4b:s5+s19] =	stream.linear.scatter [tilespmem:s20], [sflag:$0x6], $0x4000, $0x38;
	[tilespmem:$0x18000] =	vst v63  }
0xcc: {  	_ =	swait.ge [sflag:s26], $0x4000  }
0xcd: {  	s12 =	simm.s32 $0x0;
	s6 =	sor.u32 $0x800, s17;
	[sflag:s26] =	ssyncset.done $0x0  }
0xce: {  	s9 =	sand.u32 $0x1800, s19;
	s11 =	sadd.s32 s1, s6;
	[sflag:s26] =	ssyncadd.s32 $0xFFFFC000  }
0xcf: {  	[tilespmem:s19], [sflag:$0x1] =	stream.linear.gather [hbm4b:s11+s19], $0x4000, $0x38;
	[tilespmem:$0x18000] =	vst v63  }
0xd0: {  	s5 =	sand.u32 $0x2000, s12;
	s11 =	simm.s32 $0x0;
	_ =	swait.ge [sflag:s28], $0x4000  }
0xd1: {  	s5 =	sor.u32 s9, s5;
	s16 =	sand.u32 $0x380, s11;
	[sflag:s28] =	ssyncset.done $0x0  }
0xd2: {  	s16 =	sor.u32 s16, s5;
	[sflag:s28] =	ssyncadd.s32 $0xFFFFC000  }
0xd3: {  	v0 =	vld [tilespmem:s16+$0x8470]  }
0xd4: {  	v1 =	vld [tilespmem:s16+$0x10470]  }
0xd5: {  	v2 =	vld [tilespmem:s16+$0x8000]  }
0xd6: {  	v3 =	vld [tilespmem:s16+$0x10000]  }
0xd7: {  	v4 =	vld [tilespmem:s16+$0x8010]  }
0xd8: {  	v5 =	vld [tilespmem:s16+$0x10010]  }
0xd9: {  	v6 =	vld [tilespmem:s16+$0x8020]  }
0xda: {  	v7 =	vld [tilespmem:s16+$0x10020]  }
0xdb: {  	v60 =	vld [tilespmem:s16+$0x8030]  }
0xdc: {  	v61 =	vld [tilespmem:s16+$0x10030]  }
0xdd: {  	v62 =	vld [tilespmem:s16+$0x8040]  }
0xde: {  	v11 =	vld [tilespmem:s16+$0x10040]  }
0xdf: {  	v12 =	vld [tilespmem:s16+$0x8050]  }
0xe0: {  	v13 =	vld [tilespmem:s16+$0x10050]  }
0xe1: {  	v14 =	vld [tilespmem:s16+$0x8060]  }
0xe2: {  	v0 =	vadd.f32 v1, v0;
	v1 =	vld [tilespmem:s16+$0x10060]  }
0xe3: {  	v2 =	vadd.f32 v3, v2;
	v3 =	vld [tilespmem:s16+$0x8070]  }
0xe4: {  	[tilespmem:s16+$0x8470] =	vst v0;
	v0 =	vadd.f32 v5, v4;
	v4 =	vld [tilespmem:s16+$0x10070]  }
0xe5: {  	[tilespmem:s16+$0x8000] =	vst v2;
	v2 =	vadd.f32 v7, v6;
	v5 =	vld [tilespmem:s16+$0x8400]  }
0xe6: {  	v6 =	vld [tilespmem:s16+$0x10400];
	[tilespmem:s16+$0x8010] =	vst v0;
	v0 =	vadd.f32 v61, v60  }
0xe7: {  	v63 =	vld [tilespmem:s16+$0x10410];
	[tilespmem:s16+$0x8020] =	vst v2;
	v2 =	vadd.f32 v11, v62  }
0xe8: {  	v7 =	vld [tilespmem:s16+$0x8410];
	[tilespmem:s16+$0x8030] =	vst v0;
	v0 =	vadd.f32 v13, v12  }
0xe9: {  	[tilespmem:s16+$0x8040] =	vst v2;
	v2 =	vadd.f32 v1, v14;
	v1 =	vld [tilespmem:s16+$0x8420]  }
0xea: {  	v3 =	vadd.f32 v4, v3;
	v4 =	vld [tilespmem:s16+$0x10420];
	[tilespmem:s16+$0x8050] =	vst v0  }
0xeb: {  	[tilespmem:s16+$0x8060] =	vst v2;
	v2 =	vadd.f32 v6, v5;
	v0 =	vld [tilespmem:s16+$0x8430]  }
0xec: {  	[tilespmem:s16+$0x8070] =	vst v3;
	v3 =	vld [tilespmem:s16+$0x10430]  }
0xed: {  	s9 =	simm.s32 $0x0;
	v5 =	vadd.f32 v63, v7;
	[tilespmem:s16+$0x8400] =	vst v2;
	v2 =	vld [tilespmem:s16+$0x8440]  }
.LBB2_7:
0xee: {  	s9 =	sadd.s32 $0x10, s9;
	v6 =	vld [tilespmem:s16+$0x10440]  }
0xef: {  	s19 =	sadd.s32 $0x800, s19;
	s5 =	sshll.u32 s9, $0x4;
	p0 =	slt.u32 s9, $0x3F0;
	[tilespmem:s16+$0x8410] =	vst v5;
	v1 =	vadd.f32 v4, v1;
	v4 =	vld [tilespmem:s16+$0x8450]  }
0xf0: {  	s11 =	sand.u32 $0x1800, s19;
	s12 =	sshll.u32 s9, $0x1;
	s5 =	sand.u32 $0x2000, s5;
	v5 =	vld [tilespmem:s16+$0x10450]  }
0xf1: {  	s5 =	sor.u32 s11, s5;
	s11 =	sand.u32 $0x380, s12;
	[tilespmem:s16+$0x8420] =	vst v1;
	v0 =	vadd.f32 v3, v0;
	v1 =	vld [tilespmem:s16+$0x8460]  }
0xf2: {  	s5 =	sor.u32 s11, s5;
	v3 =	vld [tilespmem:s16+$0x10460]  }
0xf3: {  	v7 =	vld [tilespmem:s5+$0x8470];
	[tilespmem:s16+$0x8430] =	vst v0;
	v0 =	vadd.f32 v6, v2  }
0xf4: {  	v2 =	vld [tilespmem:s5+$0x10470]  }
0xf5: {  	v6 =	vld [tilespmem:s5+$0x8000];
	[tilespmem:s16+$0x8440] =	vst v0;
	v0 =	vadd.f32 v5, v4  }
0xf6: {  	v4 =	vld [tilespmem:s5+$0x10000]  }
0xf7: {  	v5 =	vld [tilespmem:s5+$0x8010];
	[tilespmem:s16+$0x8450] =	vst v0;
	v0 =	vadd.f32 v3, v1  }
0xf8: {  	v1 =	vld [tilespmem:s5+$0x10010]  }
0xf9: {  	v3 =	vld [tilespmem:s5+$0x8020];
	v2 =	vadd.f32 v2, v7;
	[tilespmem:s16+$0x8460] =	vst v0;
	s16 =	smov.u32 s5  }
0xfa: {  	v0 =	vld [tilespmem:s16+$0x10020]  }
0xfb: {  	v4 =	vadd.f32 v4, v6;
	v6 =	vld [tilespmem:s16+$0x8030];
	[tilespmem:s16+$0x8470] =	vst v2  }
0xfc: {  	v2 =	vld [tilespmem:s16+$0x10030]  }
0xfd: {  	[tilespmem:s16+$0x8000] =	vst v4;
	v1 =	vadd.f32 v1, v5;
	v4 =	vld [tilespmem:s16+$0x8040]  }
0xfe: {  	v5 =	vld [tilespmem:s16+$0x10040]  }
0xff: {  	[tilespmem:s16+$0x8010] =	vst v1;
	v0 =	vadd.f32 v0, v3;
	v1 =	vld [tilespmem:s16+$0x8050]  }
0x100: {  	v3 =	vld [tilespmem:s16+$0x10050]  }
0x101: {  	[tilespmem:s16+$0x8020] =	vst v0;
	v0 =	vadd.f32 v2, v6;
	v2 =	vld [tilespmem:s16+$0x8060]  }
0x102: {  	v6 =	vld [tilespmem:s16+$0x10060]  }
0x103: {  	[tilespmem:s16+$0x8030] =	vst v0;
	v0 =	vadd.f32 v5, v4;
	v4 =	vld [tilespmem:s16+$0x8070]  }
0x104: {  	v5 =	vld [tilespmem:s16+$0x10070]  }
0x105: {  	[tilespmem:s16+$0x8040] =	vst v0;
	v0 =	vadd.f32 v3, v1;
	v3 =	vld [tilespmem:s16+$0x8400]  }
0x106: {  	v7 =	vld [tilespmem:s16+$0x10400]  }
0x107: {  	[tilespmem:s16+$0x8050] =	vst v0;
	v0 =	vadd.f32 v6, v2;
	v2 =	vld [tilespmem:s16+$0x8410]  }
0x108: {  	v6 =	vld [tilespmem:s16+$0x10410]  }
.Ltmp4:
0x109: {  	[tilespmem:s16+$0x8060] =	vst v0;
	v0 =	vadd.f32 v5, v4;
	v1 =	vld [tilespmem:s16+$0x8420];
	(pc) =	sbr.rel @p0 .LBB2_7-.Ltmp4, $4  }
0x10a: {  	v4 =	vld [tilespmem:s16+$0x10420]  }
0x10b: {  	[tilespmem:s16+$0x8070] =	vst v0;
	v5 =	vadd.f32 v7, v3;
	v0 =	vld [tilespmem:s16+$0x8430]  }
0x10c: {  	v3 =	vld [tilespmem:s16+$0x10430]  }
0x10d: {  	[tilespmem:s16+$0x8400] =	vst v5;
	v5 =	vadd.f32 v6, v2;
	v2 =	vld [tilespmem:s16+$0x8440]  }
0x10e: {  	v6 =	vld [tilespmem:s16+$0x10440]  }
0x10f: {  	v7 =	vld [tilespmem:s16+$0x8450]  }
0x110: {  	v8 =	vld [tilespmem:s16+$0x10450]  }
0x111: {  	v9 =	vld [tilespmem:s16+$0x8460]  }
0x112: {  	v10 =	vld [tilespmem:s16+$0x10460]  }
0x113: {  	v1 =	vadd.f32 v4, v1  }
0x114: {  	[tilespmem:s16+$0x8410] =	vst v5;
	v0 =	vadd.f32 v3, v0  }
0x115: {  	[tilespmem:s16+$0x8420] =	vst v1;
	v1 =	vadd.f32 v6, v2  }
0x116: {  	[tilespmem:s16+$0x8430] =	vst v0;
	v0 =	vadd.f32 v8, v7  }
0x117: {  	[tilespmem:s16+$0x8440] =	vst v1;
	v1 =	vadd.f32 v10, v9  }
0x118: {  	[tilespmem:s16+$0x8450] =	vst v0  }
0x119: {  	s5 =	sadd.s32 s3, s8;
	s8 =	simm.s32 $0x0;
	[tilespmem:s16+$0x8460] =	vst v1  }
0x11a: {  	[hbm4b:s5+s8] =	stream.linear.scatter [tilespmem:s22], [sflag:$0x7], $0x4000, $0x38;
	[tilespmem:$0x18000] =	vst v63  }
0x11b: {  	_ =	swait.ge [sflag:s29], $0x4000  }
0x11c: {  	s17 =	sor.u32 $0x100800, s17;
	s11 =	simm.s32 $0x0;
	[sflag:s29] =	ssyncset.done $0x0  }
0x11d: {  	s12 =	sadd.s32 s1, s17;
	s16 =	simm.s32 $0x0;
	[sflag:s29] =	ssyncadd.s32 $0xFFFFC000  }
0x11e: {  	[tilespmem:s20], [sflag:$0x2] =	stream.linear.gather [hbm4b:s12+s8], $0x4000, $0x38;
	[tilespmem:$0x18000] =	vst v63  }
0x11f: {  	s9 =	sand.u32 $0x1800, s8;
	s5 =	sand.u32 $0x2000, s16;
	_ =	swait.ge [sflag:s30], $0x4000  }
0x120: {  	s19 =	sand.u32 $0x380, s11;
	s5 =	sor.u32 s9, s5;
	[sflag:s30] =	ssyncset.done $0x0  }
0x121: {  	s16 =	sor.u32 s19, s5;
	[sflag:s30] =	ssyncadd.s32 $0xFFFFC000  }
0x122: {  	v0 =	vld [tilespmem:s16+$0xC470]  }
0x123: {  	v1 =	vld [tilespmem:s16+$0x10470]  }
0x124: {  	v2 =	vld [tilespmem:s16+$0xC000]  }
0x125: {  	v3 =	vld [tilespmem:s16+$0x10000]  }
0x126: {  	v4 =	vld [tilespmem:s16+$0xC010]  }
0x127: {  	v5 =	vld [tilespmem:s16+$0x10010]  }
0x128: {  	v6 =	vld [tilespmem:s16+$0xC020]  }
0x129: {  	v7 =	vld [tilespmem:s16+$0x10020]  }
0x12a: {  	v60 =	vld [tilespmem:s16+$0xC030]  }
0x12b: {  	v61 =	vld [tilespmem:s16+$0x10030]  }
0x12c: {  	v62 =	vld [tilespmem:s16+$0xC040]  }
0x12d: {  	v11 =	vld [tilespmem:s16+$0x10040]  }
0x12e: {  	v12 =	vld [tilespmem:s16+$0xC050]  }
0x12f: {  	v13 =	vld [tilespmem:s16+$0x10050]  }
0x130: {  	v14 =	vld [tilespmem:s16+$0xC060]  }
0x131: {  	v0 =	vadd.f32 v1, v0;
	v1 =	vld [tilespmem:s16+$0x10060]  }
0x132: {  	v2 =	vadd.f32 v3, v2;
	v3 =	vld [tilespmem:s16+$0xC070]  }
0x133: {  	[tilespmem:s16+$0xC470] =	vst v0;
	v0 =	vadd.f32 v5, v4;
	v4 =	vld [tilespmem:s16+$0x10070]  }
0x134: {  	[tilespmem:s16+$0xC000] =	vst v2;
	v2 =	vadd.f32 v7, v6;
	v5 =	vld [tilespmem:s16+$0xC400]  }
0x135: {  	v6 =	vld [tilespmem:s16+$0x10400];
	[tilespmem:s16+$0xC010] =	vst v0;
	v0 =	vadd.f32 v61, v60  }
0x136: {  	v63 =	vld [tilespmem:s16+$0x10410];
	[tilespmem:s16+$0xC020] =	vst v2;
	v2 =	vadd.f32 v11, v62  }
0x137: {  	v7 =	vld [tilespmem:s16+$0xC410];
	[tilespmem:s16+$0xC030] =	vst v0;
	v0 =	vadd.f32 v13, v12  }
0x138: {  	[tilespmem:s16+$0xC040] =	vst v2;
	v2 =	vadd.f32 v1, v14;
	v1 =	vld [tilespmem:s16+$0xC420]  }
0x139: {  	v3 =	vadd.f32 v4, v3;
	v4 =	vld [tilespmem:s16+$0x10420];
	[tilespmem:s16+$0xC050] =	vst v0  }
0x13a: {  	[tilespmem:s16+$0xC060] =	vst v2;
	v2 =	vadd.f32 v6, v5;
	v0 =	vld [tilespmem:s16+$0xC430]  }
0x13b: {  	[tilespmem:s16+$0xC070] =	vst v3;
	v3 =	vld [tilespmem:s16+$0x10430]  }
0x13c: {  	s9 =	simm.s32 $0x0;
	v5 =	vadd.f32 v63, v7;
	[tilespmem:s16+$0xC400] =	vst v2;
	v2 =	vld [tilespmem:s16+$0xC440]  }
.LBB2_9:
0x13d: {  	s9 =	sadd.s32 $0x10, s9;
	v6 =	vld [tilespmem:s16+$0x10440]  }
0x13e: {  	s8 =	sadd.s32 $0x800, s8;
	s5 =	sshll.u32 s9, $0x4;
	p0 =	slt.u32 s9, $0x3F0;
	[tilespmem:s16+$0xC410] =	vst v5;
	v1 =	vadd.f32 v4, v1;
	v4 =	vld [tilespmem:s16+$0xC450]  }
0x13f: {  	s11 =	sand.u32 $0x1800, s8;
	s12 =	sshll.u32 s9, $0x1;
	s5 =	sand.u32 $0x2000, s5;
	v5 =	vld [tilespmem:s16+$0x10450]  }
0x140: {  	s5 =	sor.u32 s11, s5;
	s11 =	sand.u32 $0x380, s12;
	[tilespmem:s16+$0xC420] =	vst v1;
	v0 =	vadd.f32 v3, v0;
	v1 =	vld [tilespmem:s16+$0xC460]  }
0x141: {  	s5 =	sor.u32 s11, s5;
	v3 =	vld [tilespmem:s16+$0x10460]  }
0x142: {  	v7 =	vld [tilespmem:s5+$0xC470];
	[tilespmem:s16+$0xC430] =	vst v0;
	v0 =	vadd.f32 v6, v2  }
0x143: {  	v2 =	vld [tilespmem:s5+$0x10470]  }
0x144: {  	v6 =	vld [tilespmem:s5+$0xC000];
	[tilespmem:s16+$0xC440] =	vst v0;
	v0 =	vadd.f32 v5, v4  }
0x145: {  	v4 =	vld [tilespmem:s5+$0x10000]  }
0x146: {  	v5 =	vld [tilespmem:s5+$0xC010];
	[tilespmem:s16+$0xC450] =	vst v0;
	v0 =	vadd.f32 v3, v1  }
0x147: {  	v1 =	vld [tilespmem:s5+$0x10010]  }
0x148: {  	v3 =	vld [tilespmem:s5+$0xC020];
	v2 =	vadd.f32 v2, v7;
	[tilespmem:s16+$0xC460] =	vst v0;
	s16 =	smov.u32 s5  }
0x149: {  	v0 =	vld [tilespmem:s16+$0x10020]  }
0x14a: {  	v4 =	vadd.f32 v4, v6;
	v6 =	vld [tilespmem:s16+$0xC030];
	[tilespmem:s16+$0xC470] =	vst v2  }
0x14b: {  	v2 =	vld [tilespmem:s16+$0x10030]  }
0x14c: {  	[tilespmem:s16+$0xC000] =	vst v4;
	v1 =	vadd.f32 v1, v5;
	v4 =	vld [tilespmem:s16+$0xC040]  }
0x14d: {  	v5 =	vld [tilespmem:s16+$0x10040]  }
0x14e: {  	[tilespmem:s16+$0xC010] =	vst v1;
	v0 =	vadd.f32 v0, v3;
	v1 =	vld [tilespmem:s16+$0xC050]  }
0x14f: {  	v3 =	vld [tilespmem:s16+$0x10050]  }
0x150: {  	[tilespmem:s16+$0xC020] =	vst v0;
	v0 =	vadd.f32 v2, v6;
	v2 =	vld [tilespmem:s16+$0xC060]  }
0x151: {  	v6 =	vld [tilespmem:s16+$0x10060]  }
0x152: {  	[tilespmem:s16+$0xC030] =	vst v0;
	v0 =	vadd.f32 v5, v4;
	v4 =	vld [tilespmem:s16+$0xC070]  }
0x153: {  	v5 =	vld [tilespmem:s16+$0x10070]  }
0x154: {  	[tilespmem:s16+$0xC040] =	vst v0;
	v0 =	vadd.f32 v3, v1;
	v3 =	vld [tilespmem:s16+$0xC400]  }
0x155: {  	v7 =	vld [tilespmem:s16+$0x10400]  }
0x156: {  	[tilespmem:s16+$0xC050] =	vst v0;
	v0 =	vadd.f32 v6, v2;
	v2 =	vld [tilespmem:s16+$0xC410]  }
0x157: {  	v6 =	vld [tilespmem:s16+$0x10410]  }
.Ltmp5:
0x158: {  	[tilespmem:s16+$0xC060] =	vst v0;
	v0 =	vadd.f32 v5, v4;
	v1 =	vld [tilespmem:s16+$0xC420];
	(pc) =	sbr.rel @p0 .LBB2_9-.Ltmp5, $4  }
0x159: {  	v4 =	vld [tilespmem:s16+$0x10420]  }
0x15a: {  	[tilespmem:s16+$0xC070] =	vst v0;
	v5 =	vadd.f32 v7, v3;
	v0 =	vld [tilespmem:s16+$0xC430]  }
0x15b: {  	v3 =	vld [tilespmem:s16+$0x10430]  }
0x15c: {  	[tilespmem:s16+$0xC400] =	vst v5;
	v5 =	vadd.f32 v6, v2;
	v2 =	vld [tilespmem:s16+$0xC440]  }
0x15d: {  	v6 =	vld [tilespmem:s16+$0x10440]  }
0x15e: {  	v7 =	vld [tilespmem:s16+$0xC450]  }
0x15f: {  	v8 =	vld [tilespmem:s16+$0x10450]  }
0x160: {  	v9 =	vld [tilespmem:s16+$0xC460]  }
0x161: {  	v10 =	vld [tilespmem:s16+$0x10460]  }
0x162: {  	v1 =	vadd.f32 v4, v1  }
0x163: {  	[tilespmem:s16+$0xC410] =	vst v5;
	v0 =	vadd.f32 v3, v0  }
0x164: {  	[tilespmem:s16+$0xC420] =	vst v1;
	v1 =	vadd.f32 v6, v2  }
0x165: {  	[tilespmem:s16+$0xC430] =	vst v0;
	v0 =	vadd.f32 v8, v7  }
0x166: {  	[tilespmem:s16+$0xC440] =	vst v1;
	v1 =	vadd.f32 v10, v9  }
0x167: {  	[tilespmem:s16+$0xC450] =	vst v0  }
0x168: {  	s5 =	sadd.s32 s3, s18;
	[tilespmem:s16+$0xC460] =	vst v1  }
0x169: {  	[hbm4b:s5+s4] =	stream.linear.scatter [tilespmem:s24], [sflag:$0x8], $0x4000, $0x38;
	[tilespmem:$0x18000] =	vst v63  }
0x16a: {  	p0 =	seq.s32 s7, $0x7;
	s5 =	rddreg [dreg:$0xb]  }
0x16b: {  	s8 =	simm.s32 @!p0 $0x0;
	s9 =	simm.s32 @!p0 $0x10000;
	s5 =	sadd.s32 @!p0 s10, s5  }
0x16c: {  	[tilespmem:s9], [sflag:$0x9] =	stream.linear.gather @!p0 [hbm4b:s5+s8], $0x4000, $0x38;
	[tilespmem:$0x18000] =	vst v63  }
0x16d: {  	_ =	swait.ge [sflag:s31], $0x4000  }
0x16e: {  	[sflag:s31] =	ssyncset.done $0x0  }
0x16f: {  	[sflag:s31] =	ssyncadd.s32 $0xFFFFC000  }
0x170: {  	_ =	swait.ge [sflag:s0], $0x4000  }
0x171: {  	s18 =	simm.s32 $0x0;
	s11 =	rddreg [dreg:$0x7]  }
0x172: {  	s12 =	simm.s32 $0x0;
	[sflag:s0] =	ssyncset.done $0x0;
	s8 =	sadd.s32 s11, s10  }
0x173: {  	s16 =	sand.u32 $0x1800, s18;
	[sflag:s0] =	ssyncadd.s32 $0xFFFFC000;
	s5 =	sadd.s32 s1, s8  }
0x174: {  	[tilespmem:s22], [sflag:$0x3] =	stream.linear.gather [hbm4b:s5+s18], $0x4000, $0x38;
	[tilespmem:$0x18000] =	vst v63  }
0x175: {  	s11 =	simm.s32 $0x0;
	s5 =	sand.u32 $0x2000, s12;
	_ =	swait.ge [sflag:s23], $0x4000  }
0x176: {  	s19 =	sand.u32 $0x380, s11;
	s5 =	sor.u32 s16, s5;
	[sflag:s23] =	ssyncset.done $0x0  }
0x177: {  	s16 =	sor.u32 s19, s5;
	[sflag:s23] =	ssyncadd.s32 $0xFFFFC000  }
0x178: {  	v0 =	vld [tilespmem:s16+$0x470]  }
0x179: {  	v1 =	vld [tilespmem:s16+$0x14470]  }
0x17a: {  	v2 =	vld [tilespmem:s16+$0x0]  }
0x17b: {  	v3 =	vld [tilespmem:s16+$0x14000]  }
0x17c: {  	v4 =	vld [tilespmem:s16+$0x10]  }
0x17d: {  	v5 =	vld [tilespmem:s16+$0x14010]  }
0x17e: {  	v6 =	vld [tilespmem:s16+$0x20]  }
0x17f: {  	v7 =	vld [tilespmem:s16+$0x14020]  }
0x180: {  	v60 =	vld [tilespmem:s16+$0x30]  }
0x181: {  	v61 =	vld [tilespmem:s16+$0x14030]  }
0x182: {  	v62 =	vld [tilespmem:s16+$0x40]  }
0x183: {  	v11 =	vld [tilespmem:s16+$0x14040]  }
0x184: {  	v12 =	vld [tilespmem:s16+$0x50]  }
0x185: {  	v13 =	vld [tilespmem:s16+$0x14050]  }
0x186: {  	v14 =	vld [tilespmem:s16+$0x60]  }
0x187: {  	v0 =	vadd.f32 v1, v0;
	v1 =	vld [tilespmem:s16+$0x14060]  }
0x188: {  	v2 =	vadd.f32 v3, v2;
	v3 =	vld [tilespmem:s16+$0x70]  }
0x189: {  	[tilespmem:s16+$0x470] =	vst v0;
	v0 =	vadd.f32 v5, v4;
	v4 =	vld [tilespmem:s16+$0x14070]  }
0x18a: {  	[tilespmem:s16+$0x0] =	vst v2;
	v2 =	vadd.f32 v7, v6;
	v5 =	vld [tilespmem:s16+$0x400]  }
0x18b: {  	v6 =	vld [tilespmem:s16+$0x14400];
	[tilespmem:s16+$0x10] =	vst v0;
	v0 =	vadd.f32 v61, v60  }
0x18c: {  	v63 =	vld [tilespmem:s16+$0x14410];
	[tilespmem:s16+$0x20] =	vst v2;
	v2 =	vadd.f32 v11, v62  }
0x18d: {  	v7 =	vld [tilespmem:s16+$0x410];
	[tilespmem:s16+$0x30] =	vst v0;
	v0 =	vadd.f32 v13, v12  }
0x18e: {  	[tilespmem:s16+$0x40] =	vst v2;
	v2 =	vadd.f32 v1, v14;
	v1 =	vld [tilespmem:s16+$0x420]  }
0x18f: {  	v3 =	vadd.f32 v4, v3;
	v4 =	vld [tilespmem:s16+$0x14420];
	[tilespmem:s16+$0x50] =	vst v0  }
0x190: {  	[tilespmem:s16+$0x60] =	vst v2;
	v2 =	vadd.f32 v6, v5;
	v0 =	vld [tilespmem:s16+$0x430]  }
0x191: {  	[tilespmem:s16+$0x70] =	vst v3;
	v3 =	vld [tilespmem:s16+$0x14430]  }
0x192: {  	s9 =	simm.s32 $0x0;
	v5 =	vadd.f32 v63, v7;
	[tilespmem:s16+$0x400] =	vst v2;
	v2 =	vld [tilespmem:s16+$0x440]  }
.LBB2_11:
0x193: {  	s9 =	sadd.s32 $0x10, s9;
	v6 =	vld [tilespmem:s16+$0x14440]  }
0x194: {  	s18 =	sadd.s32 $0x800, s18;
	s5 =	sshll.u32 s9, $0x4;
	p1 =	slt.u32 s9, $0x3F0;
	[tilespmem:s16+$0x410] =	vst v5;
	v1 =	vadd.f32 v4, v1;
	v4 =	vld [tilespmem:s16+$0x450]  }
0x195: {  	s11 =	sand.u32 $0x1800, s18;
	s12 =	sshll.u32 s9, $0x1;
	s5 =	sand.u32 $0x2000, s5;
	v5 =	vld [tilespmem:s16+$0x14450]  }
0x196: {  	s5 =	sor.u32 s11, s5;
	s11 =	sand.u32 $0x380, s12;
	[tilespmem:s16+$0x420] =	vst v1;
	v0 =	vadd.f32 v3, v0;
	v1 =	vld [tilespmem:s16+$0x460]  }
0x197: {  	s5 =	sor.u32 s11, s5;
	v3 =	vld [tilespmem:s16+$0x14460]  }
0x198: {  	v7 =	vld [tilespmem:s5+$0x470];
	[tilespmem:s16+$0x430] =	vst v0;
	v0 =	vadd.f32 v6, v2  }
0x199: {  	v2 =	vld [tilespmem:s5+$0x14470]  }
0x19a: {  	v6 =	vld [tilespmem:s5+$0x0];
	[tilespmem:s16+$0x440] =	vst v0;
	v0 =	vadd.f32 v5, v4  }
0x19b: {  	v4 =	vld [tilespmem:s5+$0x14000]  }
0x19c: {  	v5 =	vld [tilespmem:s5+$0x10];
	[tilespmem:s16+$0x450] =	vst v0;
	v0 =	vadd.f32 v3, v1  }
0x19d: {  	v1 =	vld [tilespmem:s5+$0x14010]  }
0x19e: {  	v3 =	vld [tilespmem:s5+$0x20];
	v2 =	vadd.f32 v2, v7;
	[tilespmem:s16+$0x460] =	vst v0;
	s16 =	smov.u32 s5  }
0x19f: {  	v0 =	vld [tilespmem:s16+$0x14020]  }
0x1a0: {  	v4 =	vadd.f32 v4, v6;
	v6 =	vld [tilespmem:s16+$0x30];
	[tilespmem:s16+$0x470] =	vst v2  }
0x1a1: {  	v2 =	vld [tilespmem:s16+$0x14030]  }
0x1a2: {  	[tilespmem:s16+$0x0] =	vst v4;
	v1 =	vadd.f32 v1, v5;
	v4 =	vld [tilespmem:s16+$0x40]  }
0x1a3: {  	v5 =	vld [tilespmem:s16+$0x14040]  }
0x1a4: {  	[tilespmem:s16+$0x10] =	vst v1;
	v0 =	vadd.f32 v0, v3;
	v1 =	vld [tilespmem:s16+$0x50]  }
0x1a5: {  	v3 =	vld [tilespmem:s16+$0x14050]  }
0x1a6: {  	[tilespmem:s16+$0x20] =	vst v0;
	v0 =	vadd.f32 v2, v6;
	v2 =	vld [tilespmem:s16+$0x60]  }
0x1a7: {  	v6 =	vld [tilespmem:s16+$0x14060]  }
0x1a8: {  	[tilespmem:s16+$0x30] =	vst v0;
	v0 =	vadd.f32 v5, v4;
	v4 =	vld [tilespmem:s16+$0x70]  }
0x1a9: {  	v5 =	vld [tilespmem:s16+$0x14070]  }
0x1aa: {  	[tilespmem:s16+$0x40] =	vst v0;
	v0 =	vadd.f32 v3, v1;
	v3 =	vld [tilespmem:s16+$0x400]  }
0x1ab: {  	v7 =	vld [tilespmem:s16+$0x14400]  }
0x1ac: {  	[tilespmem:s16+$0x50] =	vst v0;
	v0 =	vadd.f32 v6, v2;
	v2 =	vld [tilespmem:s16+$0x410]  }
0x1ad: {  	v6 =	vld [tilespmem:s16+$0x14410]  }
.Ltmp6:
0x1ae: {  	[tilespmem:s16+$0x60] =	vst v0;
	v0 =	vadd.f32 v5, v4;
	v1 =	vld [tilespmem:s16+$0x420];
	(pc) =	sbr.rel @p1 .LBB2_11-.Ltmp6, $4  }
0x1af: {  	v4 =	vld [tilespmem:s16+$0x14420]  }
0x1b0: {  	[tilespmem:s16+$0x70] =	vst v0;
	v5 =	vadd.f32 v7, v3;
	v0 =	vld [tilespmem:s16+$0x430]  }
0x1b1: {  	v3 =	vld [tilespmem:s16+$0x14430]  }
0x1b2: {  	[tilespmem:s16+$0x400] =	vst v5;
	v5 =	vadd.f32 v6, v2;
	v2 =	vld [tilespmem:s16+$0x440]  }
0x1b3: {  	v6 =	vld [tilespmem:s16+$0x14440]  }
0x1b4: {  	v7 =	vld [tilespmem:s16+$0x450]  }
0x1b5: {  	v8 =	vld [tilespmem:s16+$0x14450]  }
0x1b6: {  	v9 =	vld [tilespmem:s16+$0x460]  }
0x1b7: {  	v10 =	vld [tilespmem:s16+$0x14460]  }
0x1b8: {  	v1 =	vadd.f32 v4, v1  }
0x1b9: {  	[tilespmem:s16+$0x410] =	vst v5;
	v0 =	vadd.f32 v3, v0  }
0x1ba: {  	[tilespmem:s16+$0x420] =	vst v1;
	v1 =	vadd.f32 v6, v2  }
0x1bb: {  	[tilespmem:s16+$0x430] =	vst v0;
	v0 =	vadd.f32 v8, v7  }
0x1bc: {  	[tilespmem:s16+$0x440] =	vst v1;
	v1 =	vadd.f32 v10, v9  }
0x1bd: {  	[tilespmem:s16+$0x450] =	vst v0  }
0x1be: {  	s5 =	sadd.s32 s3, s6;
	s18 =	simm.s32 $0x0;
	[tilespmem:s16+$0x460] =	vst v1  }
0x1bf: {  	[hbm4b:s5+s18] =	stream.linear.scatter [tilespmem:s18], [sflag:$0x5], $0x4000, $0x38;
	[tilespmem:$0x18000] =	vst v63  }
0x1c0: {  	_ =	swait.ge [sflag:s2], $0x4000  }
0x1c1: {  	s12 =	rddreg [dreg:$0x9]  }
0x1c2: {  	s11 =	simm.s32 $0x0;
	[sflag:s2] =	ssyncset.done $0x0;
	s6 =	sadd.s32 s12, s10  }
0x1c3: {  	s16 =	simm.s32 $0x0;
	[sflag:s2] =	ssyncadd.s32 $0xFFFFC000;
	s5 =	sadd.s32 s1, s6  }
0x1c4: {  	[tilespmem:s24], [sflag:$0x4] =	stream.linear.gather [hbm4b:s5+s18], $0x4000, $0x38;
	[tilespmem:$0x18000] =	vst v63  }
0x1c5: {  	s9 =	sand.u32 $0x1800, s18;
	s5 =	sand.u32 $0x2000, s16;
	_ =	swait.ge [sflag:s25], $0x4000  }
0x1c6: {  	s19 =	sand.u32 $0x380, s11;
	s5 =	sor.u32 s9, s5;
	[sflag:s25] =	ssyncset.done $0x0  }
0x1c7: {  	s16 =	sor.u32 s19, s5;
	[sflag:s25] =	ssyncadd.s32 $0xFFFFC000  }
0x1c8: {  	v0 =	vld [tilespmem:s16+$0x4470]  }
0x1c9: {  	v1 =	vld [tilespmem:s16+$0x14470]  }
0x1ca: {  	v2 =	vld [tilespmem:s16+$0x4000]  }
0x1cb: {  	v3 =	vld [tilespmem:s16+$0x14000]  }
0x1cc: {  	v4 =	vld [tilespmem:s16+$0x4010]  }
0x1cd: {  	v5 =	vld [tilespmem:s16+$0x14010]  }
0x1ce: {  	v6 =	vld [tilespmem:s16+$0x4020]  }
0x1cf: {  	v7 =	vld [tilespmem:s16+$0x14020]  }
0x1d0: {  	v60 =	vld [tilespmem:s16+$0x4030]  }
0x1d1: {  	v61 =	vld [tilespmem:s16+$0x14030]  }
0x1d2: {  	v62 =	vld [tilespmem:s16+$0x4040]  }
0x1d3: {  	v11 =	vld [tilespmem:s16+$0x14040]  }
0x1d4: {  	v12 =	vld [tilespmem:s16+$0x4050]  }
0x1d5: {  	v13 =	vld [tilespmem:s16+$0x14050]  }
0x1d6: {  	v14 =	vld [tilespmem:s16+$0x4060]  }
0x1d7: {  	v0 =	vadd.f32 v1, v0;
	v1 =	vld [tilespmem:s16+$0x14060]  }
0x1d8: {  	v2 =	vadd.f32 v3, v2;
	v3 =	vld [tilespmem:s16+$0x4070]  }
0x1d9: {  	[tilespmem:s16+$0x4470] =	vst v0;
	v0 =	vadd.f32 v5, v4;
	v4 =	vld [tilespmem:s16+$0x14070]  }
0x1da: {  	[tilespmem:s16+$0x4000] =	vst v2;
	v2 =	vadd.f32 v7, v6;
	v5 =	vld [tilespmem:s16+$0x4400]  }
0x1db: {  	v6 =	vld [tilespmem:s16+$0x14400];
	[tilespmem:s16+$0x4010] =	vst v0;
	v0 =	vadd.f32 v61, v60  }
0x1dc: {  	v63 =	vld [tilespmem:s16+$0x14410];
	[tilespmem:s16+$0x4020] =	vst v2;
	v2 =	vadd.f32 v11, v62  }
0x1dd: {  	v7 =	vld [tilespmem:s16+$0x4410];
	[tilespmem:s16+$0x4030] =	vst v0;
	v0 =	vadd.f32 v13, v12  }
0x1de: {  	[tilespmem:s16+$0x4040] =	vst v2;
	v2 =	vadd.f32 v1, v14;
	v1 =	vld [tilespmem:s16+$0x4420]  }
0x1df: {  	v3 =	vadd.f32 v4, v3;
	v4 =	vld [tilespmem:s16+$0x14420];
	[tilespmem:s16+$0x4050] =	vst v0  }
0x1e0: {  	[tilespmem:s16+$0x4060] =	vst v2;
	v2 =	vadd.f32 v6, v5;
	v0 =	vld [tilespmem:s16+$0x4430]  }
0x1e1: {  	[tilespmem:s16+$0x4070] =	vst v3;
	v3 =	vld [tilespmem:s16+$0x14430]  }
0x1e2: {  	s9 =	simm.s32 $0x0;
	v5 =	vadd.f32 v63, v7;
	[tilespmem:s16+$0x4400] =	vst v2;
	v2 =	vld [tilespmem:s16+$0x4440]  }
.LBB2_13:
0x1e3: {  	s9 =	sadd.s32 $0x10, s9;
	v6 =	vld [tilespmem:s16+$0x14440]  }
0x1e4: {  	s18 =	sadd.s32 $0x800, s18;
	s5 =	sshll.u32 s9, $0x4;
	p1 =	slt.u32 s9, $0x3F0;
	[tilespmem:s16+$0x4410] =	vst v5;
	v1 =	vadd.f32 v4, v1;
	v4 =	vld [tilespmem:s16+$0x4450]  }
0x1e5: {  	s11 =	sand.u32 $0x1800, s18;
	s12 =	sshll.u32 s9, $0x1;
	s5 =	sand.u32 $0x2000, s5;
	v5 =	vld [tilespmem:s16+$0x14450]  }
0x1e6: {  	s5 =	sor.u32 s11, s5;
	s11 =	sand.u32 $0x380, s12;
	[tilespmem:s16+$0x4420] =	vst v1;
	v0 =	vadd.f32 v3, v0;
	v1 =	vld [tilespmem:s16+$0x4460]  }
0x1e7: {  	s5 =	sor.u32 s11, s5;
	v3 =	vld [tilespmem:s16+$0x14460]  }
0x1e8: {  	v7 =	vld [tilespmem:s5+$0x4470];
	[tilespmem:s16+$0x4430] =	vst v0;
	v0 =	vadd.f32 v6, v2  }
0x1e9: {  	v2 =	vld [tilespmem:s5+$0x14470]  }
0x1ea: {  	v6 =	vld [tilespmem:s5+$0x4000];
	[tilespmem:s16+$0x4440] =	vst v0;
	v0 =	vadd.f32 v5, v4  }
0x1eb: {  	v4 =	vld [tilespmem:s5+$0x14000]  }
0x1ec: {  	v5 =	vld [tilespmem:s5+$0x4010];
	[tilespmem:s16+$0x4450] =	vst v0;
	v0 =	vadd.f32 v3, v1  }
0x1ed: {  	v1 =	vld [tilespmem:s5+$0x14010]  }
0x1ee: {  	v3 =	vld [tilespmem:s5+$0x4020];
	v2 =	vadd.f32 v2, v7;
	[tilespmem:s16+$0x4460] =	vst v0;
	s16 =	smov.u32 s5  }
0x1ef: {  	v0 =	vld [tilespmem:s16+$0x14020]  }
0x1f0: {  	v4 =	vadd.f32 v4, v6;
	v6 =	vld [tilespmem:s16+$0x4030];
	[tilespmem:s16+$0x4470] =	vst v2  }
0x1f1: {  	v2 =	vld [tilespmem:s16+$0x14030]  }
0x1f2: {  	[tilespmem:s16+$0x4000] =	vst v4;
	v1 =	vadd.f32 v1, v5;
	v4 =	vld [tilespmem:s16+$0x4040]  }
0x1f3: {  	v5 =	vld [tilespmem:s16+$0x14040]  }
0x1f4: {  	[tilespmem:s16+$0x4010] =	vst v1;
	v0 =	vadd.f32 v0, v3;
	v1 =	vld [tilespmem:s16+$0x4050]  }
0x1f5: {  	v3 =	vld [tilespmem:s16+$0x14050]  }
0x1f6: {  	[tilespmem:s16+$0x4020] =	vst v0;
	v0 =	vadd.f32 v2, v6;
	v2 =	vld [tilespmem:s16+$0x4060]  }
0x1f7: {  	v6 =	vld [tilespmem:s16+$0x14060]  }
0x1f8: {  	[tilespmem:s16+$0x4030] =	vst v0;
	v0 =	vadd.f32 v5, v4;
	v4 =	vld [tilespmem:s16+$0x4070]  }
0x1f9: {  	v5 =	vld [tilespmem:s16+$0x14070]  }
0x1fa: {  	[tilespmem:s16+$0x4040] =	vst v0;
	v0 =	vadd.f32 v3, v1;
	v3 =	vld [tilespmem:s16+$0x4400]  }
0x1fb: {  	v7 =	vld [tilespmem:s16+$0x14400]  }
0x1fc: {  	[tilespmem:s16+$0x4050] =	vst v0;
	v0 =	vadd.f32 v6, v2;
	v2 =	vld [tilespmem:s16+$0x4410]  }
0x1fd: {  	v6 =	vld [tilespmem:s16+$0x14410]  }
.Ltmp7:
0x1fe: {  	[tilespmem:s16+$0x4060] =	vst v0;
	v0 =	vadd.f32 v5, v4;
	v1 =	vld [tilespmem:s16+$0x4420];
	(pc) =	sbr.rel @p1 .LBB2_13-.Ltmp7, $4  }
0x1ff: {  	v4 =	vld [tilespmem:s16+$0x14420]  }
0x200: {  	[tilespmem:s16+$0x4070] =	vst v0;
	v5 =	vadd.f32 v7, v3;
	v0 =	vld [tilespmem:s16+$0x4430]  }
0x201: {  	v3 =	vld [tilespmem:s16+$0x14430]  }
0x202: {  	[tilespmem:s16+$0x4400] =	vst v5;
	v5 =	vadd.f32 v6, v2;
	v2 =	vld [tilespmem:s16+$0x4440]  }
0x203: {  	v6 =	vld [tilespmem:s16+$0x14440]  }
0x204: {  	v7 =	vld [tilespmem:s16+$0x4450]  }
0x205: {  	v8 =	vld [tilespmem:s16+$0x14450]  }
0x206: {  	v9 =	vld [tilespmem:s16+$0x4460]  }
0x207: {  	v10 =	vld [tilespmem:s16+$0x14460]  }
0x208: {  	v1 =	vadd.f32 v4, v1  }
0x209: {  	[tilespmem:s16+$0x4410] =	vst v5;
	v0 =	vadd.f32 v3, v0  }
0x20a: {  	[tilespmem:s16+$0x4420] =	vst v1;
	v1 =	vadd.f32 v6, v2  }
0x20b: {  	[tilespmem:s16+$0x4430] =	vst v0;
	v0 =	vadd.f32 v8, v7  }
0x20c: {  	[tilespmem:s16+$0x4440] =	vst v1;
	v1 =	vadd.f32 v10, v9  }
0x20d: {  	[tilespmem:s16+$0x4450] =	vst v0  }
0x20e: {  	s5 =	sadd.s32 s3, s17;
	[tilespmem:s16+$0x4460] =	vst v1  }
0x20f: {  	[hbm4b:s5+s4] =	stream.linear.scatter [tilespmem:s20], [sflag:$0x6], $0x4000, $0x38;
	[tilespmem:$0x18000] =	vst v63  }
0x210: {  	s9 =	simm.s32 @!p0 $0x0;
	_ =	swait.ge [sflag:s26], $0x4000  }
0x211: {  	s17 =	simm.s32 $0x0;
	s11 =	simm.s32 $0x0;
	[sflag:s26] =	ssyncset.done $0x0  }
0x212: {  	s16 =	simm.s32 $0x0;
	s5 =	sadd.s32 @!p0 s10, s14;
	[sflag:s26] =	ssyncadd.s32 $0xFFFFC000  }
0x213: {  	[tilespmem:s9], [sflag:$0x1] =	stream.linear.gather @!p0 [hbm4b:s5+s9], $0x4000, $0x38;
	[tilespmem:$0x18000] =	vst v63  }
0x214: {  	s18 =	sand.u32 $0x1800, s17;
	s5 =	sand.u32 $0x2000, s16;
	_ =	swait.ge [sflag:s28], $0x4000  }
0x215: {  	s19 =	sand.u32 $0x380, s11;
	s5 =	sor.u32 s18, s5;
	[sflag:s28] =	ssyncset.done $0x0  }
0x216: {  	s16 =	sor.u32 s19, s5;
	[sflag:s28] =	ssyncadd.s32 $0xFFFFC000  }
0x217: {  	v0 =	vld [tilespmem:s16+$0x8470]  }
0x218: {  	v1 =	vld [tilespmem:s16+$0x14470]  }
0x219: {  	v2 =	vld [tilespmem:s16+$0x8000]  }
0x21a: {  	v3 =	vld [tilespmem:s16+$0x14000]  }
0x21b: {  	v4 =	vld [tilespmem:s16+$0x8010]  }
0x21c: {  	v5 =	vld [tilespmem:s16+$0x14010]  }
0x21d: {  	v6 =	vld [tilespmem:s16+$0x8020]  }
0x21e: {  	v7 =	vld [tilespmem:s16+$0x14020]  }
0x21f: {  	v60 =	vld [tilespmem:s16+$0x8030]  }
0x220: {  	v61 =	vld [tilespmem:s16+$0x14030]  }
0x221: {  	v62 =	vld [tilespmem:s16+$0x8040]  }
0x222: {  	v11 =	vld [tilespmem:s16+$0x14040]  }
0x223: {  	v12 =	vld [tilespmem:s16+$0x8050]  }
0x224: {  	v13 =	vld [tilespmem:s16+$0x14050]  }
0x225: {  	v14 =	vld [tilespmem:s16+$0x8060]  }
0x226: {  	v0 =	vadd.f32 v1, v0;
	v1 =	vld [tilespmem:s16+$0x14060]  }
0x227: {  	v2 =	vadd.f32 v3, v2;
	v3 =	vld [tilespmem:s16+$0x8070]  }
0x228: {  	[tilespmem:s16+$0x8470] =	vst v0;
	v0 =	vadd.f32 v5, v4;
	v4 =	vld [tilespmem:s16+$0x14070]  }
0x229: {  	[tilespmem:s16+$0x8000] =	vst v2;
	v2 =	vadd.f32 v7, v6;
	v5 =	vld [tilespmem:s16+$0x8400]  }
0x22a: {  	v6 =	vld [tilespmem:s16+$0x14400];
	[tilespmem:s16+$0x8010] =	vst v0;
	v0 =	vadd.f32 v61, v60  }
0x22b: {  	v63 =	vld [tilespmem:s16+$0x14410];
	[tilespmem:s16+$0x8020] =	vst v2;
	v2 =	vadd.f32 v11, v62  }
0x22c: {  	v7 =	vld [tilespmem:s16+$0x8410];
	[tilespmem:s16+$0x8030] =	vst v0;
	v0 =	vadd.f32 v13, v12  }
0x22d: {  	[tilespmem:s16+$0x8040] =	vst v2;
	v2 =	vadd.f32 v1, v14;
	v1 =	vld [tilespmem:s16+$0x8420]  }
0x22e: {  	v3 =	vadd.f32 v4, v3;
	v4 =	vld [tilespmem:s16+$0x14420];
	[tilespmem:s16+$0x8050] =	vst v0  }
0x22f: {  	[tilespmem:s16+$0x8060] =	vst v2;
	v2 =	vadd.f32 v6, v5;
	v0 =	vld [tilespmem:s16+$0x8430]  }
0x230: {  	[tilespmem:s16+$0x8070] =	vst v3;
	v3 =	vld [tilespmem:s16+$0x14430]  }
0x231: {  	s9 =	simm.s32 $0x0;
	v5 =	vadd.f32 v63, v7;
	[tilespmem:s16+$0x8400] =	vst v2;
	v2 =	vld [tilespmem:s16+$0x8440]  }
.LBB2_15:
0x232: {  	s9 =	sadd.s32 $0x10, s9;
	v6 =	vld [tilespmem:s16+$0x14440]  }
0x233: {  	s17 =	sadd.s32 $0x800, s17;
	s5 =	sshll.u32 s9, $0x4;
	p1 =	slt.u32 s9, $0x3F0;
	[tilespmem:s16+$0x8410] =	vst v5;
	v1 =	vadd.f32 v4, v1;
	v4 =	vld [tilespmem:s16+$0x8450]  }
0x234: {  	s11 =	sand.u32 $0x1800, s17;
	s12 =	sshll.u32 s9, $0x1;
	s5 =	sand.u32 $0x2000, s5;
	v5 =	vld [tilespmem:s16+$0x14450]  }
0x235: {  	s5 =	sor.u32 s11, s5;
	s11 =	sand.u32 $0x380, s12;
	[tilespmem:s16+$0x8420] =	vst v1;
	v0 =	vadd.f32 v3, v0;
	v1 =	vld [tilespmem:s16+$0x8460]  }
0x236: {  	s5 =	sor.u32 s11, s5;
	v3 =	vld [tilespmem:s16+$0x14460]  }
0x237: {  	v7 =	vld [tilespmem:s5+$0x8470];
	[tilespmem:s16+$0x8430] =	vst v0;
	v0 =	vadd.f32 v6, v2  }
0x238: {  	v2 =	vld [tilespmem:s5+$0x14470]  }
0x239: {  	v6 =	vld [tilespmem:s5+$0x8000];
	[tilespmem:s16+$0x8440] =	vst v0;
	v0 =	vadd.f32 v5, v4  }
0x23a: {  	v4 =	vld [tilespmem:s5+$0x14000]  }
0x23b: {  	v5 =	vld [tilespmem:s5+$0x8010];
	[tilespmem:s16+$0x8450] =	vst v0;
	v0 =	vadd.f32 v3, v1  }
0x23c: {  	v1 =	vld [tilespmem:s5+$0x14010]  }
0x23d: {  	v3 =	vld [tilespmem:s5+$0x8020];
	v2 =	vadd.f32 v2, v7;
	[tilespmem:s16+$0x8460] =	vst v0;
	s16 =	smov.u32 s5  }
0x23e: {  	v0 =	vld [tilespmem:s16+$0x14020]  }
0x23f: {  	v4 =	vadd.f32 v4, v6;
	v6 =	vld [tilespmem:s16+$0x8030];
	[tilespmem:s16+$0x8470] =	vst v2  }
0x240: {  	v2 =	vld [tilespmem:s16+$0x14030]  }
0x241: {  	[tilespmem:s16+$0x8000] =	vst v4;
	v1 =	vadd.f32 v1, v5;
	v4 =	vld [tilespmem:s16+$0x8040]  }
0x242: {  	v5 =	vld [tilespmem:s16+$0x14040]  }
0x243: {  	[tilespmem:s16+$0x8010] =	vst v1;
	v0 =	vadd.f32 v0, v3;
	v1 =	vld [tilespmem:s16+$0x8050]  }
0x244: {  	v3 =	vld [tilespmem:s16+$0x14050]  }
0x245: {  	[tilespmem:s16+$0x8020] =	vst v0;
	v0 =	vadd.f32 v2, v6;
	v2 =	vld [tilespmem:s16+$0x8060]  }
0x246: {  	v6 =	vld [tilespmem:s16+$0x14060]  }
0x247: {  	[tilespmem:s16+$0x8030] =	vst v0;
	v0 =	vadd.f32 v5, v4;
	v4 =	vld [tilespmem:s16+$0x8070]  }
0x248: {  	v5 =	vld [tilespmem:s16+$0x14070]  }
0x249: {  	[tilespmem:s16+$0x8040] =	vst v0;
	v0 =	vadd.f32 v3, v1;
	v3 =	vld [tilespmem:s16+$0x8400]  }
0x24a: {  	v7 =	vld [tilespmem:s16+$0x14400]  }
0x24b: {  	[tilespmem:s16+$0x8050] =	vst v0;
	v0 =	vadd.f32 v6, v2;
	v2 =	vld [tilespmem:s16+$0x8410]  }
0x24c: {  	v6 =	vld [tilespmem:s16+$0x14410]  }
.Ltmp8:
0x24d: {  	[tilespmem:s16+$0x8060] =	vst v0;
	v0 =	vadd.f32 v5, v4;
	v1 =	vld [tilespmem:s16+$0x8420];
	(pc) =	sbr.rel @p1 .LBB2_15-.Ltmp8, $4  }
0x24e: {  	v4 =	vld [tilespmem:s16+$0x14420]  }
0x24f: {  	[tilespmem:s16+$0x8070] =	vst v0;
	v5 =	vadd.f32 v7, v3;
	v0 =	vld [tilespmem:s16+$0x8430]  }
0x250: {  	v3 =	vld [tilespmem:s16+$0x14430]  }
0x251: {  	[tilespmem:s16+$0x8400] =	vst v5;
	v5 =	vadd.f32 v6, v2;
	v2 =	vld [tilespmem:s16+$0x8440]  }
0x252: {  	v6 =	vld [tilespmem:s16+$0x14440]  }
0x253: {  	v7 =	vld [tilespmem:s16+$0x8450]  }
0x254: {  	v8 =	vld [tilespmem:s16+$0x14450]  }
0x255: {  	v9 =	vld [tilespmem:s16+$0x8460]  }
0x256: {  	v10 =	vld [tilespmem:s16+$0x14460]  }
0x257: {  	v1 =	vadd.f32 v4, v1  }
0x258: {  	[tilespmem:s16+$0x8410] =	vst v5;
	v0 =	vadd.f32 v3, v0  }
0x259: {  	[tilespmem:s16+$0x8420] =	vst v1;
	v1 =	vadd.f32 v6, v2  }
0x25a: {  	[tilespmem:s16+$0x8430] =	vst v0;
	v0 =	vadd.f32 v8, v7  }
0x25b: {  	[tilespmem:s16+$0x8440] =	vst v1;
	v1 =	vadd.f32 v10, v9  }
0x25c: {  	[tilespmem:s16+$0x8450] =	vst v0  }
0x25d: {  	s5 =	sadd.s32 s3, s8;
	[tilespmem:s16+$0x8460] =	vst v1  }
0x25e: {  	[hbm4b:s5+s4] =	stream.linear.scatter [tilespmem:s22], [sflag:$0x7], $0x4000, $0x38;
	[tilespmem:$0x18000] =	vst v63  }
0x25f: {  	s8 =	simm.s32 @!p0 $0x0;
	s9 =	simm.s32 @!p0 $0x4000;
	_ =	swait.ge [sflag:s29], $0x4000  }
0x260: {  	s12 =	simm.s32 $0x0;
	s18 =	simm.s32 $0x0;
	[sflag:s29] =	ssyncset.done $0x0  }
0x261: {  	s16 =	simm.s32 $0x0;
	s5 =	sadd.s32 @!p0 s10, s15;
	[sflag:s29] =	ssyncadd.s32 $0xFFFFC000  }
0x262: {  	[tilespmem:s9], [sflag:$0x2] =	stream.linear.gather @!p0 [hbm4b:s5+s8], $0x4000, $0x38;
	[tilespmem:$0x18000] =	vst v63  }
0x263: {  	s17 =	sand.u32 $0x1800, s16;
	s5 =	sand.u32 $0x2000, s12;
	_ =	swait.ge [sflag:s30], $0x4000  }
0x264: {  	s19 =	sand.u32 $0x380, s18;
	s5 =	sor.u32 s17, s5;
	[sflag:s30] =	ssyncset.done $0x0  }
0x265: {  	s8 =	sor.u32 s19, s5;
	[sflag:s30] =	ssyncadd.s32 $0xFFFFC000  }
0x266: {  	v0 =	vld [tilespmem:s8+$0xC470]  }
0x267: {  	v1 =	vld [tilespmem:s8+$0x14470]  }
0x268: {  	v2 =	vld [tilespmem:s8+$0xC000]  }
0x269: {  	v3 =	vld [tilespmem:s8+$0x14000]  }
0x26a: {  	v4 =	vld [tilespmem:s8+$0xC010]  }
0x26b: {  	v5 =	vld [tilespmem:s8+$0x14010]  }
0x26c: {  	v6 =	vld [tilespmem:s8+$0xC020]  }
0x26d: {  	v7 =	vld [tilespmem:s8+$0x14020]  }
0x26e: {  	v60 =	vld [tilespmem:s8+$0xC030]  }
0x26f: {  	v61 =	vld [tilespmem:s8+$0x14030]  }
0x270: {  	v62 =	vld [tilespmem:s8+$0xC040]  }
0x271: {  	v11 =	vld [tilespmem:s8+$0x14040]  }
0x272: {  	v12 =	vld [tilespmem:s8+$0xC050]  }
0x273: {  	v13 =	vld [tilespmem:s8+$0x14050]  }
0x274: {  	v14 =	vld [tilespmem:s8+$0xC060]  }
0x275: {  	v0 =	vadd.f32 v1, v0;
	v1 =	vld [tilespmem:s8+$0x14060]  }
0x276: {  	v2 =	vadd.f32 v3, v2;
	v3 =	vld [tilespmem:s8+$0xC070]  }
0x277: {  	[tilespmem:s8+$0xC470] =	vst v0;
	v0 =	vadd.f32 v5, v4;
	v4 =	vld [tilespmem:s8+$0x14070]  }
0x278: {  	[tilespmem:s8+$0xC000] =	vst v2;
	v2 =	vadd.f32 v7, v6;
	v5 =	vld [tilespmem:s8+$0xC400]  }
0x279: {  	v6 =	vld [tilespmem:s8+$0x14400];
	[tilespmem:s8+$0xC010] =	vst v0;
	v0 =	vadd.f32 v61, v60  }
0x27a: {  	v63 =	vld [tilespmem:s8+$0x14410];
	[tilespmem:s8+$0xC020] =	vst v2;
	v2 =	vadd.f32 v11, v62  }
0x27b: {  	v7 =	vld [tilespmem:s8+$0xC410];
	[tilespmem:s8+$0xC030] =	vst v0;
	v0 =	vadd.f32 v13, v12  }
0x27c: {  	[tilespmem:s8+$0xC040] =	vst v2;
	v2 =	vadd.f32 v1, v14;
	v1 =	vld [tilespmem:s8+$0xC420]  }
0x27d: {  	v3 =	vadd.f32 v4, v3;
	v4 =	vld [tilespmem:s8+$0x14420];
	[tilespmem:s8+$0xC050] =	vst v0  }
0x27e: {  	[tilespmem:s8+$0xC060] =	vst v2;
	v2 =	vadd.f32 v6, v5;
	v0 =	vld [tilespmem:s8+$0xC430]  }
0x27f: {  	[tilespmem:s8+$0xC070] =	vst v3;
	v3 =	vld [tilespmem:s8+$0x14430]  }
0x280: {  	s9 =	simm.s32 $0x0;
	v5 =	vadd.f32 v63, v7;
	[tilespmem:s8+$0xC400] =	vst v2;
	v2 =	vld [tilespmem:s8+$0xC440]  }
.LBB2_17:
0x281: {  	s9 =	sadd.s32 $0x10, s9;
	v6 =	vld [tilespmem:s8+$0x14440]  }
0x282: {  	s16 =	sadd.s32 $0x800, s16;
	s5 =	sshll.u32 s9, $0x4;
	p1 =	slt.u32 s9, $0x3F0;
	[tilespmem:s8+$0xC410] =	vst v5;
	v1 =	vadd.f32 v4, v1;
	v4 =	vld [tilespmem:s8+$0xC450]  }
0x283: {  	s11 =	sand.u32 $0x1800, s16;
	s12 =	sshll.u32 s9, $0x1;
	s5 =	sand.u32 $0x2000, s5;
	v5 =	vld [tilespmem:s8+$0x14450]  }
0x284: {  	s5 =	sor.u32 s11, s5;
	s11 =	sand.u32 $0x380, s12;
	[tilespmem:s8+$0xC420] =	vst v1;
	v0 =	vadd.f32 v3, v0;
	v1 =	vld [tilespmem:s8+$0xC460]  }
0x285: {  	s5 =	sor.u32 s11, s5;
	v3 =	vld [tilespmem:s8+$0x14460]  }
0x286: {  	v7 =	vld [tilespmem:s5+$0xC470];
	[tilespmem:s8+$0xC430] =	vst v0;
	v0 =	vadd.f32 v6, v2  }
0x287: {  	v2 =	vld [tilespmem:s5+$0x14470]  }
0x288: {  	v6 =	vld [tilespmem:s5+$0xC000];
	[tilespmem:s8+$0xC440] =	vst v0;
	v0 =	vadd.f32 v5, v4  }
0x289: {  	v4 =	vld [tilespmem:s5+$0x14000]  }
0x28a: {  	v5 =	vld [tilespmem:s5+$0xC010];
	[tilespmem:s8+$0xC450] =	vst v0;
	v0 =	vadd.f32 v3, v1  }
0x28b: {  	v1 =	vld [tilespmem:s5+$0x14010]  }
0x28c: {  	v3 =	vld [tilespmem:s5+$0xC020];
	v2 =	vadd.f32 v2, v7;
	[tilespmem:s8+$0xC460] =	vst v0;
	s8 =	smov.u32 s5  }
0x28d: {  	v0 =	vld [tilespmem:s8+$0x14020]  }
0x28e: {  	v4 =	vadd.f32 v4, v6;
	v6 =	vld [tilespmem:s8+$0xC030];
	[tilespmem:s8+$0xC470] =	vst v2  }
0x28f: {  	v2 =	vld [tilespmem:s8+$0x14030]  }
0x290: {  	[tilespmem:s8+$0xC000] =	vst v4;
	v1 =	vadd.f32 v1, v5;
	v4 =	vld [tilespmem:s8+$0xC040]  }
0x291: {  	v5 =	vld [tilespmem:s8+$0x14040]  }
0x292: {  	[tilespmem:s8+$0xC010] =	vst v1;
	v0 =	vadd.f32 v0, v3;
	v1 =	vld [tilespmem:s8+$0xC050]  }
0x293: {  	v3 =	vld [tilespmem:s8+$0x14050]  }
0x294: {  	[tilespmem:s8+$0xC020] =	vst v0;
	v0 =	vadd.f32 v2, v6;
	v2 =	vld [tilespmem:s8+$0xC060]  }
0x295: {  	v6 =	vld [tilespmem:s8+$0x14060]  }
0x296: {  	[tilespmem:s8+$0xC030] =	vst v0;
	v0 =	vadd.f32 v5, v4;
	v4 =	vld [tilespmem:s8+$0xC070]  }
0x297: {  	v5 =	vld [tilespmem:s8+$0x14070]  }
0x298: {  	[tilespmem:s8+$0xC040] =	vst v0;
	v0 =	vadd.f32 v3, v1;
	v3 =	vld [tilespmem:s8+$0xC400]  }
0x299: {  	v7 =	vld [tilespmem:s8+$0x14400]  }
0x29a: {  	[tilespmem:s8+$0xC050] =	vst v0;
	v0 =	vadd.f32 v6, v2;
	v2 =	vld [tilespmem:s8+$0xC410]  }
0x29b: {  	v6 =	vld [tilespmem:s8+$0x14410]  }
.Ltmp9:
0x29c: {  	[tilespmem:s8+$0xC060] =	vst v0;
	v0 =	vadd.f32 v5, v4;
	v1 =	vld [tilespmem:s8+$0xC420];
	(pc) =	sbr.rel @p1 .LBB2_17-.Ltmp9, $4  }
0x29d: {  	v4 =	vld [tilespmem:s8+$0x14420]  }
0x29e: {  	[tilespmem:s8+$0xC070] =	vst v0;
	v5 =	vadd.f32 v7, v3;
	v0 =	vld [tilespmem:s8+$0xC430]  }
0x29f: {  	v3 =	vld [tilespmem:s8+$0x14430]  }
0x2a0: {  	[tilespmem:s8+$0xC400] =	vst v5;
	v5 =	vadd.f32 v6, v2;
	v2 =	vld [tilespmem:s8+$0xC440]  }
0x2a1: {  	v6 =	vld [tilespmem:s8+$0x14440]  }
0x2a2: {  	v7 =	vld [tilespmem:s8+$0xC450]  }
0x2a3: {  	v8 =	vld [tilespmem:s8+$0x14450]  }
0x2a4: {  	v9 =	vld [tilespmem:s8+$0xC460]  }
0x2a5: {  	v10 =	vld [tilespmem:s8+$0x14460]  }
0x2a6: {  	v1 =	vadd.f32 v4, v1  }
0x2a7: {  	[tilespmem:s8+$0xC410] =	vst v5;
	v0 =	vadd.f32 v3, v0  }
0x2a8: {  	[tilespmem:s8+$0xC420] =	vst v1;
	v61 =	vadd.f32 v6, v2  }
.Ltmp10:
0x2a9: {  	[tilespmem:s8+$0xC430] =	vst v0;
	v62 =	vadd.f32 v8, v7;
	(pc) =	sbr.rel @p0 .LBB2_20-.Ltmp10, $4  }
0x2aa: {  	v63 =	vadd.f32 v10, v9;
	[tilespmem:s8+$0xC440] =	vst v61  }
0x2ab: {  	[tilespmem:s8+$0xC450] =	vst v62  }
0x2ac: {  	s5 =	sadd.s32 s3, s6;
	[tilespmem:s8+$0xC460] =	vst v63  }
0x2ad: {  	[hbm4b:s5+s4] =	stream.linear.scatter [tilespmem:s24], [sflag:$0x8], $0x4000, $0x38;
	[tilespmem:$0x18000] =	vst v63  }
.Ltmp11:
0x2ae: {  	(pc) =	sbr.rel .LBB2_2-.Ltmp11, $4  }
0x2af: {  	_ = 	snop  }
0x2b0: {  	s5 =	rddreg [dreg:$0xc]  }
0x2b1: {  	s6 =	simm.s32 $0x14000;
	s7 =	sadd.s32 $0x1, s7;
	s5 =	sadd.s32 s10, s5  }
0x2b2: {  	[tilespmem:s6], [sflag:$0xA] =	stream.linear.gather [hbm4b:s5+s4], $0x4000, $0x38;
	[tilespmem:$0x18000] =	vst v63  }
.LBB2_21:
0x2b3: {  	_ =	sfence.sel $0x180000  }
0x2b4: {  	[bflag:$0x0] =	sbarrier.arrive $0xFFFF  }
0x2b5: {  	_ =	strace $0x90000047  }
0x2b6: {  	s0 =	stileid.u32;
	[bflag:$0x2] =	sbarrier.arrive $0xFFFF  }
0x2b7: {  	p0 =	sne.s32 s0, $0x0;
	s0 =	rddreg [dreg:$0x3]  }
0x2b8: {  	s0 =	sadd.s32 @!p0 $0x100000, s0  }
0x2b9: {  	[sflag:s0] =	ssyncadd.tile.s32 @!p0 $0x1;
	_ =	shalt  }
.Lfunc_end2:
_tile_overlayer_lowered:
.L_overlay_start_2:
0x2ba: {  	(tag) =	ssettag $0x2  }
0x2bb: {  	s0 =	rddreg [dreg:$0x0];
	s2 =	stileid.u32  }
0x2bc: {  	s1 =	rddreg [dreg:$0x1];
	p0 =	sne.s32 s2, $0x0  }
0x2bd: {  	s3 =	rddreg [dreg:$0x2];
	[bflag:$0x3] =	sbarrier.arrive $0xFFFF;
	s2 =	simm.s32 @!p0 $0x1C0B  }
0x2be: {  	[timem:s3], [sflag:s2] =	dma.local @!p0 [hbm:s0], s1  }
0x2bf: {  	s0 =	simm.s32 @!p0 $0xB  }
0x2c0: {  	_ =	swait.ge @!p0 [sflag:s0], s1  }
0x2c1: {  	s1 =	ssub.s32 @!p0 $0x0, s1;
	[sflag:s0] =	ssyncset.done @!p0 $0x0  }
0x2c2: {  	[sflag:s0] =	ssyncadd.s32 @!p0 s1  }
0x2c3: {  	[bflag:$0x3] =	sbarrier.arrive $0xFFFF  }
0x2c4: {  	_ =	shalt  }

</sc_bundles>
